<compile_context>
chip_gen: v7x
topology: tpu7x:2x2x1
jax: 0.10.2.dev20260603
libtpu: 0.0.44.dev20260713+nightly
codegen_flags: <defaults>
</compile_context>

<pallas_src>
import functools

import jax
import jax.numpy as jnp
from jax import lax
from jax.experimental import pallas as pl
from jax.experimental.pallas import tpu as pltpu
from jax.experimental.pallas import tpu_sc as plsc

N = 10000
D = 128
E = 320000
E_TOT = E + N
NC = 2
NS = 16
NW = NC * NS
L = 16
BATCH = 128
NBATCH = 81
EPT = NBATCH * BATCH
E_PAD = NW * EPT
N_PAD = 10240
RPT = N_PAD // NS
BLK = 640
NBLK = N_PAD // BLK

_f32 = jnp.float32
_i32 = jnp.int32



def _dense_in_body(x_ref, w_ref, ats_ref, atd_ref, h_ref, a2_ref):
    h = jnp.dot(x_ref[...], w_ref[...], preferred_element_type=_f32)
    h_ref[...] = h
    a2_ref[...] = jnp.concatenate(
        [jnp.sum(h * ats_ref[...], axis=1, keepdims=True),
         jnp.sum(h * atd_ref[...], axis=1, keepdims=True)], axis=1)


def _dense_mid_body(acc_ref, den_ref, b_ref, w_ref, ats_ref, atd_ref,
                    h_ref, a2_ref):
    s = acc_ref[0] + acc_ref[1]
    dn = den_ref[0] + den_ref[1] + 1e-16
    y = s / dn + b_ref[...]
    y = jnp.where(y > 0, y, jnp.exp(y) - 1.0)
    h = jnp.dot(y, w_ref[...], preferred_element_type=_f32)
    h_ref[...] = h
    a2_ref[...] = jnp.concatenate(
        [jnp.sum(h * ats_ref[...], axis=1, keepdims=True),
         jnp.sum(h * atd_ref[...], axis=1, keepdims=True)], axis=1)


def _dense_out_body(acc_ref, den_ref, b_ref, o_ref):
    s = acc_ref[0] + acc_ref[1]
    dn = den_ref[0] + den_ref[1] + 1e-16
    y = s / dn + b_ref[...]
    o_ref[...] = jnp.where(y > 0, y, jnp.exp(y) - 1.0)


def _dense_in(x, w, ats, atd):
    return pl.pallas_call(
        _dense_in_body,
        grid=(NBLK,),
        in_specs=[
            pl.BlockSpec((BLK, D), lambda i: (i, 0)),
            pl.BlockSpec((D, D), lambda i: (0, 0)),
            pl.BlockSpec((1, D), lambda i: (0, 0)),
            pl.BlockSpec((1, D), lambda i: (0, 0)),
        ],
        out_specs=[
            pl.BlockSpec((BLK, D), lambda i: (i, 0)),
            pl.BlockSpec((BLK, 2), lambda i: (i, 0)),
        ],
        out_shape=[
            jax.ShapeDtypeStruct((N_PAD, D), _f32),
            jax.ShapeDtypeStruct((N_PAD, 2), _f32),
        ],
    )(x, w, ats, atd)


def _dense_mid(acc, den, b, w, ats, atd):
    return pl.pallas_call(
        _dense_mid_body,
        grid=(NBLK,),
        in_specs=[
            pl.BlockSpec((2, BLK, D), lambda i: (0, i, 0)),
            pl.BlockSpec((2, BLK, 1), lambda i: (0, i, 0)),
            pl.BlockSpec((1, D), lambda i: (0, 0)),
            pl.BlockSpec((D, D), lambda i: (0, 0)),
            pl.BlockSpec((1, D), lambda i: (0, 0)),
            pl.BlockSpec((1, D), lambda i: (0, 0)),
        ],
        out_specs=[
            pl.BlockSpec((BLK, D), lambda i: (i, 0)),
            pl.BlockSpec((BLK, 2), lambda i: (i, 0)),
        ],
        out_shape=[
            jax.ShapeDtypeStruct((N_PAD, D), _f32),
            jax.ShapeDtypeStruct((N_PAD, 2), _f32),
        ],
    )(acc, den, b, w, ats, atd)


def _dense_out(acc, den, b):
    return pl.pallas_call(
        _dense_out_body,
        grid=(NBLK,),
        in_specs=[
            pl.BlockSpec((2, BLK, D), lambda i: (0, i, 0)),
            pl.BlockSpec((2, BLK, 1), lambda i: (0, i, 0)),
            pl.BlockSpec((1, D), lambda i: (0, 0)),
        ],
        out_specs=pl.BlockSpec((BLK, D), lambda i: (i, 0)),
        out_shape=jax.ShapeDtypeStruct((N_PAD, D), _f32),
    )(acc, den, b)



def _sc_edge_body(h_hbm, a2_hbm, src_hbm, dst_hbm, acc_out, den_out,
                  src_bv, dst_bv, a2_v, w_v, rows_v, zden_v, acc_sh, den_sh):
    cid = lax.axis_index("c")
    sid = lax.axis_index("s")
    wid = cid * NS + sid
    iota16 = jnp.arange(L, dtype=_i32)
    zeros16f = jnp.zeros((L,), _f32)

    pltpu.sync_copy(a2_hbm, a2_v)

    def _zrow(r, _):
        for k in range(D // L):
            rows_v[r, pl.ds(k * L, L)] = zeros16f
        return 0
    lax.fori_loop(0, BATCH, _zrow, 0)

    def _zden(r, _):
        zden_v[pl.ds(r * L, L)] = zeros16f
        return 0
    lax.fori_loop(0, RPT // L, _zden, 0)

    for i in range(RPT // BATCH):
        pltpu.sync_copy(rows_v, acc_sh.at[pl.ds(sid * RPT + i * BATCH, BATCH)])
    pltpu.sync_copy(zden_v, den_sh.at[pl.ds(sid * RPT, RPT)])

    plsc.subcore_barrier()

    def _batch(j, _):
        pltpu.sync_copy(src_hbm.at[wid, j], src_bv)
        pltpu.sync_copy(dst_hbm.at[wid, j], dst_bv)

        for k in range(BATCH // L):
            s16 = src_bv[pl.ds(k * L, L)]
            d16 = dst_bv[pl.ds(k * L, L)]
            a_s = plsc.load_gather(a2_v, [s16 * 2])
            a_d = plsc.load_gather(a2_v, [d16 * 2 + 1])
            al = a_s + a_d
            al = jnp.where(al > 0, al, 0.2 * al)
            w = jnp.exp(al)
            gid = wid * EPT + j * BATCH + k * L + iota16
            w = jnp.where(gid < E_TOT, w, 0.0)
            w_v[pl.ds(k * L, L)] = w

        pltpu.sync_copy(w_v, den_sh.at[dst_bv], add=True)

        pltpu.sync_copy(h_hbm.at[src_bv], rows_v)

        def _scale(e, _):
            we = plsc.load_gather(w_v, [jnp.full((L,), e, _i32)])
            for k in range(D // L):
                rows_v[e, pl.ds(k * L, L)] = rows_v[e, pl.ds(k * L, L)] * we
            return 0
        lax.fori_loop(0, BATCH, _scale, 0)

        pltpu.sync_copy(rows_v, acc_sh.at[dst_bv], add=True)
        return 0

    lax.fori_loop(0, NBATCH, _batch, 0)

    plsc.subcore_barrier()
    pltpu.sync_copy(acc_sh.at[pl.ds(sid * RPT, RPT)],
                    acc_out.at[cid, pl.ds(sid * RPT, RPT)])
    pltpu.sync_copy(den_sh.at[pl.ds(sid * RPT, RPT)],
                    den_out.at[cid, pl.ds(sid * RPT, RPT)])


def _sc_edge(h, a2, srcp, dstp):
    mesh = plsc.VectorSubcoreMesh(core_axis_name="c", subcore_axis_name="s",
                                  num_cores=NC)
    kern = functools.partial(
        pl.kernel,
        mesh=mesh,
        compiler_params=pltpu.CompilerParams(needs_layout_passes=False),
        out_type=[
            jax.ShapeDtypeStruct((NC, N_PAD, D), _f32),
            jax.ShapeDtypeStruct((NC, N_PAD), _f32),
        ],
        scratch_types=[
            pltpu.VMEM((BATCH,), _i32),
            pltpu.VMEM((BATCH,), _i32),
            pltpu.VMEM((N_PAD * 2,), _f32),
            pltpu.VMEM((BATCH,), _f32),
            pltpu.VMEM((BATCH, D), _f32),
            pltpu.VMEM((RPT,), _f32),
            pltpu.VMEM_SHARED((N_PAD, D), _f32),
            pltpu.VMEM_SHARED((N_PAD,), _f32),
        ],
    )(_sc_edge_body)
    return kern(h, a2, srcp, dstp)


def kernel(x_dyn, edge_index, W1, att_src1, att_dst1, b1,
           W2, att_src2, att_dst2, b2):
    loop = jnp.arange(N, dtype=edge_index.dtype)
    pad = jnp.zeros((E_PAD - E_TOT,), edge_index.dtype)
    srcp = jnp.concatenate([edge_index[0], loop, pad]).astype(_i32)
    dstp = jnp.concatenate([edge_index[1], loop, pad]).astype(_i32)
    srcp = srcp.reshape(NW, NBATCH, BATCH)
    dstp = dstp.reshape(NW, NBATCH, BATCH)

    x = jnp.pad(x_dyn, ((0, N_PAD - N), (0, 0)))
    ats1 = att_src1.reshape(1, D)
    atd1 = att_dst1.reshape(1, D)
    ats2 = att_src2.reshape(1, D)
    atd2 = att_dst2.reshape(1, D)
    b1r = b1.reshape(1, D)
    b2r = b2.reshape(1, D)

    h1, a21 = _dense_in(x, W1, ats1, atd1)
    acc1, den1 = _sc_edge(h1, a21.reshape(N_PAD * 2), srcp, dstp)
    h2, a22 = _dense_mid(acc1, den1.reshape(NC, N_PAD, 1), b1r, W2, ats2, atd2)
    acc2, den2 = _sc_edge(h2, a22.reshape(N_PAD * 2), srcp, dstp)
    out = _dense_out(acc2, den2.reshape(NC, N_PAD, 1), b2r)
    return out[:N]

# --- scband reference (transcript-rebuilt; emitter-appended) ---
"""Pipeline reference for scband-dynamic-gatencoder-2035814499128 (READ-ONLY COPY).

The authoritative reference and input builder live on the scoring server;
editing this copy changes nothing except your own understanding.
"""

import jax, jax.numpy as jnp
import numpy as np

N = 10000
E = 320000
D_IN = 128
HID = 128
HEADS = 1


def setup_inputs(seed: int = 0):
    key = jax.random.key(seed)
    ks = jax.random.split(key, 10)
    x_dyn = jax.random.normal(ks[0], (N, D_IN), dtype=jnp.float32)
    edge_index = jax.random.randint(ks[1], (2, E), 0, N)
    W1 = jax.random.normal(ks[2], (D_IN, HEADS * HID), dtype=jnp.float32) * (1.0 / np.sqrt(D_IN))
    att_src1 = jax.random.normal(ks[3], (1, HEADS, HID), dtype=jnp.float32) * 0.1
    att_dst1 = jax.random.normal(ks[4], (1, HEADS, HID), dtype=jnp.float32) * 0.1
    b1 = jnp.zeros((HID,), dtype=jnp.float32)
    W2 = jax.random.normal(ks[5], (HID, 1 * HID), dtype=jnp.float32) * (1.0 / np.sqrt(HID))
    att_src2 = jax.random.normal(ks[6], (1, 1, HID), dtype=jnp.float32) * 0.1
    att_dst2 = jax.random.normal(ks[7], (1, 1, HID), dtype=jnp.float32) * 0.1
    b2 = jnp.zeros((HID,), dtype=jnp.float32)
    return {"x_dyn": x_dyn, "edge_index": edge_index, "W1": W1, "att_src1": att_src1,
            "att_dst1": att_dst1, "b1": b1, "W2": W2, "att_src2": att_src2,
            "att_dst2": att_dst2, "b2": b2}


def _gat_layer(x, src, dst, W, att_src, att_dst, bias, heads, out_ch):
    # PyG GATConv (concat=False, negative_slope=0.2), dropout inactive (eval mode)
    n = x.shape[0]
    h = (x @ W).reshape(n, heads, out_ch)
    a_src = jnp.sum(h * att_src, axis=-1)  # [n, H]
    a_dst = jnp.sum(h * att_dst, axis=-1)  # [n, H]
    alpha = a_src[src] + a_dst[dst]        # [E', H] gather
    alpha = jnp.where(alpha > 0, alpha, 0.2 * alpha)  # leaky_relu
    amax = jax.lax.stop_gradient(jax.ops.segment_max(alpha, dst, num_segments=n))
    ex = jnp.exp(alpha - amax[dst])
    denom = jax.ops.segment_sum(ex, dst, num_segments=n)
    attn = ex / (denom[dst] + 1e-16)
    msg = h[src] * attn[:, :, None]        # gather messages
    out = jax.ops.segment_sum(msg, dst, num_segments=n)  # scatter-add
    return out.mean(axis=1) + bias         # concat=False -> mean over heads


def reference(x_dyn, edge_index, W1, att_src1, att_dst1, b1, W2, att_src2, att_dst2, b2):
    n = x_dyn.shape[0]
    # PyG GATConv default add_self_loops=True
    loop = jnp.arange(n, dtype=edge_index.dtype)
    src = jnp.concatenate([edge_index[0], loop])
    dst = jnp.concatenate([edge_index[1], loop])
    h = jax.nn.elu(_gat_layer(x_dyn, src, dst, W1, att_src1, att_dst1, b1, HEADS, HID))
    h = jax.nn.elu(_gat_layer(h, src, dst, W2, att_src2, att_dst2, b2, 1, HID))
    return h

if __name__ == "__main__":
    import jax
    _d = setup_inputs()
    print(jax.jit(kernel)(*tuple(_d.values())))

</pallas_src>

<mosaic_0001>
#map = affine_map<(d0, d1) -> (0, 0)>
#map1 = affine_map<(d0, d1) -> (0)>
#map2 = affine_map<(d0, d1) -> (0, 0, 0)>
module attributes {stable_mosaic.version = 14 : i64} {
  func.func @_sc_edge_body(%arg0: i32, %arg1: i32, %arg2: memref<10240x128xf32, #tpu.memory_space<hbm>>, %arg3: memref<20480xf32, #tpu.memory_space<hbm>>, %arg4: memref<32x81x128xi32, #tpu.memory_space<hbm>>, %arg5: memref<32x81x128xi32, #tpu.memory_space<hbm>>, %arg6: memref<2x10240x128xf32, #tpu.memory_space<hbm>>, %arg7: memref<2x10240xf32, #tpu.memory_space<hbm>>, %arg8: memref<128xi32, #tpu.memory_space<vmem>>, %arg9: memref<128xi32, #tpu.memory_space<vmem>>, %arg10: memref<20480xf32, #tpu.memory_space<vmem>>, %arg11: memref<128xf32, #tpu.memory_space<vmem>>, %arg12: memref<128x128xf32, #tpu.memory_space<vmem>>, %arg13: memref<640xf32, #tpu.memory_space<vmem>>, %arg14: memref<10240x128xf32, #tpu.memory_space<vmem_shared>>, %arg15: memref<10240xf32, #tpu.memory_space<vmem_shared>>) attributes {dimension_semantics = [#tpu.dimension_semantics<core_parallel>, #tpu.dimension_semantics<subcore_parallel>], iteration_bounds = array<i64: 2, 16>, scalar_prefetch = 0 : i64, scratch_operands = 8 : i64, tpu.core_type = #tpu.core_type<sc_vector_subcore>, window_params = [{transform_indices = #map}, {transform_indices = #map1}, {transform_indices = #map2}, {transform_indices = #map2}, {transform_indices = #map2}, {transform_indices = #map}]} {
    %mul3A = arith.constant 16 : i32
    %mul3A_0 = arith.muli %arg0, %mul3A : i32
    %add3A = arith.addi %mul3A_0, %arg1 : i32
    %iota3A = tpu.iota {dimensions = array<i32: 0>} : vector<16xi32>
    %broadcast_in_dim3A = arith.constant 0.000000e+00 : f32
    %broadcast_in_dim3A_1 = vector.broadcast %broadcast_in_dim3A : f32 to vector<16xf32>
    "tpu.region"() ({
      %run_scoped3A = tpu.sem_alloc : memref<!tpu.dma_semaphore, #tpu.memory_space<semaphore_mem>>
      tpu.enqueue_dma source(%arg3 : memref<20480xf32, #tpu.memory_space<hbm>>) target(%arg10 : memref<20480xf32, #tpu.memory_space<vmem>>) target_semaphore(%run_scoped3A : memref<!tpu.dma_semaphore, #tpu.memory_space<semaphore_mem>>)
      tpu.wait_dma2 semaphore(%run_scoped3A : memref<!tpu.dma_semaphore, #tpu.memory_space<semaphore_mem>>) src(%arg3 : memref<20480xf32, #tpu.memory_space<hbm>>) dst(%arg10 : memref<20480xf32, #tpu.memory_space<vmem>>)
      tpu.yield
    }) : () -> ()
    %scan3A = arith.constant 0 : i32
    %scan3A_2 = arith.constant 0 : i32
    %scan3A_3 = arith.constant 128 : i32
    %scan3A_4 = arith.addi %scan3A_2, %scan3A_3 : i32
    %scan3A_5 = arith.constant 1 : i32
    %scan3A_6 = scf.for %scan3A_53 = %scan3A_2 to %scan3A_4 step %scan3A_5 iter_args(%scan3A_54 = %scan3A) -> (i32)  : i32 {
      %swap3A = arith.index_cast %scan3A_53 : i32 to index
      %swap3A_55 = arith.constant 0 : index
      %swap3A_56 = tpu.vector_load %arg12[%swap3A, %swap3A_55] {strides = array<i32>} : memref<128x128xf32, #tpu.memory_space<vmem>>, vector<16xf32>,
      tpu.vector_store %arg12[%swap3A, %swap3A_55], %broadcast_in_dim3A_1 {strides = array<i32>} : memref<128x128xf32, #tpu.memory_space<vmem>>, vector<16xf32>,
      %swap3A_57 = arith.index_cast %scan3A_53 : i32 to index
      %swap3A_58 = arith.constant 16 : index
      %swap3A_59 = tpu.vector_load %arg12[%swap3A_57, %swap3A_58] {strides = array<i32>} : memref<128x128xf32, #tpu.memory_space<vmem>>, vector<16xf32>,
      tpu.vector_store %arg12[%swap3A_57, %swap3A_58], %broadcast_in_dim3A_1 {strides = array<i32>} : memref<128x128xf32, #tpu.memory_space<vmem>>, vector<16xf32>,
      %swap3A_60 = arith.index_cast %scan3A_53 : i32 to index
      %swap3A_61 = arith.constant 32 : index
      %swap3A_62 = tpu.vector_load %arg12[%swap3A_60, %swap3A_61] {strides = array<i32>} : memref<128x128xf32, #tpu.memory_space<vmem>>, vector<16xf32>,
      tpu.vector_store %arg12[%swap3A_60, %swap3A_61], %broadcast_in_dim3A_1 {strides = array<i32>} : memref<128x128xf32, #tpu.memory_space<vmem>>, vector<16xf32>,
      %swap3A_63 = arith.index_cast %scan3A_53 : i32 to index
      %swap3A_64 = arith.constant 48 : index
      %swap3A_65 = tpu.vector_load %arg12[%swap3A_63, %swap3A_64] {strides = array<i32>} : memref<128x128xf32, #tpu.memory_space<vmem>>, vector<16xf32>,
      tpu.vector_store %arg12[%swap3A_63, %swap3A_64], %broadcast_in_dim3A_1 {strides = array<i32>} : memref<128x128xf32, #tpu.memory_space<vmem>>, vector<16xf32>,
      %swap3A_66 = arith.index_cast %scan3A_53 : i32 to index
      %swap3A_67 = arith.constant 64 : index
      %swap3A_68 = tpu.vector_load %arg12[%swap3A_66, %swap3A_67] {strides = array<i32>} : memref<128x128xf32, #tpu.memory_space<vmem>>, vector<16xf32>,
      tpu.vector_store %arg12[%swap3A_66, %swap3A_67], %broadcast_in_dim3A_1 {strides = array<i32>} : memref<128x128xf32, #tpu.memory_space<vmem>>, vector<16xf32>,
      %swap3A_69 = arith.index_cast %scan3A_53 : i32 to index
      %swap3A_70 = arith.constant 80 : index
      %swap3A_71 = tpu.vector_load %arg12[%swap3A_69, %swap3A_70] {strides = array<i32>} : memref<128x128xf32, #tpu.memory_space<vmem>>, vector<16xf32>,
      tpu.vector_store %arg12[%swap3A_69, %swap3A_70], %broadcast_in_dim3A_1 {strides = array<i32>} : memref<128x128xf32, #tpu.memory_space<vmem>>, vector<16xf32>,
      %swap3A_72 = arith.index_cast %scan3A_53 : i32 to index
      %swap3A_73 = arith.constant 96 : index
      %swap3A_74 = tpu.vector_load %arg12[%swap3A_72, %swap3A_73] {strides = array<i32>} : memref<128x128xf32, #tpu.memory_space<vmem>>, vector<16xf32>,
      tpu.vector_store %arg12[%swap3A_72, %swap3A_73], %broadcast_in_dim3A_1 {strides = array<i32>} : memref<128x128xf32, #tpu.memory_space<vmem>>, vector<16xf32>,
      %swap3A_75 = arith.index_cast %scan3A_53 : i32 to index
      %swap3A_76 = arith.constant 112 : index
      %swap3A_77 = tpu.vector_load %arg12[%swap3A_75, %swap3A_76] {strides = array<i32>} : memref<128x128xf32, #tpu.memory_space<vmem>>, vector<16xf32>,
      tpu.vector_store %arg12[%swap3A_75, %swap3A_76], %broadcast_in_dim3A_1 {strides = array<i32>} : memref<128x128xf32, #tpu.memory_space<vmem>>, vector<16xf32>,
      %scan3A_78 = arith.constant 0 : i32
      scf.yield %scan3A_78 : i32
    }
    %scan3A_7 = arith.constant 128 : i32
    %scan3A_8 = arith.constant 0 : i32
    %scan3A_9 = arith.constant 0 : i32
    %scan3A_10 = arith.constant 40 : i32
    %scan3A_11 = arith.addi %scan3A_9, %scan3A_10 : i32
    %scan3A_12 = arith.constant 1 : i32
    %scan3A_13 = scf.for %scan3A_53 = %scan3A_9 to %scan3A_11 step %scan3A_12 iter_args(%scan3A_54 = %scan3A_8) -> (i32)  : i32 {
      %mul3A_55 = arith.constant 16 : i32
      %mul3A_56 = arith.muli %scan3A_53, %mul3A_55 : i32
      %swap3A = arith.index_cast %mul3A_56 : i32 to index
      %swap3A_57 = tpu.vector_load %arg13[%swap3A] {strides = array<i32>} : memref<640xf32, #tpu.memory_space<vmem>>, vector<16xf32>,
      tpu.vector_store %arg13[%swap3A], %broadcast_in_dim3A_1 {strides = array<i32>} : memref<640xf32, #tpu.memory_space<vmem>>, vector<16xf32>,
      %scan3A_58 = arith.constant 0 : i32
      scf.yield %scan3A_58 : i32
    }
    %scan3A_14 = arith.constant 40 : i32
    %mul3A_15 = arith.constant 640 : i32
    %mul3A_16 = arith.muli %arg1, %mul3A_15 : i32
    %add3A_17 = arith.constant 0 : i32
    %add3A_18 = arith.addi %mul3A_16, %add3A_17 : i32
    "tpu.region"() ({
      %run_scoped3A = tpu.sem_alloc : memref<!tpu.dma_semaphore, #tpu.memory_space<semaphore_mem>>
      %dma_start3A = arith.constant 0 : i32
      %dma_start3A_53 = tpu.memref_slice %arg14[%add3A_18, %dma_start3A] : memref<10240x128xf32, #tpu.memory_space<vmem_shared>> -> memref<128x128xf32, #tpu.memory_space<vmem_shared>>
      %dma_start3A_54 = arith.constant 0 : i32
      %dma_start3A_55 = tpu.memref_slice %arg14[%add3A_18, %dma_start3A_54] : memref<10240x128xf32, #tpu.memory_space<vmem_shared>> -> memref<128x128xf32, #tpu.memory_space<vmem_shared>>
      tpu.enqueue_dma source(%arg12 : memref<128x128xf32, #tpu.memory_space<vmem>>) target(%dma_start3A_55 : memref<128x128xf32, #tpu.memory_space<vmem_shared>>) target_semaphore(%run_scoped3A : memref<!tpu.dma_semaphore, #tpu.memory_space<semaphore_mem>>)
      %dma_wait3A = arith.constant 0 : i32
      %dma_wait3A_56 = tpu.memref_slice %arg14[%add3A_18, %dma_wait3A] : memref<10240x128xf32, #tpu.memory_space<vmem_shared>> -> memref<128x128xf32, #tpu.memory_space<vmem_shared>>
      %dma_wait3A_57 = arith.constant 0 : i32
      %dma_wait3A_58 = tpu.memref_slice %arg14[%add3A_18, %dma_wait3A_57] : memref<10240x128xf32, #tpu.memory_space<vmem_shared>> -> memref<128x128xf32, #tpu.memory_space<vmem_shared>>
      tpu.wait_dma2 semaphore(%run_scoped3A : memref<!tpu.dma_semaphore, #tpu.memory_space<semaphore_mem>>) src(%arg12 : memref<128x128xf32, #tpu.memory_space<vmem>>) dst(%dma_wait3A_58 : memref<128x128xf32, #tpu.memory_space<vmem_shared>>)
      tpu.yield
    }) : () -> ()
    %mul3A_19 = arith.constant 640 : i32
    %mul3A_20 = arith.muli %arg1, %mul3A_19 : i32
    %add3A_21 = arith.constant 128 : i32
    %add3A_22 = arith.addi %mul3A_20, %add3A_21 : i32
    "tpu.region"() ({
      %run_scoped3A = tpu.sem_alloc : memref<!tpu.dma_semaphore, #tpu.memory_space<semaphore_mem>>
      %dma_start3A = arith.constant 0 : i32
      %dma_start3A_53 = tpu.memref_slice %arg14[%add3A_22, %dma_start3A] : memref<10240x128xf32, #tpu.memory_space<vmem_shared>> -> memref<128x128xf32, #tpu.memory_space<vmem_shared>>
      %dma_start3A_54 = arith.constant 0 : i32
      %dma_start3A_55 = tpu.memref_slice %arg14[%add3A_22, %dma_start3A_54] : memref<10240x128xf32, #tpu.memory_space<vmem_shared>> -> memref<128x128xf32, #tpu.memory_space<vmem_shared>>
      tpu.enqueue_dma source(%arg12 : memref<128x128xf32, #tpu.memory_space<vmem>>) target(%dma_start3A_55 : memref<128x128xf32, #tpu.memory_space<vmem_shared>>) target_semaphore(%run_scoped3A : memref<!tpu.dma_semaphore, #tpu.memory_space<semaphore_mem>>)
      %dma_wait3A = arith.constant 0 : i32
      %dma_wait3A_56 = tpu.memref_slice %arg14[%add3A_22, %dma_wait3A] : memref<10240x128xf32, #tpu.memory_space<vmem_shared>> -> memref<128x128xf32, #tpu.memory_space<vmem_shared>>
      %dma_wait3A_57 = arith.constant 0 : i32
      %dma_wait3A_58 = tpu.memref_slice %arg14[%add3A_22, %dma_wait3A_57] : memref<10240x128xf32, #tpu.memory_space<vmem_shared>> -> memref<128x128xf32, #tpu.memory_space<vmem_shared>>
      tpu.wait_dma2 semaphore(%run_scoped3A : memref<!tpu.dma_semaphore, #tpu.memory_space<semaphore_mem>>) src(%arg12 : memref<128x128xf32, #tpu.memory_space<vmem>>) dst(%dma_wait3A_58 : memref<128x128xf32, #tpu.memory_space<vmem_shared>>)
      tpu.yield
    }) : () -> ()
    %mul3A_23 = arith.constant 640 : i32
    %mul3A_24 = arith.muli %arg1, %mul3A_23 : i32
    %add3A_25 = arith.constant 256 : i32
    %add3A_26 = arith.addi %mul3A_24, %add3A_25 : i32
    "tpu.region"() ({
      %run_scoped3A = tpu.sem_alloc : memref<!tpu.dma_semaphore, #tpu.memory_space<semaphore_mem>>
      %dma_start3A = arith.constant 0 : i32
      %dma_start3A_53 = tpu.memref_slice %arg14[%add3A_26, %dma_start3A] : memref<10240x128xf32, #tpu.memory_space<vmem_shared>> -> memref<128x128xf32, #tpu.memory_space<vmem_shared>>
      %dma_start3A_54 = arith.constant 0 : i32
      %dma_start3A_55 = tpu.memref_slice %arg14[%add3A_26, %dma_start3A_54] : memref<10240x128xf32, #tpu.memory_space<vmem_shared>> -> memref<128x128xf32, #tpu.memory_space<vmem_shared>>
      tpu.enqueue_dma source(%arg12 : memref<128x128xf32, #tpu.memory_space<vmem>>) target(%dma_start3A_55 : memref<128x128xf32, #tpu.memory_space<vmem_shared>>) target_semaphore(%run_scoped3A : memref<!tpu.dma_semaphore, #tpu.memory_space<semaphore_mem>>)
      %dma_wait3A = arith.constant 0 : i32
      %dma_wait3A_56 = tpu.memref_slice %arg14[%add3A_26, %dma_wait3A] : memref<10240x128xf32, #tpu.memory_space<vmem_shared>> -> memref<128x128xf32, #tpu.memory_space<vmem_shared>>
      %dma_wait3A_57 = arith.constant 0 : i32
      %dma_wait3A_58 = tpu.memref_slice %arg14[%add3A_26, %dma_wait3A_57] : memref<10240x128xf32, #tpu.memory_space<vmem_shared>> -> memref<128x128xf32, #tpu.memory_space<vmem_shared>>
      tpu.wait_dma2 semaphore(%run_scoped3A : memref<!tpu.dma_semaphore, #tpu.memory_space<semaphore_mem>>) src(%arg12 : memref<128x128xf32, #tpu.memory_space<vmem>>) dst(%dma_wait3A_58 : memref<128x128xf32, #tpu.memory_space<vmem_shared>>)
      tpu.yield
    }) : () -> ()
    %mul3A_27 = arith.constant 640 : i32
    %mul3A_28 = arith.muli %arg1, %mul3A_27 : i32
    %add3A_29 = arith.constant 384 : i32
    %add3A_30 = arith.addi %mul3A_28, %add3A_29 : i32
    "tpu.region"() ({
      %run_scoped3A = tpu.sem_alloc : memref<!tpu.dma_semaphore, #tpu.memory_space<semaphore_mem>>
      %dma_start3A = arith.constant 0 : i32
      %dma_start3A_53 = tpu.memref_slice %arg14[%add3A_30, %dma_start3A] : memref<10240x128xf32, #tpu.memory_space<vmem_shared>> -> memref<128x128xf32, #tpu.memory_space<vmem_shared>>
      %dma_start3A_54 = arith.constant 0 : i32
      %dma_start3A_55 = tpu.memref_slice %arg14[%add3A_30, %dma_start3A_54] : memref<10240x128xf32, #tpu.memory_space<vmem_shared>> -> memref<128x128xf32, #tpu.memory_space<vmem_shared>>
      tpu.enqueue_dma source(%arg12 : memref<128x128xf32, #tpu.memory_space<vmem>>) target(%dma_start3A_55 : memref<128x128xf32, #tpu.memory_space<vmem_shared>>) target_semaphore(%run_scoped3A : memref<!tpu.dma_semaphore, #tpu.memory_space<semaphore_mem>>)
      %dma_wait3A = arith.constant 0 : i32
      %dma_wait3A_56 = tpu.memref_slice %arg14[%add3A_30, %dma_wait3A] : memref<10240x128xf32, #tpu.memory_space<vmem_shared>> -> memref<128x128xf32, #tpu.memory_space<vmem_shared>>
      %dma_wait3A_57 = arith.constant 0 : i32
      %dma_wait3A_58 = tpu.memref_slice %arg14[%add3A_30, %dma_wait3A_57] : memref<10240x128xf32, #tpu.memory_space<vmem_shared>> -> memref<128x128xf32, #tpu.memory_space<vmem_shared>>
      tpu.wait_dma2 semaphore(%run_scoped3A : memref<!tpu.dma_semaphore, #tpu.memory_space<semaphore_mem>>) src(%arg12 : memref<128x128xf32, #tpu.memory_space<vmem>>) dst(%dma_wait3A_58 : memref<128x128xf32, #tpu.memory_space<vmem_shared>>)
      tpu.yield
    }) : () -> ()
    %mul3A_31 = arith.constant 640 : i32
    %mul3A_32 = arith.muli %arg1, %mul3A_31 : i32
    %add3A_33 = arith.constant 512 : i32
    %add3A_34 = arith.addi %mul3A_32, %add3A_33 : i32
    "tpu.region"() ({
      %run_scoped3A = tpu.sem_alloc : memref<!tpu.dma_semaphore, #tpu.memory_space<semaphore_mem>>
      %dma_start3A = arith.constant 0 : i32
      %dma_start3A_53 = tpu.memref_slice %arg14[%add3A_34, %dma_start3A] : memref<10240x128xf32, #tpu.memory_space<vmem_shared>> -> memref<128x128xf32, #tpu.memory_space<vmem_shared>>
      %dma_start3A_54 = arith.constant 0 : i32
      %dma_start3A_55 = tpu.memref_slice %arg14[%add3A_34, %dma_start3A_54] : memref<10240x128xf32, #tpu.memory_space<vmem_shared>> -> memref<128x128xf32, #tpu.memory_space<vmem_shared>>
      tpu.enqueue_dma source(%arg12 : memref<128x128xf32, #tpu.memory_space<vmem>>) target(%dma_start3A_55 : memref<128x128xf32, #tpu.memory_space<vmem_shared>>) target_semaphore(%run_scoped3A : memref<!tpu.dma_semaphore, #tpu.memory_space<semaphore_mem>>)
      %dma_wait3A = arith.constant 0 : i32
      %dma_wait3A_56 = tpu.memref_slice %arg14[%add3A_34, %dma_wait3A] : memref<10240x128xf32, #tpu.memory_space<vmem_shared>> -> memref<128x128xf32, #tpu.memory_space<vmem_shared>>
      %dma_wait3A_57 = arith.constant 0 : i32
      %dma_wait3A_58 = tpu.memref_slice %arg14[%add3A_34, %dma_wait3A_57] : memref<10240x128xf32, #tpu.memory_space<vmem_shared>> -> memref<128x128xf32, #tpu.memory_space<vmem_shared>>
      tpu.wait_dma2 semaphore(%run_scoped3A : memref<!tpu.dma_semaphore, #tpu.memory_space<semaphore_mem>>) src(%arg12 : memref<128x128xf32, #tpu.memory_space<vmem>>) dst(%dma_wait3A_58 : memref<128x128xf32, #tpu.memory_space<vmem_shared>>)
      tpu.yield
    }) : () -> ()
    %mul3A_35 = arith.constant 640 : i32
    %mul3A_36 = arith.muli %arg1, %mul3A_35 : i32
    "tpu.region"() ({
      %run_scoped3A = tpu.sem_alloc : memref<!tpu.dma_semaphore, #tpu.memory_space<semaphore_mem>>
      %dma_start3A = tpu.memref_slice %arg15[%mul3A_36] : memref<10240xf32, #tpu.memory_space<vmem_shared>> -> memref<640xf32, #tpu.memory_space<vmem_shared>>
      %dma_start3A_53 = tpu.memref_slice %arg15[%mul3A_36] : memref<10240xf32, #tpu.memory_space<vmem_shared>> -> memref<640xf32, #tpu.memory_space<vmem_shared>>
      tpu.enqueue_dma source(%arg13 : memref<640xf32, #tpu.memory_space<vmem>>) target(%dma_start3A_53 : memref<640xf32, #tpu.memory_space<vmem_shared>>) target_semaphore(%run_scoped3A : memref<!tpu.dma_semaphore, #tpu.memory_space<semaphore_mem>>)
      %dma_wait3A = tpu.memref_slice %arg15[%mul3A_36] : memref<10240xf32, #tpu.memory_space<vmem_shared>> -> memref<640xf32, #tpu.memory_space<vmem_shared>>
      %dma_wait3A_54 = tpu.memref_slice %arg15[%mul3A_36] : memref<10240xf32, #tpu.memory_space<vmem_shared>> -> memref<640xf32, #tpu.memory_space<vmem_shared>>
      tpu.wait_dma2 semaphore(%run_scoped3A : memref<!tpu.dma_semaphore, #tpu.memory_space<semaphore_mem>>) src(%arg13 : memref<640xf32, #tpu.memory_space<vmem>>) dst(%dma_wait3A_54 : memref<640xf32, #tpu.memory_space<vmem_shared>>)
      tpu.yield
    }) : () -> ()
    %barrier3A = arith.constant 0 : index
    tpu.barrier barrier_id(%barrier3A)
    %scan3A_37 = arith.constant 0 : i32
    %scan3A_38 = arith.constant 0 : i32
    %scan3A_39 = arith.constant 81 : i32
    %scan3A_40 = arith.addi %scan3A_38, %scan3A_39 : i32
    %scan3A_41 = arith.constant 1 : i32
    %scan3A_42 = scf.for %scan3A_53 = %scan3A_38 to %scan3A_40 step %scan3A_41 iter_args(%scan3A_54 = %scan3A_37) -> (i32)  : i32 {
      "tpu.region"() ({
        %run_scoped3A = tpu.sem_alloc : memref<!tpu.dma_semaphore, #tpu.memory_space<semaphore_mem>>
        %dma_start3A = arith.constant 0 : i32
        %dma_start3A_383 = tpu.memref_slice %arg4[%add3A, %scan3A_53, %dma_start3A] : memref<32x81x128xi32, #tpu.memory_space<hbm>> -> memref<1x1x128xi32, #tpu.memory_space<hbm>>
        %dma_start3A_384 = tpu.memref_squeeze %dma_start3A_383 : memref<1x1x128xi32, #tpu.memory_space<hbm>> -> memref<128xi32, #tpu.memory_space<hbm>>
        %dma_start3A_385 = arith.constant 0 : i32
        %dma_start3A_386 = tpu.memref_slice %arg4[%add3A, %scan3A_53, %dma_start3A_385] : memref<32x81x128xi32, #tpu.memory_space<hbm>> -> memref<1x1x128xi32, #tpu.memory_space<hbm>>
        %dma_start3A_387 = tpu.memref_squeeze %dma_start3A_386 : memref<1x1x128xi32, #tpu.memory_space<hbm>> -> memref<128xi32, #tpu.memory_space<hbm>>
        tpu.enqueue_dma source(%dma_start3A_387 : memref<128xi32, #tpu.memory_space<hbm>>) target(%arg8 : memref<128xi32, #tpu.memory_space<vmem>>) target_semaphore(%run_scoped3A : memref<!tpu.dma_semaphore, #tpu.memory_space<semaphore_mem>>)
        %dma_wait3A = arith.constant 0 : i32
        %dma_wait3A_388 = tpu.memref_slice %arg4[%add3A, %scan3A_53, %dma_wait3A] : memref<32x81x128xi32, #tpu.memory_space<hbm>> -> memref<1x1x128xi32, #tpu.memory_space<hbm>>
        %dma_wait3A_389 = tpu.memref_squeeze %dma_wait3A_388 : memref<1x1x128xi32, #tpu.memory_space<hbm>> -> memref<128xi32, #tpu.memory_space<hbm>>
        %dma_wait3A_390 = arith.constant 0 : i32
        %dma_wait3A_391 = tpu.memref_slice %arg4[%add3A, %scan3A_53, %dma_wait3A_390] : memref<32x81x128xi32, #tpu.memory_space<hbm>> -> memref<1x1x128xi32, #tpu.memory_space<hbm>>
        %dma_wait3A_392 = tpu.memref_squeeze %dma_wait3A_391 : memref<1x1x128xi32, #tpu.memory_space<hbm>> -> memref<128xi32, #tpu.memory_space<hbm>>
        tpu.wait_dma2 semaphore(%run_scoped3A : memref<!tpu.dma_semaphore, #tpu.memory_space<semaphore_mem>>) src(%dma_wait3A_392 : memref<128xi32, #tpu.memory_space<hbm>>) dst(%arg8 : memref<128xi32, #tpu.memory_space<vmem>>)
        tpu.yield
      }) : () -> ()
      "tpu.region"() ({
        %run_scoped3A = tpu.sem_alloc : memref<!tpu.dma_semaphore, #tpu.memory_space<semaphore_mem>>
        %dma_start3A = arith.constant 0 : i32
        %dma_start3A_383 = tpu.memref_slice %arg5[%add3A, %scan3A_53, %dma_start3A] : memref<32x81x128xi32, #tpu.memory_space<hbm>> -> memref<1x1x128xi32, #tpu.memory_space<hbm>>
        %dma_start3A_384 = tpu.memref_squeeze %dma_start3A_383 : memref<1x1x128xi32, #tpu.memory_space<hbm>> -> memref<128xi32, #tpu.memory_space<hbm>>
        %dma_start3A_385 = arith.constant 0 : i32
        %dma_start3A_386 = tpu.memref_slice %arg5[%add3A, %scan3A_53, %dma_start3A_385] : memref<32x81x128xi32, #tpu.memory_space<hbm>> -> memref<1x1x128xi32, #tpu.memory_space<hbm>>
        %dma_start3A_387 = tpu.memref_squeeze %dma_start3A_386 : memref<1x1x128xi32, #tpu.memory_space<hbm>> -> memref<128xi32, #tpu.memory_space<hbm>>
        tpu.enqueue_dma source(%dma_start3A_387 : memref<128xi32, #tpu.memory_space<hbm>>) target(%arg9 : memref<128xi32, #tpu.memory_space<vmem>>) target_semaphore(%run_scoped3A : memref<!tpu.dma_semaphore, #tpu.memory_space<semaphore_mem>>)
        %dma_wait3A = arith.constant 0 : i32
        %dma_wait3A_388 = tpu.memref_slice %arg5[%add3A, %scan3A_53, %dma_wait3A] : memref<32x81x128xi32, #tpu.memory_space<hbm>> -> memref<1x1x128xi32, #tpu.memory_space<hbm>>
        %dma_wait3A_389 = tpu.memref_squeeze %dma_wait3A_388 : memref<1x1x128xi32, #tpu.memory_space<hbm>> -> memref<128xi32, #tpu.memory_space<hbm>>
        %dma_wait3A_390 = arith.constant 0 : i32
        %dma_wait3A_391 = tpu.memref_slice %arg5[%add3A, %scan3A_53, %dma_wait3A_390] : memref<32x81x128xi32, #tpu.memory_space<hbm>> -> memref<1x1x128xi32, #tpu.memory_space<hbm>>
        %dma_wait3A_392 = tpu.memref_squeeze %dma_wait3A_391 : memref<1x1x128xi32, #tpu.memory_space<hbm>> -> memref<128xi32, #tpu.memory_space<hbm>>
        tpu.wait_dma2 semaphore(%run_scoped3A : memref<!tpu.dma_semaphore, #tpu.memory_space<semaphore_mem>>) src(%dma_wait3A_392 : memref<128xi32, #tpu.memory_space<hbm>>) dst(%arg9 : memref<128xi32, #tpu.memory_space<vmem>>)
        tpu.yield
      }) : () -> ()
      %get3A = arith.constant 0 : index
      %get3A_55 = tpu.vector_load %arg8[%get3A] {strides = array<i32>} : memref<128xi32, #tpu.memory_space<vmem>>, vector<16xi32>,
      %get3A_56 = arith.constant 0 : index
      %get3A_57 = tpu.vector_load %arg9[%get3A_56] {strides = array<i32>} : memref<128xi32, #tpu.memory_space<vmem>>, vector<16xi32>,
      %mul3A_58 = arith.constant 2 : i32
      %mul3A_59 = vector.broadcast %mul3A_58 : i32 to vector<16xi32>
      %mul3A_60 = arith.muli %get3A_55, %mul3A_59 : vector<16xi32>
      %gather3A = tpu.vector_load_idx %arg10[%mul3A_60] : memref<20480xf32, #tpu.memory_space<vmem>>[vector<16xi32>], vector<16xf32>,
      %mul3A_61 = arith.constant 2 : i32
      %mul3A_62 = vector.broadcast %mul3A_61 : i32 to vector<16xi32>
      %mul3A_63 = arith.muli %get3A_57, %mul3A_62 : vector<16xi32>
      %add3A_64 = arith.constant 1 : i32
      %add3A_65 = vector.broadcast %add3A_64 : i32 to vector<16xi32>
      %add3A_66 = arith.addi %mul3A_63, %add3A_65 : vector<16xi32>
      %gather3A_67 = tpu.vector_load_idx %arg10[%add3A_66] : memref<20480xf32, #tpu.memory_space<vmem>>[vector<16xi32>], vector<16xf32>,
      %add3A_68 = arith.addf %gather3A, %gather3A_67 : vector<16xf32>
      %gt3A = arith.constant 0.000000e+00 : f32
      %gt3A_69 = vector.broadcast %gt3A : f32 to vector<16xf32>
      %gt3A_70 = arith.cmpf ogt, %add3A_68, %gt3A_69 : vector<16xf32>
      %mul3A_71 = arith.constant 2.000000e-01 : f32
      %mul3A_72 = vector.broadcast %mul3A_71 : f32 to vector<16xf32>
      %mul3A_73 = arith.mulf %mul3A_72, %add3A_68 : vector<16xf32>
      %select_n3A = arith.select %gt3A_70, %add3A_68, %mul3A_73 : vector<16xi1>, vector<16xf32>
      %exp3A = math.exp %select_n3A : vector<16xf32>
      %mul3A_74 = arith.constant 10368 : i32
      %mul3A_75 = arith.muli %add3A, %mul3A_74 : i32
      %mul3A_76 = arith.constant 128 : i32
      %mul3A_77 = arith.muli %scan3A_53, %mul3A_76 : i32
      %add3A_78 = arith.addi %mul3A_75, %mul3A_77 : i32
      %add3A_79 = arith.constant 0 : i32
      %add3A_80 = arith.addi %add3A_78, %add3A_79 : i32
      %add3A_81 = vector.broadcast %add3A_80 : i32 to vector<16xi32>
      %add3A_82 = arith.addi %add3A_81, %iota3A : vector<16xi32>
      %lt3A = arith.constant 330000 : i32
      %lt3A_83 = vector.broadcast %lt3A : i32 to vector<16xi32>
      %lt3A_84 = arith.cmpi slt, %add3A_82, %lt3A_83 : vector<16xi32>
      %jit3A = arith.constant 0.000000e+00 : f32
      %broadcast_in_dim3A_85 = vector.broadcast %jit3A : f32 to vector<16xf32>
      %select_n3A_86 = arith.select %lt3A_84, %exp3A, %broadcast_in_dim3A_85 : vector<16xi1>, vector<16xf32>
      %swap3A = arith.constant 0 : index
      %swap3A_87 = tpu.vector_load %arg11[%swap3A] {strides = array<i32>} : memref<128xf32, #tpu.memory_space<vmem>>, vector<16xf32>,
      tpu.vector_store %arg11[%swap3A], %select_n3A_86 {strides = array<i32>} : memref<128xf32, #tpu.memory_space<vmem>>, vector<16xf32>,
      %get3A_88 = arith.constant 16 : index
      %get3A_89 = tpu.vector_load %arg8[%get3A_88] {strides = array<i32>} : memref<128xi32, #tpu.memory_space<vmem>>, vector<16xi32>,
      %get3A_90 = arith.constant 16 : index
      %get3A_91 = tpu.vector_load %arg9[%get3A_90] {strides = array<i32>} : memref<128xi32, #tpu.memory_space<vmem>>, vector<16xi32>,
      %mul3A_92 = arith.constant 2 : i32
      %mul3A_93 = vector.broadcast %mul3A_92 : i32 to vector<16xi32>
      %mul3A_94 = arith.muli %get3A_89, %mul3A_93 : vector<16xi32>
      %gather3A_95 = tpu.vector_load_idx %arg10[%mul3A_94] : memref<20480xf32, #tpu.memory_space<vmem>>[vector<16xi32>], vector<16xf32>,
      %mul3A_96 = arith.constant 2 : i32
      %mul3A_97 = vector.broadcast %mul3A_96 : i32 to vector<16xi32>
      %mul3A_98 = arith.muli %get3A_91, %mul3A_97 : vector<16xi32>
      %add3A_99 = arith.constant 1 : i32
      %add3A_100 = vector.broadcast %add3A_99 : i32 to vector<16xi32>
      %add3A_101 = arith.addi %mul3A_98, %add3A_100 : vector<16xi32>
      %gather3A_102 = tpu.vector_load_idx %arg10[%add3A_101] : memref<20480xf32, #tpu.memory_space<vmem>>[vector<16xi32>], vector<16xf32>,
      %add3A_103 = arith.addf %gather3A_95, %gather3A_102 : vector<16xf32>
      %gt3A_104 = arith.constant 0.000000e+00 : f32
      %gt3A_105 = vector.broadcast %gt3A_104 : f32 to vector<16xf32>
      %gt3A_106 = arith.cmpf ogt, %add3A_103, %gt3A_105 : vector<16xf32>
      %mul3A_107 = arith.constant 2.000000e-01 : f32
      %mul3A_108 = vector.broadcast %mul3A_107 : f32 to vector<16xf32>
      %mul3A_109 = arith.mulf %mul3A_108, %add3A_103 : vector<16xf32>
      %select_n3A_110 = arith.select %gt3A_106, %add3A_103, %mul3A_109 : vector<16xi1>, vector<16xf32>
      %exp3A_111 = math.exp %select_n3A_110 : vector<16xf32>
      %mul3A_112 = arith.constant 10368 : i32
      %mul3A_113 = arith.muli %add3A, %mul3A_112 : i32
      %mul3A_114 = arith.constant 128 : i32
      %mul3A_115 = arith.muli %scan3A_53, %mul3A_114 : i32
      %add3A_116 = arith.addi %mul3A_113, %mul3A_115 : i32
      %add3A_117 = arith.constant 16 : i32
      %add3A_118 = arith.addi %add3A_116, %add3A_117 : i32
      %add3A_119 = vector.broadcast %add3A_118 : i32 to vector<16xi32>
      %add3A_120 = arith.addi %add3A_119, %iota3A : vector<16xi32>
      %lt3A_121 = arith.constant 330000 : i32
      %lt3A_122 = vector.broadcast %lt3A_121 : i32 to vector<16xi32>
      %lt3A_123 = arith.cmpi slt, %add3A_120, %lt3A_122 : vector<16xi32>
      %jit3A_124 = arith.constant 0.000000e+00 : f32
      %broadcast_in_dim3A_125 = vector.broadcast %jit3A_124 : f32 to vector<16xf32>
      %select_n3A_126 = arith.select %lt3A_123, %exp3A_111, %broadcast_in_dim3A_125 : vector<16xi1>, vector<16xf32>
      %swap3A_127 = arith.constant 16 : index
      %swap3A_128 = tpu.vector_load %arg11[%swap3A_127] {strides = array<i32>} : memref<128xf32, #tpu.memory_space<vmem>>, vector<16xf32>,
      tpu.vector_store %arg11[%swap3A_127], %select_n3A_126 {strides = array<i32>} : memref<128xf32, #tpu.memory_space<vmem>>, vector<16xf32>,
      %get3A_129 = arith.constant 32 : index
      %get3A_130 = tpu.vector_load %arg8[%get3A_129] {strides = array<i32>} : memref<128xi32, #tpu.memory_space<vmem>>, vector<16xi32>,
      %get3A_131 = arith.constant 32 : index
      %get3A_132 = tpu.vector_load %arg9[%get3A_131] {strides = array<i32>} : memref<128xi32, #tpu.memory_space<vmem>>, vector<16xi32>,
      %mul3A_133 = arith.constant 2 : i32
      %mul3A_134 = vector.broadcast %mul3A_133 : i32 to vector<16xi32>
      %mul3A_135 = arith.muli %get3A_130, %mul3A_134 : vector<16xi32>
      %gather3A_136 = tpu.vector_load_idx %arg10[%mul3A_135] : memref<20480xf32, #tpu.memory_space<vmem>>[vector<16xi32>], vector<16xf32>,
      %mul3A_137 = arith.constant 2 : i32
      %mul3A_138 = vector.broadcast %mul3A_137 : i32 to vector<16xi32>
      %mul3A_139 = arith.muli %get3A_132, %mul3A_138 : vector<16xi32>
      %add3A_140 = arith.constant 1 : i32
      %add3A_141 = vector.broadcast %add3A_140 : i32 to vector<16xi32>
      %add3A_142 = arith.addi %mul3A_139, %add3A_141 : vector<16xi32>
      %gather3A_143 = tpu.vector_load_idx %arg10[%add3A_142] : memref<20480xf32, #tpu.memory_space<vmem>>[vector<16xi32>], vector<16xf32>,
      %add3A_144 = arith.addf %gather3A_136, %gather3A_143 : vector<16xf32>
      %gt3A_145 = arith.constant 0.000000e+00 : f32
      %gt3A_146 = vector.broadcast %gt3A_145 : f32 to vector<16xf32>
      %gt3A_147 = arith.cmpf ogt, %add3A_144, %gt3A_146 : vector<16xf32>
      %mul3A_148 = arith.constant 2.000000e-01 : f32
      %mul3A_149 = vector.broadcast %mul3A_148 : f32 to vector<16xf32>
      %mul3A_150 = arith.mulf %mul3A_149, %add3A_144 : vector<16xf32>
      %select_n3A_151 = arith.select %gt3A_147, %add3A_144, %mul3A_150 : vector<16xi1>, vector<16xf32>
      %exp3A_152 = math.exp %select_n3A_151 : vector<16xf32>
      %mul3A_153 = arith.constant 10368 : i32
      %mul3A_154 = arith.muli %add3A, %mul3A_153 : i32
      %mul3A_155 = arith.constant 128 : i32
      %mul3A_156 = arith.muli %scan3A_53, %mul3A_155 : i32
      %add3A_157 = arith.addi %mul3A_154, %mul3A_156 : i32
      %add3A_158 = arith.constant 32 : i32
      %add3A_159 = arith.addi %add3A_157, %add3A_158 : i32
      %add3A_160 = vector.broadcast %add3A_159 : i32 to vector<16xi32>
      %add3A_161 = arith.addi %add3A_160, %iota3A : vector<16xi32>
      %lt3A_162 = arith.constant 330000 : i32
      %lt3A_163 = vector.broadcast %lt3A_162 : i32 to vector<16xi32>
      %lt3A_164 = arith.cmpi slt, %add3A_161, %lt3A_163 : vector<16xi32>
      %jit3A_165 = arith.constant 0.000000e+00 : f32
      %broadcast_in_dim3A_166 = vector.broadcast %jit3A_165 : f32 to vector<16xf32>
      %select_n3A_167 = arith.select %lt3A_164, %exp3A_152, %broadcast_in_dim3A_166 : vector<16xi1>, vector<16xf32>
      %swap3A_168 = arith.constant 32 : index
      %swap3A_169 = tpu.vector_load %arg11[%swap3A_168] {strides = array<i32>} : memref<128xf32, #tpu.memory_space<vmem>>, vector<16xf32>,
      tpu.vector_store %arg11[%swap3A_168], %select_n3A_167 {strides = array<i32>} : memref<128xf32, #tpu.memory_space<vmem>>, vector<16xf32>,
      %get3A_170 = arith.constant 48 : index
      %get3A_171 = tpu.vector_load %arg8[%get3A_170] {strides = array<i32>} : memref<128xi32, #tpu.memory_space<vmem>>, vector<16xi32>,
      %get3A_172 = arith.constant 48 : index
      %get3A_173 = tpu.vector_load %arg9[%get3A_172] {strides = array<i32>} : memref<128xi32, #tpu.memory_space<vmem>>, vector<16xi32>,
      %mul3A_174 = arith.constant 2 : i32
      %mul3A_175 = vector.broadcast %mul3A_174 : i32 to vector<16xi32>
      %mul3A_176 = arith.muli %get3A_171, %mul3A_175 : vector<16xi32>
      %gather3A_177 = tpu.vector_load_idx %arg10[%mul3A_176] : memref<20480xf32, #tpu.memory_space<vmem>>[vector<16xi32>], vector<16xf32>,
      %mul3A_178 = arith.constant 2 : i32
      %mul3A_179 = vector.broadcast %mul3A_178 : i32 to vector<16xi32>
      %mul3A_180 = arith.muli %get3A_173, %mul3A_179 : vector<16xi32>
      %add3A_181 = arith.constant 1 : i32
      %add3A_182 = vector.broadcast %add3A_181 : i32 to vector<16xi32>
      %add3A_183 = arith.addi %mul3A_180, %add3A_182 : vector<16xi32>
      %gather3A_184 = tpu.vector_load_idx %arg10[%add3A_183] : memref<20480xf32, #tpu.memory_space<vmem>>[vector<16xi32>], vector<16xf32>,
      %add3A_185 = arith.addf %gather3A_177, %gather3A_184 : vector<16xf32>
      %gt3A_186 = arith.constant 0.000000e+00 : f32
      %gt3A_187 = vector.broadcast %gt3A_186 : f32 to vector<16xf32>
      %gt3A_188 = arith.cmpf ogt, %add3A_185, %gt3A_187 : vector<16xf32>
      %mul3A_189 = arith.constant 2.000000e-01 : f32
      %mul3A_190 = vector.broadcast %mul3A_189 : f32 to vector<16xf32>
      %mul3A_191 = arith.mulf %mul3A_190, %add3A_185 : vector<16xf32>
      %select_n3A_192 = arith.select %gt3A_188, %add3A_185, %mul3A_191 : vector<16xi1>, vector<16xf32>
      %exp3A_193 = math.exp %select_n3A_192 : vector<16xf32>
      %mul3A_194 = arith.constant 10368 : i32
      %mul3A_195 = arith.muli %add3A, %mul3A_194 : i32
      %mul3A_196 = arith.constant 128 : i32
      %mul3A_197 = arith.muli %scan3A_53, %mul3A_196 : i32
      %add3A_198 = arith.addi %mul3A_195, %mul3A_197 : i32
      %add3A_199 = arith.constant 48 : i32
      %add3A_200 = arith.addi %add3A_198, %add3A_199 : i32
      %add3A_201 = vector.broadcast %add3A_200 : i32 to vector<16xi32>
      %add3A_202 = arith.addi %add3A_201, %iota3A : vector<16xi32>
      %lt3A_203 = arith.constant 330000 : i32
      %lt3A_204 = vector.broadcast %lt3A_203 : i32 to vector<16xi32>
      %lt3A_205 = arith.cmpi slt, %add3A_202, %lt3A_204 : vector<16xi32>
      %jit3A_206 = arith.constant 0.000000e+00 : f32
      %broadcast_in_dim3A_207 = vector.broadcast %jit3A_206 : f32 to vector<16xf32>
      %select_n3A_208 = arith.select %lt3A_205, %exp3A_193, %broadcast_in_dim3A_207 : vector<16xi1>, vector<16xf32>
      %swap3A_209 = arith.constant 48 : index
      %swap3A_210 = tpu.vector_load %arg11[%swap3A_209] {strides = array<i32>} : memref<128xf32, #tpu.memory_space<vmem>>, vector<16xf32>,
      tpu.vector_store %arg11[%swap3A_209], %select_n3A_208 {strides = array<i32>} : memref<128xf32, #tpu.memory_space<vmem>>, vector<16xf32>,
      %get3A_211 = arith.constant 64 : index
      %get3A_212 = tpu.vector_load %arg8[%get3A_211] {strides = array<i32>} : memref<128xi32, #tpu.memory_space<vmem>>, vector<16xi32>,
      %get3A_213 = arith.constant 64 : index
      %get3A_214 = tpu.vector_load %arg9[%get3A_213] {strides = array<i32>} : memref<128xi32, #tpu.memory_space<vmem>>, vector<16xi32>,
      %mul3A_215 = arith.constant 2 : i32
      %mul3A_216 = vector.broadcast %mul3A_215 : i32 to vector<16xi32>
      %mul3A_217 = arith.muli %get3A_212, %mul3A_216 : vector<16xi32>
      %gather3A_218 = tpu.vector_load_idx %arg10[%mul3A_217] : memref<20480xf32, #tpu.memory_space<vmem>>[vector<16xi32>], vector<16xf32>,
      %mul3A_219 = arith.constant 2 : i32
      %mul3A_220 = vector.broadcast %mul3A_219 : i32 to vector<16xi32>
      %mul3A_221 = arith.muli %get3A_214, %mul3A_220 : vector<16xi32>
      %add3A_222 = arith.constant 1 : i32
      %add3A_223 = vector.broadcast %add3A_222 : i32 to vector<16xi32>
      %add3A_224 = arith.addi %mul3A_221, %add3A_223 : vector<16xi32>
      %gather3A_225 = tpu.vector_load_idx %arg10[%add3A_224] : memref<20480xf32, #tpu.memory_space<vmem>>[vector<16xi32>], vector<16xf32>,
      %add3A_226 = arith.addf %gather3A_218, %gather3A_225 : vector<16xf32>
      %gt3A_227 = arith.constant 0.000000e+00 : f32
      %gt3A_228 = vector.broadcast %gt3A_227 : f32 to vector<16xf32>
      %gt3A_229 = arith.cmpf ogt, %add3A_226, %gt3A_228 : vector<16xf32>
      %mul3A_230 = arith.constant 2.000000e-01 : f32
      %mul3A_231 = vector.broadcast %mul3A_230 : f32 to vector<16xf32>
      %mul3A_232 = arith.mulf %mul3A_231, %add3A_226 : vector<16xf32>
      %select_n3A_233 = arith.select %gt3A_229, %add3A_226, %mul3A_232 : vector<16xi1>, vector<16xf32>
      %exp3A_234 = math.exp %select_n3A_233 : vector<16xf32>
      %mul3A_235 = arith.constant 10368 : i32
      %mul3A_236 = arith.muli %add3A, %mul3A_235 : i32
      %mul3A_237 = arith.constant 128 : i32
      %mul3A_238 = arith.muli %scan3A_53, %mul3A_237 : i32
      %add3A_239 = arith.addi %mul3A_236, %mul3A_238 : i32
      %add3A_240 = arith.constant 64 : i32
      %add3A_241 = arith.addi %add3A_239, %add3A_240 : i32
      %add3A_242 = vector.broadcast %add3A_241 : i32 to vector<16xi32>
      %add3A_243 = arith.addi %add3A_242, %iota3A : vector<16xi32>
      %lt3A_244 = arith.constant 330000 : i32
      %lt3A_245 = vector.broadcast %lt3A_244 : i32 to vector<16xi32>
      %lt3A_246 = arith.cmpi slt, %add3A_243, %lt3A_245 : vector<16xi32>
      %jit3A_247 = arith.constant 0.000000e+00 : f32
      %broadcast_in_dim3A_248 = vector.broadcast %jit3A_247 : f32 to vector<16xf32>
      %select_n3A_249 = arith.select %lt3A_246, %exp3A_234, %broadcast_in_dim3A_248 : vector<16xi1>, vector<16xf32>
      %swap3A_250 = arith.constant 64 : index
      %swap3A_251 = tpu.vector_load %arg11[%swap3A_250] {strides = array<i32>} : memref<128xf32, #tpu.memory_space<vmem>>, vector<16xf32>,
      tpu.vector_store %arg11[%swap3A_250], %select_n3A_249 {strides = array<i32>} : memref<128xf32, #tpu.memory_space<vmem>>, vector<16xf32>,
      %get3A_252 = arith.constant 80 : index
      %get3A_253 = tpu.vector_load %arg8[%get3A_252] {strides = array<i32>} : memref<128xi32, #tpu.memory_space<vmem>>, vector<16xi32>,
      %get3A_254 = arith.constant 80 : index
      %get3A_255 = tpu.vector_load %arg9[%get3A_254] {strides = array<i32>} : memref<128xi32, #tpu.memory_space<vmem>>, vector<16xi32>,
      %mul3A_256 = arith.constant 2 : i32
      %mul3A_257 = vector.broadcast %mul3A_256 : i32 to vector<16xi32>
      %mul3A_258 = arith.muli %get3A_253, %mul3A_257 : vector<16xi32>
      %gather3A_259 = tpu.vector_load_idx %arg10[%mul3A_258] : memref<20480xf32, #tpu.memory_space<vmem>>[vector<16xi32>], vector<16xf32>,
      %mul3A_260 = arith.constant 2 : i32
      %mul3A_261 = vector.broadcast %mul3A_260 : i32 to vector<16xi32>
      %mul3A_262 = arith.muli %get3A_255, %mul3A_261 : vector<16xi32>
      %add3A_263 = arith.constant 1 : i32
      %add3A_264 = vector.broadcast %add3A_263 : i32 to vector<16xi32>
      %add3A_265 = arith.addi %mul3A_262, %add3A_264 : vector<16xi32>
      %gather3A_266 = tpu.vector_load_idx %arg10[%add3A_265] : memref<20480xf32, #tpu.memory_space<vmem>>[vector<16xi32>], vector<16xf32>,
      %add3A_267 = arith.addf %gather3A_259, %gather3A_266 : vector<16xf32>
      %gt3A_268 = arith.constant 0.000000e+00 : f32
      %gt3A_269 = vector.broadcast %gt3A_268 : f32 to vector<16xf32>
      %gt3A_270 = arith.cmpf ogt, %add3A_267, %gt3A_269 : vector<16xf32>
      %mul3A_271 = arith.constant 2.000000e-01 : f32
      %mul3A_272 = vector.broadcast %mul3A_271 : f32 to vector<16xf32>
      %mul3A_273 = arith.mulf %mul3A_272, %add3A_267 : vector<16xf32>
      %select_n3A_274 = arith.select %gt3A_270, %add3A_267, %mul3A_273 : vector<16xi1>, vector<16xf32>
      %exp3A_275 = math.exp %select_n3A_274 : vector<16xf32>
      %mul3A_276 = arith.constant 10368 : i32
      %mul3A_277 = arith.muli %add3A, %mul3A_276 : i32
      %mul3A_278 = arith.constant 128 : i32
      %mul3A_279 = arith.muli %scan3A_53, %mul3A_278 : i32
      %add3A_280 = arith.addi %mul3A_277, %mul3A_279 : i32
      %add3A_281 = arith.constant 80 : i32
      %add3A_282 = arith.addi %add3A_280, %add3A_281 : i32
      %add3A_283 = vector.broadcast %add3A_282 : i32 to vector<16xi32>
      %add3A_284 = arith.addi %add3A_283, %iota3A : vector<16xi32>
      %lt3A_285 = arith.constant 330000 : i32
      %lt3A_286 = vector.broadcast %lt3A_285 : i32 to vector<16xi32>
      %lt3A_287 = arith.cmpi slt, %add3A_284, %lt3A_286 : vector<16xi32>
      %jit3A_288 = arith.constant 0.000000e+00 : f32
      %broadcast_in_dim3A_289 = vector.broadcast %jit3A_288 : f32 to vector<16xf32>
      %select_n3A_290 = arith.select %lt3A_287, %exp3A_275, %broadcast_in_dim3A_289 : vector<16xi1>, vector<16xf32>
      %swap3A_291 = arith.constant 80 : index
      %swap3A_292 = tpu.vector_load %arg11[%swap3A_291] {strides = array<i32>} : memref<128xf32, #tpu.memory_space<vmem>>, vector<16xf32>,
      tpu.vector_store %arg11[%swap3A_291], %select_n3A_290 {strides = array<i32>} : memref<128xf32, #tpu.memory_space<vmem>>, vector<16xf32>,
      %get3A_293 = arith.constant 96 : index
      %get3A_294 = tpu.vector_load %arg8[%get3A_293] {strides = array<i32>} : memref<128xi32, #tpu.memory_space<vmem>>, vector<16xi32>,
      %get3A_295 = arith.constant 96 : index
      %get3A_296 = tpu.vector_load %arg9[%get3A_295] {strides = array<i32>} : memref<128xi32, #tpu.memory_space<vmem>>, vector<16xi32>,
      %mul3A_297 = arith.constant 2 : i32
      %mul3A_298 = vector.broadcast %mul3A_297 : i32 to vector<16xi32>
      %mul3A_299 = arith.muli %get3A_294, %mul3A_298 : vector<16xi32>
      %gather3A_300 = tpu.vector_load_idx %arg10[%mul3A_299] : memref<20480xf32, #tpu.memory_space<vmem>>[vector<16xi32>], vector<16xf32>,
      %mul3A_301 = arith.constant 2 : i32
      %mul3A_302 = vector.broadcast %mul3A_301 : i32 to vector<16xi32>
      %mul3A_303 = arith.muli %get3A_296, %mul3A_302 : vector<16xi32>
      %add3A_304 = arith.constant 1 : i32
      %add3A_305 = vector.broadcast %add3A_304 : i32 to vector<16xi32>
      %add3A_306 = arith.addi %mul3A_303, %add3A_305 : vector<16xi32>
      %gather3A_307 = tpu.vector_load_idx %arg10[%add3A_306] : memref<20480xf32, #tpu.memory_space<vmem>>[vector<16xi32>], vector<16xf32>,
      %add3A_308 = arith.addf %gather3A_300, %gather3A_307 : vector<16xf32>
      %gt3A_309 = arith.constant 0.000000e+00 : f32
      %gt3A_310 = vector.broadcast %gt3A_309 : f32 to vector<16xf32>
      %gt3A_311 = arith.cmpf ogt, %add3A_308, %gt3A_310 : vector<16xf32>
      %mul3A_312 = arith.constant 2.000000e-01 : f32
      %mul3A_313 = vector.broadcast %mul3A_312 : f32 to vector<16xf32>
      %mul3A_314 = arith.mulf %mul3A_313, %add3A_308 : vector<16xf32>
      %select_n3A_315 = arith.select %gt3A_311, %add3A_308, %mul3A_314 : vector<16xi1>, vector<16xf32>
      %exp3A_316 = math.exp %select_n3A_315 : vector<16xf32>
      %mul3A_317 = arith.constant 10368 : i32
      %mul3A_318 = arith.muli %add3A, %mul3A_317 : i32
      %mul3A_319 = arith.constant 128 : i32
      %mul3A_320 = arith.muli %scan3A_53, %mul3A_319 : i32
      %add3A_321 = arith.addi %mul3A_318, %mul3A_320 : i32
      %add3A_322 = arith.constant 96 : i32
      %add3A_323 = arith.addi %add3A_321, %add3A_322 : i32
      %add3A_324 = vector.broadcast %add3A_323 : i32 to vector<16xi32>
      %add3A_325 = arith.addi %add3A_324, %iota3A : vector<16xi32>
      %lt3A_326 = arith.constant 330000 : i32
      %lt3A_327 = vector.broadcast %lt3A_326 : i32 to vector<16xi32>
      %lt3A_328 = arith.cmpi slt, %add3A_325, %lt3A_327 : vector<16xi32>
      %jit3A_329 = arith.constant 0.000000e+00 : f32
      %broadcast_in_dim3A_330 = vector.broadcast %jit3A_329 : f32 to vector<16xf32>
      %select_n3A_331 = arith.select %lt3A_328, %exp3A_316, %broadcast_in_dim3A_330 : vector<16xi1>, vector<16xf32>
      %swap3A_332 = arith.constant 96 : index
      %swap3A_333 = tpu.vector_load %arg11[%swap3A_332] {strides = array<i32>} : memref<128xf32, #tpu.memory_space<vmem>>, vector<16xf32>,
      tpu.vector_store %arg11[%swap3A_332], %select_n3A_331 {strides = array<i32>} : memref<128xf32, #tpu.memory_space<vmem>>, vector<16xf32>,
      %get3A_334 = arith.constant 112 : index
      %get3A_335 = tpu.vector_load %arg8[%get3A_334] {strides = array<i32>} : memref<128xi32, #tpu.memory_space<vmem>>, vector<16xi32>,
      %get3A_336 = arith.constant 112 : index
      %get3A_337 = tpu.vector_load %arg9[%get3A_336] {strides = array<i32>} : memref<128xi32, #tpu.memory_space<vmem>>, vector<16xi32>,
      %mul3A_338 = arith.constant 2 : i32
      %mul3A_339 = vector.broadcast %mul3A_338 : i32 to vector<16xi32>
      %mul3A_340 = arith.muli %get3A_335, %mul3A_339 : vector<16xi32>
      %gather3A_341 = tpu.vector_load_idx %arg10[%mul3A_340] : memref<20480xf32, #tpu.memory_space<vmem>>[vector<16xi32>], vector<16xf32>,
      %mul3A_342 = arith.constant 2 : i32
      %mul3A_343 = vector.broadcast %mul3A_342 : i32 to vector<16xi32>
      %mul3A_344 = arith.muli %get3A_337, %mul3A_343 : vector<16xi32>
      %add3A_345 = arith.constant 1 : i32
      %add3A_346 = vector.broadcast %add3A_345 : i32 to vector<16xi32>
      %add3A_347 = arith.addi %mul3A_344, %add3A_346 : vector<16xi32>
      %gather3A_348 = tpu.vector_load_idx %arg10[%add3A_347] : memref<20480xf32, #tpu.memory_space<vmem>>[vector<16xi32>], vector<16xf32>,
      %add3A_349 = arith.addf %gather3A_341, %gather3A_348 : vector<16xf32>
      %gt3A_350 = arith.constant 0.000000e+00 : f32
      %gt3A_351 = vector.broadcast %gt3A_350 : f32 to vector<16xf32>
      %gt3A_352 = arith.cmpf ogt, %add3A_349, %gt3A_351 : vector<16xf32>
      %mul3A_353 = arith.constant 2.000000e-01 : f32
      %mul3A_354 = vector.broadcast %mul3A_353 : f32 to vector<16xf32>
      %mul3A_355 = arith.mulf %mul3A_354, %add3A_349 : vector<16xf32>
      %select_n3A_356 = arith.select %gt3A_352, %add3A_349, %mul3A_355 : vector<16xi1>, vector<16xf32>
      %exp3A_357 = math.exp %select_n3A_356 : vector<16xf32>
      %mul3A_358 = arith.constant 10368 : i32
      %mul3A_359 = arith.muli %add3A, %mul3A_358 : i32
      %mul3A_360 = arith.constant 128 : i32
      %mul3A_361 = arith.muli %scan3A_53, %mul3A_360 : i32
      %add3A_362 = arith.addi %mul3A_359, %mul3A_361 : i32
      %add3A_363 = arith.constant 112 : i32
      %add3A_364 = arith.addi %add3A_362, %add3A_363 : i32
      %add3A_365 = vector.broadcast %add3A_364 : i32 to vector<16xi32>
      %add3A_366 = arith.addi %add3A_365, %iota3A : vector<16xi32>
      %lt3A_367 = arith.constant 330000 : i32
      %lt3A_368 = vector.broadcast %lt3A_367 : i32 to vector<16xi32>
      %lt3A_369 = arith.cmpi slt, %add3A_366, %lt3A_368 : vector<16xi32>
      %jit3A_370 = arith.constant 0.000000e+00 : f32
      %broadcast_in_dim3A_371 = vector.broadcast %jit3A_370 : f32 to vector<16xf32>
      %select_n3A_372 = arith.select %lt3A_369, %exp3A_357, %broadcast_in_dim3A_371 : vector<16xi1>, vector<16xf32>
      %swap3A_373 = arith.constant 112 : index
      %swap3A_374 = tpu.vector_load %arg11[%swap3A_373] {strides = array<i32>} : memref<128xf32, #tpu.memory_space<vmem>>, vector<16xf32>,
      tpu.vector_store %arg11[%swap3A_373], %select_n3A_372 {strides = array<i32>} : memref<128xf32, #tpu.memory_space<vmem>>, vector<16xf32>,
      "tpu.region"() ({
        %run_scoped3A = tpu.sem_alloc : memref<!tpu.dma_semaphore, #tpu.memory_space<semaphore_mem>>
        %dma_start3A = arith.constant 0 : i32
        %dma_start3A_383 = tpu.memref_slice %arg15[%dma_start3A] : memref<10240xf32, #tpu.memory_space<vmem_shared>> -> memref<10240xf32, #tpu.memory_space<vmem_shared>>
        tpu.enqueue_indirect_dma source(%arg11 : memref<128xf32, #tpu.memory_space<vmem>>) target(%dma_start3A_383 : memref<10240xf32, #tpu.memory_space<vmem_shared>>) offsets(%arg9 : memref<128xi32, #tpu.memory_space<vmem>>) semaphore(%run_scoped3A : memref<!tpu.dma_semaphore, #tpu.memory_space<semaphore_mem>>) {add = true}
        %dma_wait3A = arith.constant 0 : i32
        %dma_wait3A_384 = tpu.memref_slice %arg15[%dma_wait3A] : memref<10240xf32, #tpu.memory_space<vmem_shared>> -> memref<10240xf32, #tpu.memory_space<vmem_shared>>
        tpu.wait_indirect_dma semaphore(%run_scoped3A : memref<!tpu.dma_semaphore, #tpu.memory_space<semaphore_mem>>) src(%arg11 : memref<128xf32, #tpu.memory_space<vmem>>) dst(%dma_wait3A_384 : memref<10240xf32, #tpu.memory_space<vmem_shared>>)
        tpu.yield
      }) : () -> ()
      "tpu.region"() ({
        %run_scoped3A = tpu.sem_alloc : memref<!tpu.dma_semaphore, #tpu.memory_space<semaphore_mem>>
        %dma_start3A = arith.constant 0 : i32
        %dma_start3A_383 = arith.constant 0 : i32
        %dma_start3A_384 = tpu.memref_slice %arg2[%dma_start3A, %dma_start3A_383] : memref<10240x128xf32, #tpu.memory_space<hbm>> -> memref<10240x128xf32, #tpu.memory_space<hbm>>
        tpu.enqueue_indirect_dma source(%dma_start3A_384 : memref<10240x128xf32, #tpu.memory_space<hbm>>) target(%arg12 : memref<128x128xf32, #tpu.memory_space<vmem>>) offsets(%arg8 : memref<128xi32, #tpu.memory_space<vmem>>) semaphore(%run_scoped3A : memref<!tpu.dma_semaphore, #tpu.memory_space<semaphore_mem>>)
        %dma_wait3A = arith.constant 0 : i32
        %dma_wait3A_385 = arith.constant 0 : i32
        %dma_wait3A_386 = tpu.memref_slice %arg2[%dma_wait3A, %dma_wait3A_385] : memref<10240x128xf32, #tpu.memory_space<hbm>> -> memref<10240x128xf32, #tpu.memory_space<hbm>>
        tpu.wait_indirect_dma semaphore(%run_scoped3A : memref<!tpu.dma_semaphore, #tpu.memory_space<semaphore_mem>>) src(%dma_wait3A_386 : memref<10240x128xf32, #tpu.memory_space<hbm>>) dst(%arg12 : memref<128x128xf32, #tpu.memory_space<vmem>>)
        tpu.yield
      }) : () -> ()
      %scan3A_375 = arith.constant 0 : i32
      %scan3A_376 = arith.constant 0 : i32
      %scan3A_377 = arith.constant 128 : i32
      %scan3A_378 = arith.addi %scan3A_376, %scan3A_377 : i32
      %scan3A_379 = arith.constant 1 : i32
      %scan3A_380 = scf.for %scan3A_383 = %scan3A_376 to %scan3A_378 step %scan3A_379 iter_args(%scan3A_384 = %scan3A_375) -> (i32)  : i32 {
        %broadcast_in_dim3A_385 = vector.broadcast %scan3A_383 : i32 to vector<16xi32>
        %gather3A_386 = tpu.vector_load_idx %arg11[%broadcast_in_dim3A_385] : memref<128xf32, #tpu.memory_space<vmem>>[vector<16xi32>], vector<16xf32>,
        %get3A_387 = arith.index_cast %scan3A_383 : i32 to index
        %get3A_388 = arith.constant 0 : index
        %get3A_389 = tpu.vector_load %arg12[%get3A_387, %get3A_388] {strides = array<i32>} : memref<128x128xf32, #tpu.memory_space<vmem>>, vector<16xf32>,
        %mul3A_390 = arith.mulf %get3A_389, %gather3A_386 : vector<16xf32>
        %swap3A_391 = arith.index_cast %scan3A_383 : i32 to index
        %swap3A_392 = arith.constant 0 : index
        %swap3A_393 = tpu.vector_load %arg12[%swap3A_391, %swap3A_392] {strides = array<i32>} : memref<128x128xf32, #tpu.memory_space<vmem>>, vector<16xf32>,
        tpu.vector_store %arg12[%swap3A_391, %swap3A_392], %mul3A_390 {strides = array<i32>} : memref<128x128xf32, #tpu.memory_space<vmem>>, vector<16xf32>,
        %get3A_394 = arith.index_cast %scan3A_383 : i32 to index
        %get3A_395 = arith.constant 16 : index
        %get3A_396 = tpu.vector_load %arg12[%get3A_394, %get3A_395] {strides = array<i32>} : memref<128x128xf32, #tpu.memory_space<vmem>>, vector<16xf32>,
        %mul3A_397 = arith.mulf %get3A_396, %gather3A_386 : vector<16xf32>
        %swap3A_398 = arith.index_cast %scan3A_383 : i32 to index
        %swap3A_399 = arith.constant 16 : index
        %swap3A_400 = tpu.vector_load %arg12[%swap3A_398, %swap3A_399] {strides = array<i32>} : memref<128x128xf32, #tpu.memory_space<vmem>>, vector<16xf32>,
        tpu.vector_store %arg12[%swap3A_398, %swap3A_399], %mul3A_397 {strides = array<i32>} : memref<128x128xf32, #tpu.memory_space<vmem>>, vector<16xf32>,
        %get3A_401 = arith.index_cast %scan3A_383 : i32 to index
        %get3A_402 = arith.constant 32 : index
        %get3A_403 = tpu.vector_load %arg12[%get3A_401, %get3A_402] {strides = array<i32>} : memref<128x128xf32, #tpu.memory_space<vmem>>, vector<16xf32>,
        %mul3A_404 = arith.mulf %get3A_403, %gather3A_386 : vector<16xf32>
        %swap3A_405 = arith.index_cast %scan3A_383 : i32 to index
        %swap3A_406 = arith.constant 32 : index
        %swap3A_407 = tpu.vector_load %arg12[%swap3A_405, %swap3A_406] {strides = array<i32>} : memref<128x128xf32, #tpu.memory_space<vmem>>, vector<16xf32>,
        tpu.vector_store %arg12[%swap3A_405, %swap3A_406], %mul3A_404 {strides = array<i32>} : memref<128x128xf32, #tpu.memory_space<vmem>>, vector<16xf32>,
        %get3A_408 = arith.index_cast %scan3A_383 : i32 to index
        %get3A_409 = arith.constant 48 : index
        %get3A_410 = tpu.vector_load %arg12[%get3A_408, %get3A_409] {strides = array<i32>} : memref<128x128xf32, #tpu.memory_space<vmem>>, vector<16xf32>,
        %mul3A_411 = arith.mulf %get3A_410, %gather3A_386 : vector<16xf32>
        %swap3A_412 = arith.index_cast %scan3A_383 : i32 to index
        %swap3A_413 = arith.constant 48 : index
        %swap3A_414 = tpu.vector_load %arg12[%swap3A_412, %swap3A_413] {strides = array<i32>} : memref<128x128xf32, #tpu.memory_space<vmem>>, vector<16xf32>,
        tpu.vector_store %arg12[%swap3A_412, %swap3A_413], %mul3A_411 {strides = array<i32>} : memref<128x128xf32, #tpu.memory_space<vmem>>, vector<16xf32>,
        %get3A_415 = arith.index_cast %scan3A_383 : i32 to index
        %get3A_416 = arith.constant 64 : index
        %get3A_417 = tpu.vector_load %arg12[%get3A_415, %get3A_416] {strides = array<i32>} : memref<128x128xf32, #tpu.memory_space<vmem>>, vector<16xf32>,
        %mul3A_418 = arith.mulf %get3A_417, %gather3A_386 : vector<16xf32>
        %swap3A_419 = arith.index_cast %scan3A_383 : i32 to index
        %swap3A_420 = arith.constant 64 : index
        %swap3A_421 = tpu.vector_load %arg12[%swap3A_419, %swap3A_420] {strides = array<i32>} : memref<128x128xf32, #tpu.memory_space<vmem>>, vector<16xf32>,
        tpu.vector_store %arg12[%swap3A_419, %swap3A_420], %mul3A_418 {strides = array<i32>} : memref<128x128xf32, #tpu.memory_space<vmem>>, vector<16xf32>,
        %get3A_422 = arith.index_cast %scan3A_383 : i32 to index
        %get3A_423 = arith.constant 80 : index
        %get3A_424 = tpu.vector_load %arg12[%get3A_422, %get3A_423] {strides = array<i32>} : memref<128x128xf32, #tpu.memory_space<vmem>>, vector<16xf32>,
        %mul3A_425 = arith.mulf %get3A_424, %gather3A_386 : vector<16xf32>
        %swap3A_426 = arith.index_cast %scan3A_383 : i32 to index
        %swap3A_427 = arith.constant 80 : index
        %swap3A_428 = tpu.vector_load %arg12[%swap3A_426, %swap3A_427] {strides = array<i32>} : memref<128x128xf32, #tpu.memory_space<vmem>>, vector<16xf32>,
        tpu.vector_store %arg12[%swap3A_426, %swap3A_427], %mul3A_425 {strides = array<i32>} : memref<128x128xf32, #tpu.memory_space<vmem>>, vector<16xf32>,
        %get3A_429 = arith.index_cast %scan3A_383 : i32 to index
        %get3A_430 = arith.constant 96 : index
        %get3A_431 = tpu.vector_load %arg12[%get3A_429, %get3A_430] {strides = array<i32>} : memref<128x128xf32, #tpu.memory_space<vmem>>, vector<16xf32>,
        %mul3A_432 = arith.mulf %get3A_431, %gather3A_386 : vector<16xf32>
        %swap3A_433 = arith.index_cast %scan3A_383 : i32 to index
        %swap3A_434 = arith.constant 96 : index
        %swap3A_435 = tpu.vector_load %arg12[%swap3A_433, %swap3A_434] {strides = array<i32>} : memref<128x128xf32, #tpu.memory_space<vmem>>, vector<16xf32>,
        tpu.vector_store %arg12[%swap3A_433, %swap3A_434], %mul3A_432 {strides = array<i32>} : memref<128x128xf32, #tpu.memory_space<vmem>>, vector<16xf32>,
        %get3A_436 = arith.index_cast %scan3A_383 : i32 to index
        %get3A_437 = arith.constant 112 : index
        %get3A_438 = tpu.vector_load %arg12[%get3A_436, %get3A_437] {strides = array<i32>} : memref<128x128xf32, #tpu.memory_space<vmem>>, vector<16xf32>,
        %mul3A_439 = arith.mulf %get3A_438, %gather3A_386 : vector<16xf32>
        %swap3A_440 = arith.index_cast %scan3A_383 : i32 to index
        %swap3A_441 = arith.constant 112 : index
        %swap3A_442 = tpu.vector_load %arg12[%swap3A_440, %swap3A_441] {strides = array<i32>} : memref<128x128xf32, #tpu.memory_space<vmem>>, vector<16xf32>,
        tpu.vector_store %arg12[%swap3A_440, %swap3A_441], %mul3A_439 {strides = array<i32>} : memref<128x128xf32, #tpu.memory_space<vmem>>, vector<16xf32>,
        %scan3A_443 = arith.constant 0 : i32
        scf.yield %scan3A_443 : i32
      }
      %scan3A_381 = arith.constant 128 : i32
      "tpu.region"() ({
        %run_scoped3A = tpu.sem_alloc : memref<!tpu.dma_semaphore, #tpu.memory_space<semaphore_mem>>
        %dma_start3A = arith.constant 0 : i32
        %dma_start3A_383 = arith.constant 0 : i32
        %dma_start3A_384 = tpu.memref_slice %arg14[%dma_start3A, %dma_start3A_383] : memref<10240x128xf32, #tpu.memory_space<vmem_shared>> -> memref<10240x128xf32, #tpu.memory_space<vmem_shared>>
        tpu.enqueue_indirect_dma source(%arg12 : memref<128x128xf32, #tpu.memory_space<vmem>>) target(%dma_start3A_384 : memref<10240x128xf32, #tpu.memory_space<vmem_shared>>) offsets(%arg9 : memref<128xi32, #tpu.memory_space<vmem>>) semaphore(%run_scoped3A : memref<!tpu.dma_semaphore, #tpu.memory_space<semaphore_mem>>) {add = true}
        %dma_wait3A = arith.constant 0 : i32
        %dma_wait3A_385 = arith.constant 0 : i32
        %dma_wait3A_386 = tpu.memref_slice %arg14[%dma_wait3A, %dma_wait3A_385] : memref<10240x128xf32, #tpu.memory_space<vmem_shared>> -> memref<10240x128xf32, #tpu.memory_space<vmem_shared>>
        tpu.wait_indirect_dma semaphore(%run_scoped3A : memref<!tpu.dma_semaphore, #tpu.memory_space<semaphore_mem>>) src(%arg12 : memref<128x128xf32, #tpu.memory_space<vmem>>) dst(%dma_wait3A_386 : memref<10240x128xf32, #tpu.memory_space<vmem_shared>>)
        tpu.yield
      }) : () -> ()
      %scan3A_382 = arith.constant 0 : i32
      scf.yield %scan3A_382 : i32
    }
    %scan3A_43 = arith.constant 81 : i32
    %barrier3A_44 = arith.constant 0 : index
    tpu.barrier barrier_id(%barrier3A_44)
    %mul3A_45 = arith.constant 640 : i32
    %mul3A_46 = arith.muli %arg1, %mul3A_45 : i32
    %mul3A_47 = arith.constant 640 : i32
    %mul3A_48 = arith.muli %arg1, %mul3A_47 : i32
    "tpu.region"() ({
      %run_scoped3A = tpu.sem_alloc : memref<!tpu.dma_semaphore, #tpu.memory_space<semaphore_mem>>
      %dma_start3A = arith.constant 0 : i32
      %dma_start3A_53 = tpu.memref_slice %arg6[%arg0, %mul3A_48, %dma_start3A] : memref<2x10240x128xf32, #tpu.memory_space<hbm>> -> memref<1x640x128xf32, #tpu.memory_space<hbm>>
      %dma_start3A_54 = tpu.memref_squeeze %dma_start3A_53 : memref<1x640x128xf32, #tpu.memory_space<hbm>> -> memref<640x128xf32, #tpu.memory_space<hbm>>
      %dma_start3A_55 = arith.constant 0 : i32
      %dma_start3A_56 = tpu.memref_slice %arg14[%mul3A_46, %dma_start3A_55] : memref<10240x128xf32, #tpu.memory_space<vmem_shared>> -> memref<640x128xf32, #tpu.memory_space<vmem_shared>>
      tpu.enqueue_dma source(%dma_start3A_56 : memref<640x128xf32, #tpu.memory_space<vmem_shared>>) target(%dma_start3A_54 : memref<640x128xf32, #tpu.memory_space<hbm>>) target_semaphore(%run_scoped3A : memref<!tpu.dma_semaphore, #tpu.memory_space<semaphore_mem>>)
      %dma_wait3A = arith.constant 0 : i32
      %dma_wait3A_57 = tpu.memref_slice %arg6[%arg0, %mul3A_48, %dma_wait3A] : memref<2x10240x128xf32, #tpu.memory_space<hbm>> -> memref<1x640x128xf32, #tpu.memory_space<hbm>>
      %dma_wait3A_58 = tpu.memref_squeeze %dma_wait3A_57 : memref<1x640x128xf32, #tpu.memory_space<hbm>> -> memref<640x128xf32, #tpu.memory_space<hbm>>
      %dma_wait3A_59 = arith.constant 0 : i32
      %dma_wait3A_60 = tpu.memref_slice %arg14[%mul3A_46, %dma_wait3A_59] : memref<10240x128xf32, #tpu.memory_space<vmem_shared>> -> memref<640x128xf32, #tpu.memory_space<vmem_shared>>
      tpu.wait_dma2 semaphore(%run_scoped3A : memref<!tpu.dma_semaphore, #tpu.memory_space<semaphore_mem>>) src(%dma_wait3A_60 : memref<640x128xf32, #tpu.memory_space<vmem_shared>>) dst(%dma_wait3A_58 : memref<640x128xf32, #tpu.memory_space<hbm>>)
      tpu.yield
    }) : () -> ()
    %mul3A_49 = arith.constant 640 : i32
    %mul3A_50 = arith.muli %arg1, %mul3A_49 : i32
    %mul3A_51 = arith.constant 640 : i32
    %mul3A_52 = arith.muli %arg1, %mul3A_51 : i32
    "tpu.region"() ({
      %run_scoped3A = tpu.sem_alloc : memref<!tpu.dma_semaphore, #tpu.memory_space<semaphore_mem>>
      %dma_start3A = tpu.memref_slice %arg7[%arg0, %mul3A_52] : memref<2x10240xf32, #tpu.memory_space<hbm>> -> memref<1x640xf32, #tpu.memory_space<hbm>>
      %dma_start3A_53 = tpu.memref_squeeze %dma_start3A : memref<1x640xf32, #tpu.memory_space<hbm>> -> memref<640xf32, #tpu.memory_space<hbm>>
      %dma_start3A_54 = tpu.memref_slice %arg15[%mul3A_50] : memref<10240xf32, #tpu.memory_space<vmem_shared>> -> memref<640xf32, #tpu.memory_space<vmem_shared>>
      tpu.enqueue_dma source(%dma_start3A_54 : memref<640xf32, #tpu.memory_space<vmem_shared>>) target(%dma_start3A_53 : memref<640xf32, #tpu.memory_space<hbm>>) target_semaphore(%run_scoped3A : memref<!tpu.dma_semaphore, #tpu.memory_space<semaphore_mem>>)
      %dma_wait3A = tpu.memref_slice %arg7[%arg0, %mul3A_52] : memref<2x10240xf32, #tpu.memory_space<hbm>> -> memref<1x640xf32, #tpu.memory_space<hbm>>
      %dma_wait3A_55 = tpu.memref_squeeze %dma_wait3A : memref<1x640xf32, #tpu.memory_space<hbm>> -> memref<640xf32, #tpu.memory_space<hbm>>
      %dma_wait3A_56 = tpu.memref_slice %arg15[%mul3A_50] : memref<10240xf32, #tpu.memory_space<vmem_shared>> -> memref<640xf32, #tpu.memory_space<vmem_shared>>
      tpu.wait_dma2 semaphore(%run_scoped3A : memref<!tpu.dma_semaphore, #tpu.memory_space<semaphore_mem>>) src(%dma_wait3A_56 : memref<640xf32, #tpu.memory_space<vmem_shared>>) dst(%dma_wait3A_55 : memref<640xf32, #tpu.memory_space<hbm>>)
      tpu.yield
    }) : () -> ()
    return
  }
}

#map = affine_map<(d0, d1) -> (0, 0)>
#map1 = affine_map<(d0, d1) -> (0)>
#map2 = affine_map<(d0, d1) -> (0, 0, 0)>
module attributes {stable_mosaic.version = 14 : i64} {
  func.func @_sc_edge_body(%arg0: i32, %arg1: i32, %arg2: memref<10240x128xf32, #tpu.memory_space<hbm>>, %arg3: memref<20480xf32, #tpu.memory_space<hbm>>, %arg4: memref<32x81x128xi32, #tpu.memory_space<hbm>>, %arg5: memref<32x81x128xi32, #tpu.memory_space<hbm>>, %arg6: memref<2x10240x128xf32, #tpu.memory_space<hbm>>, %arg7: memref<2x10240xf32, #tpu.memory_space<hbm>>, %arg8: memref<128xi32, #tpu.memory_space<vmem>>, %arg9: memref<128xi32, #tpu.memory_space<vmem>>, %arg10: memref<20480xf32, #tpu.memory_space<vmem>>, %arg11: memref<128xf32, #tpu.memory_space<vmem>>, %arg12: memref<128x128xf32, #tpu.memory_space<vmem>>, %arg13: memref<640xf32, #tpu.memory_space<vmem>>, %arg14: memref<10240x128xf32, #tpu.memory_space<vmem_shared>>, %arg15: memref<10240xf32, #tpu.memory_space<vmem_shared>>) attributes {dimension_semantics = [#tpu.dimension_semantics<core_parallel>, #tpu.dimension_semantics<subcore_parallel>], iteration_bounds = array<i64: 2, 16>, scalar_prefetch = 0 : i64, scratch_operands = 8 : i64, tpu.core_type = #tpu.core_type<sc_vector_subcore>, window_params = [{transform_indices = #map}, {transform_indices = #map1}, {transform_indices = #map2}, {transform_indices = #map2}, {transform_indices = #map2}, {transform_indices = #map}]} {
    %mul3A = arith.constant 16 : i32
    %mul3A_0 = arith.muli %arg0, %mul3A : i32
    %add3A = arith.addi %mul3A_0, %arg1 : i32
    %iota3A = tpu.iota {dimensions = array<i32: 0>} : vector<16xi32>
    %broadcast_in_dim3A = arith.constant 0.000000e+00 : f32
    %broadcast_in_dim3A_1 = vector.broadcast %broadcast_in_dim3A : f32 to vector<16xf32>
    "tpu.region"() ({
      %run_scoped3A = tpu.sem_alloc : memref<!tpu.dma_semaphore, #tpu.memory_space<semaphore_mem>>
      tpu.enqueue_dma source(%arg3 : memref<20480xf32, #tpu.memory_space<hbm>>) target(%arg10 : memref<20480xf32, #tpu.memory_space<vmem>>) target_semaphore(%run_scoped3A : memref<!tpu.dma_semaphore, #tpu.memory_space<semaphore_mem>>)
      tpu.wait_dma2 semaphore(%run_scoped3A : memref<!tpu.dma_semaphore, #tpu.memory_space<semaphore_mem>>) src(%arg3 : memref<20480xf32, #tpu.memory_space<hbm>>) dst(%arg10 : memref<20480xf32, #tpu.memory_space<vmem>>)
      tpu.yield
    }) : () -> ()
    %scan3A = arith.constant 0 : i32
    %scan3A_2 = arith.constant 0 : i32
    %scan3A_3 = arith.constant 128 : i32
    %scan3A_4 = arith.addi %scan3A_2, %scan3A_3 : i32
    %scan3A_5 = arith.constant 1 : i32
    %scan3A_6 = scf.for %scan3A_53 = %scan3A_2 to %scan3A_4 step %scan3A_5 iter_args(%scan3A_54 = %scan3A) -> (i32)  : i32 {
      %swap3A = arith.index_cast %scan3A_53 : i32 to index
      %swap3A_55 = arith.constant 0 : index
      %swap3A_56 = tpu.vector_load %arg12[%swap3A, %swap3A_55] {strides = array<i32>} : memref<128x128xf32, #tpu.memory_space<vmem>>, vector<16xf32>,
      tpu.vector_store %arg12[%swap3A, %swap3A_55], %broadcast_in_dim3A_1 {strides = array<i32>} : memref<128x128xf32, #tpu.memory_space<vmem>>, vector<16xf32>,
      %swap3A_57 = arith.index_cast %scan3A_53 : i32 to index
      %swap3A_58 = arith.constant 16 : index
      %swap3A_59 = tpu.vector_load %arg12[%swap3A_57, %swap3A_58] {strides = array<i32>} : memref<128x128xf32, #tpu.memory_space<vmem>>, vector<16xf32>,
      tpu.vector_store %arg12[%swap3A_57, %swap3A_58], %broadcast_in_dim3A_1 {strides = array<i32>} : memref<128x128xf32, #tpu.memory_space<vmem>>, vector<16xf32>,
      %swap3A_60 = arith.index_cast %scan3A_53 : i32 to index
      %swap3A_61 = arith.constant 32 : index
      %swap3A_62 = tpu.vector_load %arg12[%swap3A_60, %swap3A_61] {strides = array<i32>} : memref<128x128xf32, #tpu.memory_space<vmem>>, vector<16xf32>,
      tpu.vector_store %arg12[%swap3A_60, %swap3A_61], %broadcast_in_dim3A_1 {strides = array<i32>} : memref<128x128xf32, #tpu.memory_space<vmem>>, vector<16xf32>,
      %swap3A_63 = arith.index_cast %scan3A_53 : i32 to index
      %swap3A_64 = arith.constant 48 : index
      %swap3A_65 = tpu.vector_load %arg12[%swap3A_63, %swap3A_64] {strides = array<i32>} : memref<128x128xf32, #tpu.memory_space<vmem>>, vector<16xf32>,
      tpu.vector_store %arg12[%swap3A_63, %swap3A_64], %broadcast_in_dim3A_1 {strides = array<i32>} : memref<128x128xf32, #tpu.memory_space<vmem>>, vector<16xf32>,
      %swap3A_66 = arith.index_cast %scan3A_53 : i32 to index
      %swap3A_67 = arith.constant 64 : index
      %swap3A_68 = tpu.vector_load %arg12[%swap3A_66, %swap3A_67] {strides = array<i32>} : memref<128x128xf32, #tpu.memory_space<vmem>>, vector<16xf32>,
      tpu.vector_store %arg12[%swap3A_66, %swap3A_67], %broadcast_in_dim3A_1 {strides = array<i32>} : memref<128x128xf32, #tpu.memory_space<vmem>>, vector<16xf32>,
      %swap3A_69 = arith.index_cast %scan3A_53 : i32 to index
      %swap3A_70 = arith.constant 80 : index
      %swap3A_71 = tpu.vector_load %arg12[%swap3A_69, %swap3A_70] {strides = array<i32>} : memref<128x128xf32, #tpu.memory_space<vmem>>, vector<16xf32>,
      tpu.vector_store %arg12[%swap3A_69, %swap3A_70], %broadcast_in_dim3A_1 {strides = array<i32>} : memref<128x128xf32, #tpu.memory_space<vmem>>, vector<16xf32>,
      %swap3A_72 = arith.index_cast %scan3A_53 : i32 to index
      %swap3A_73 = arith.constant 96 : index
      %swap3A_74 = tpu.vector_load %arg12[%swap3A_72, %swap3A_73] {strides = array<i32>} : memref<128x128xf32, #tpu.memory_space<vmem>>, vector<16xf32>,
      tpu.vector_store %arg12[%swap3A_72, %swap3A_73], %broadcast_in_dim3A_1 {strides = array<i32>} : memref<128x128xf32, #tpu.memory_space<vmem>>, vector<16xf32>,
      %swap3A_75 = arith.index_cast %scan3A_53 : i32 to index
      %swap3A_76 = arith.constant 112 : index
      %swap3A_77 = tpu.vector_load %arg12[%swap3A_75, %swap3A_76] {strides = array<i32>} : memref<128x128xf32, #tpu.memory_space<vmem>>, vector<16xf32>,
      tpu.vector_store %arg12[%swap3A_75, %swap3A_76], %broadcast_in_dim3A_1 {strides = array<i32>} : memref<128x128xf32, #tpu.memory_space<vmem>>, vector<16xf32>,
      %scan3A_78 = arith.constant 0 : i32
      scf.yield %scan3A_78 : i32
    }
    %scan3A_7 = arith.constant 128 : i32
    %scan3A_8 = arith.constant 0 : i32
    %scan3A_9 = arith.constant 0 : i32
    %scan3A_10 = arith.constant 40 : i32
    %scan3A_11 = arith.addi %scan3A_9, %scan3A_10 : i32
    %scan3A_12 = arith.constant 1 : i32
    %scan3A_13 = scf.for %scan3A_53 = %scan3A_9 to %scan3A_11 step %scan3A_12 iter_args(%scan3A_54 = %scan3A_8) -> (i32)  : i32 {
      %mul3A_55 = arith.constant 16 : i32
      %mul3A_56 = arith.muli %scan3A_53, %mul3A_55 : i32
      %swap3A = arith.index_cast %mul3A_56 : i32 to index
      %swap3A_57 = tpu.vector_load %arg13[%swap3A] {strides = array<i32>} : memref<640xf32, #tpu.memory_space<vmem>>, vector<16xf32>,
      tpu.vector_store %arg13[%swap3A], %broadcast_in_dim3A_1 {strides = array<i32>} : memref<640xf32, #tpu.memory_space<vmem>>, vector<16xf32>,
      %scan3A_58 = arith.constant 0 : i32
      scf.yield %scan3A_58 : i32
    }
    %scan3A_14 = arith.constant 40 : i32
    %mul3A_15 = arith.constant 640 : i32
    %mul3A_16 = arith.muli %arg1, %mul3A_15 : i32
    %add3A_17 = arith.constant 0 : i32
    %add3A_18 = arith.addi %mul3A_16, %add3A_17 : i32
    "tpu.region"() ({
      %run_scoped3A = tpu.sem_alloc : memref<!tpu.dma_semaphore, #tpu.memory_space<semaphore_mem>>
      %dma_start3A = arith.constant 0 : i32
      %dma_start3A_53 = tpu.memref_slice %arg14[%add3A_18, %dma_start3A] : memref<10240x128xf32, #tpu.memory_space<vmem_shared>> -> memref<128x128xf32, #tpu.memory_space<vmem_shared>>
      %dma_start3A_54 = arith.constant 0 : i32
      %dma_start3A_55 = tpu.memref_slice %arg14[%add3A_18, %dma_start3A_54] : memref<10240x128xf32, #tpu.memory_space<vmem_shared>> -> memref<128x128xf32, #tpu.memory_space<vmem_shared>>
      tpu.enqueue_dma source(%arg12 : memref<128x128xf32, #tpu.memory_space<vmem>>) target(%dma_start3A_55 : memref<128x128xf32, #tpu.memory_space<vmem_shared>>) target_semaphore(%run_scoped3A : memref<!tpu.dma_semaphore, #tpu.memory_space<semaphore_mem>>)
      %dma_wait3A = arith.constant 0 : i32
      %dma_wait3A_56 = tpu.memref_slice %arg14[%add3A_18, %dma_wait3A] : memref<10240x128xf32, #tpu.memory_space<vmem_shared>> -> memref<128x128xf32, #tpu.memory_space<vmem_shared>>
      %dma_wait3A_57 = arith.constant 0 : i32
      %dma_wait3A_58 = tpu.memref_slice %arg14[%add3A_18, %dma_wait3A_57] : memref<10240x128xf32, #tpu.memory_space<vmem_shared>> -> memref<128x128xf32, #tpu.memory_space<vmem_shared>>
      tpu.wait_dma2 semaphore(%run_scoped3A : memref<!tpu.dma_semaphore, #tpu.memory_space<semaphore_mem>>) src(%arg12 : memref<128x128xf32, #tpu.memory_space<vmem>>) dst(%dma_wait3A_58 : memref<128x128xf32, #tpu.memory_space<vmem_shared>>)
      tpu.yield
    }) : () -> ()
    %mul3A_19 = arith.constant 640 : i32
    %mul3A_20 = arith.muli %arg1, %mul3A_19 : i32
    %add3A_21 = arith.constant 128 : i32
    %add3A_22 = arith.addi %mul3A_20, %add3A_21 : i32
    "tpu.region"() ({
      %run_scoped3A = tpu.sem_alloc : memref<!tpu.dma_semaphore, #tpu.memory_space<semaphore_mem>>
      %dma_start3A = arith.constant 0 : i32
      %dma_start3A_53 = tpu.memref_slice %arg14[%add3A_22, %dma_start3A] : memref<10240x128xf32, #tpu.memory_space<vmem_shared>> -> memref<128x128xf32, #tpu.memory_space<vmem_shared>>
      %dma_start3A_54 = arith.constant 0 : i32
      %dma_start3A_55 = tpu.memref_slice %arg14[%add3A_22, %dma_start3A_54] : memref<10240x128xf32, #tpu.memory_space<vmem_shared>> -> memref<128x128xf32, #tpu.memory_space<vmem_shared>>
      tpu.enqueue_dma source(%arg12 : memref<128x128xf32, #tpu.memory_space<vmem>>) target(%dma_start3A_55 : memref<128x128xf32, #tpu.memory_space<vmem_shared>>) target_semaphore(%run_scoped3A : memref<!tpu.dma_semaphore, #tpu.memory_space<semaphore_mem>>)
      %dma_wait3A = arith.constant 0 : i32
      %dma_wait3A_56 = tpu.memref_slice %arg14[%add3A_22, %dma_wait3A] : memref<10240x128xf32, #tpu.memory_space<vmem_shared>> -> memref<128x128xf32, #tpu.memory_space<vmem_shared>>
      %dma_wait3A_57 = arith.constant 0 : i32
      %dma_wait3A_58 = tpu.memref_slice %arg14[%add3A_22, %dma_wait3A_57] : memref<10240x128xf32, #tpu.memory_space<vmem_shared>> -> memref<128x128xf32, #tpu.memory_space<vmem_shared>>
      tpu.wait_dma2 semaphore(%run_scoped3A : memref<!tpu.dma_semaphore, #tpu.memory_space<semaphore_mem>>) src(%arg12 : memref<128x128xf32, #tpu.memory_space<vmem>>) dst(%dma_wait3A_58 : memref<128x128xf32, #tpu.memory_space<vmem_shared>>)
      tpu.yield
    }) : () -> ()
    %mul3A_23 = arith.constant 640 : i32
    %mul3A_24 = arith.muli %arg1, %mul3A_23 : i32
    %add3A_25 = arith.constant 256 : i32
    %add3A_26 = arith.addi %mul3A_24, %add3A_25 : i32
    "tpu.region"() ({
      %run_scoped3A = tpu.sem_alloc : memref<!tpu.dma_semaphore, #tpu.memory_space<semaphore_mem>>
      %dma_start3A = arith.constant 0 : i32
      %dma_start3A_53 = tpu.memref_slice %arg14[%add3A_26, %dma_start3A] : memref<10240x128xf32, #tpu.memory_space<vmem_shared>> -> memref<128x128xf32, #tpu.memory_space<vmem_shared>>
      %dma_start3A_54 = arith.constant 0 : i32
      %dma_start3A_55 = tpu.memref_slice %arg14[%add3A_26, %dma_start3A_54] : memref<10240x128xf32, #tpu.memory_space<vmem_shared>> -> memref<128x128xf32, #tpu.memory_space<vmem_shared>>
      tpu.enqueue_dma source(%arg12 : memref<128x128xf32, #tpu.memory_space<vmem>>) target(%dma_start3A_55 : memref<128x128xf32, #tpu.memory_space<vmem_shared>>) target_semaphore(%run_scoped3A : memref<!tpu.dma_semaphore, #tpu.memory_space<semaphore_mem>>)
      %dma_wait3A = arith.constant 0 : i32
      %dma_wait3A_56 = tpu.memref_slice %arg14[%add3A_26, %dma_wait3A] : memref<10240x128xf32, #tpu.memory_space<vmem_shared>> -> memref<128x128xf32, #tpu.memory_space<vmem_shared>>
      %dma_wait3A_57 = arith.constant 0 : i32
      %dma_wait3A_58 = tpu.memref_slice %arg14[%add3A_26, %dma_wait3A_57] : memref<10240x128xf32, #tpu.memory_space<vmem_shared>> -> memref<128x128xf32, #tpu.memory_space<vmem_shared>>
      tpu.wait_dma2 semaphore(%run_scoped3A : memref<!tpu.dma_semaphore, #tpu.memory_space<semaphore_mem>>) src(%arg12 : memref<128x128xf32, #tpu.memory_space<vmem>>) dst(%dma_wait3A_58 : memref<128x128xf32, #tpu.memory_space<vmem_shared>>)
      tpu.yield
    }) : () -> ()
    %mul3A_27 = arith.constant 640 : i32
    %mul3A_28 = arith.muli %arg1, %mul3A_27 : i32
    %add3A_29 = arith.constant 384 : i32
    %add3A_30 = arith.addi %mul3A_28, %add3A_29 : i32
    "tpu.region"() ({
      %run_scoped3A = tpu.sem_alloc : memref<!tpu.dma_semaphore, #tpu.memory_space<semaphore_mem>>
      %dma_start3A = arith.constant 0 : i32
      %dma_start3A_53 = tpu.memref_slice %arg14[%add3A_30, %dma_start3A] : memref<10240x128xf32, #tpu.memory_space<vmem_shared>> -> memref<128x128xf32, #tpu.memory_space<vmem_shared>>
      %dma_start3A_54 = arith.constant 0 : i32
      %dma_start3A_55 = tpu.memref_slice %arg14[%add3A_30, %dma_start3A_54] : memref<10240x128xf32, #tpu.memory_space<vmem_shared>> -> memref<128x128xf32, #tpu.memory_space<vmem_shared>>
      tpu.enqueue_dma source(%arg12 : memref<128x128xf32, #tpu.memory_space<vmem>>) target(%dma_start3A_55 : memref<128x128xf32, #tpu.memory_space<vmem_shared>>) target_semaphore(%run_scoped3A : memref<!tpu.dma_semaphore, #tpu.memory_space<semaphore_mem>>)
      %dma_wait3A = arith.constant 0 : i32
      %dma_wait3A_56 = tpu.memref_slice %arg14[%add3A_30, %dma_wait3A] : memref<10240x128xf32, #tpu.memory_space<vmem_shared>> -> memref<128x128xf32, #tpu.memory_space<vmem_shared>>
      %dma_wait3A_57 = arith.constant 0 : i32
      %dma_wait3A_58 = tpu.memref_slice %arg14[%add3A_30, %dma_wait3A_57] : memref<10240x128xf32, #tpu.memory_space<vmem_shared>> -> memref<128x128xf32, #tpu.memory_space<vmem_shared>>
      tpu.wait_dma2 semaphore(%run_scoped3A : memref<!tpu.dma_semaphore, #tpu.memory_space<semaphore_mem>>) src(%arg12 : memref<128x128xf32, #tpu.memory_space<vmem>>) dst(%dma_wait3A_58 : memref<128x128xf32, #tpu.memory_space<vmem_shared>>)
      tpu.yield
    }) : () -> ()
    %mul3A_31 = arith.constant 640 : i32
    %mul3A_32 = arith.muli %arg1, %mul3A_31 : i32
    %add3A_33 = arith.constant 512 : i32
    %add3A_34 = arith.addi %mul3A_32, %add3A_33 : i32
    "tpu.region"() ({
      %run_scoped3A = tpu.sem_alloc : memref<!tpu.dma_semaphore, #tpu.memory_space<semaphore_mem>>
      %dma_start3A = arith.constant 0 : i32
      %dma_start3A_53 = tpu.memref_slice %arg14[%add3A_34, %dma_start3A] : memref<10240x128xf32, #tpu.memory_space<vmem_shared>> -> memref<128x128xf32, #tpu.memory_space<vmem_shared>>
      %dma_start3A_54 = arith.constant 0 : i32
      %dma_start3A_55 = tpu.memref_slice %arg14[%add3A_34, %dma_start3A_54] : memref<10240x128xf32, #tpu.memory_space<vmem_shared>> -> memref<128x128xf32, #tpu.memory_space<vmem_shared>>
      tpu.enqueue_dma source(%arg12 : memref<128x128xf32, #tpu.memory_space<vmem>>) target(%dma_start3A_55 : memref<128x128xf32, #tpu.memory_space<vmem_shared>>) target_semaphore(%run_scoped3A : memref<!tpu.dma_semaphore, #tpu.memory_space<semaphore_mem>>)
      %dma_wait3A = arith.constant 0 : i32
      %dma_wait3A_56 = tpu.memref_slice %arg14[%add3A_34, %dma_wait3A] : memref<10240x128xf32, #tpu.memory_space<vmem_shared>> -> memref<128x128xf32, #tpu.memory_space<vmem_shared>>
      %dma_wait3A_57 = arith.constant 0 : i32
      %dma_wait3A_58 = tpu.memref_slice %arg14[%add3A_34, %dma_wait3A_57] : memref<10240x128xf32, #tpu.memory_space<vmem_shared>> -> memref<128x128xf32, #tpu.memory_space<vmem_shared>>
      tpu.wait_dma2 semaphore(%run_scoped3A : memref<!tpu.dma_semaphore, #tpu.memory_space<semaphore_mem>>) src(%arg12 : memref<128x128xf32, #tpu.memory_space<vmem>>) dst(%dma_wait3A_58 : memref<128x128xf32, #tpu.memory_space<vmem_shared>>)
      tpu.yield
    }) : () -> ()
    %mul3A_35 = arith.constant 640 : i32
    %mul3A_36 = arith.muli %arg1, %mul3A_35 : i32
    "tpu.region"() ({
      %run_scoped3A = tpu.sem_alloc : memref<!tpu.dma_semaphore, #tpu.memory_space<semaphore_mem>>
      %dma_start3A = tpu.memref_slice %arg15[%mul3A_36] : memref<10240xf32, #tpu.memory_space<vmem_shared>> -> memref<640xf32, #tpu.memory_space<vmem_shared>>
      %dma_start3A_53 = tpu.memref_slice %arg15[%mul3A_36] : memref<10240xf32, #tpu.memory_space<vmem_shared>> -> memref<640xf32, #tpu.memory_space<vmem_shared>>
      tpu.enqueue_dma source(%arg13 : memref<640xf32, #tpu.memory_space<vmem>>) target(%dma_start3A_53 : memref<640xf32, #tpu.memory_space<vmem_shared>>) target_semaphore(%run_scoped3A : memref<!tpu.dma_semaphore, #tpu.memory_space<semaphore_mem>>)
      %dma_wait3A = tpu.memref_slice %arg15[%mul3A_36] : memref<10240xf32, #tpu.memory_space<vmem_shared>> -> memref<640xf32, #tpu.memory_space<vmem_shared>>
      %dma_wait3A_54 = tpu.memref_slice %arg15[%mul3A_36] : memref<10240xf32, #tpu.memory_space<vmem_shared>> -> memref<640xf32, #tpu.memory_space<vmem_shared>>
      tpu.wait_dma2 semaphore(%run_scoped3A : memref<!tpu.dma_semaphore, #tpu.memory_space<semaphore_mem>>) src(%arg13 : memref<640xf32, #tpu.memory_space<vmem>>) dst(%dma_wait3A_54 : memref<640xf32, #tpu.memory_space<vmem_shared>>)
      tpu.yield
    }) : () -> ()
    %barrier3A = arith.constant 0 : index
    tpu.barrier barrier_id(%barrier3A)
    %scan3A_37 = arith.constant 0 : i32
    %scan3A_38 = arith.constant 0 : i32
    %scan3A_39 = arith.constant 81 : i32
    %scan3A_40 = arith.addi %scan3A_38, %scan3A_39 : i32
    %scan3A_41 = arith.constant 1 : i32
    %scan3A_42 = scf.for %scan3A_53 = %scan3A_38 to %scan3A_40 step %scan3A_41 iter_args(%scan3A_54 = %scan3A_37) -> (i32)  : i32 {
      "tpu.region"() ({
        %run_scoped3A = tpu.sem_alloc : memref<!tpu.dma_semaphore, #tpu.memory_space<semaphore_mem>>
        %dma_start3A = arith.constant 0 : i32
        %dma_start3A_383 = tpu.memref_slice %arg4[%add3A, %scan3A_53, %dma_start3A] : memref<32x81x128xi32, #tpu.memory_space<hbm>> -> memref<1x1x128xi32, #tpu.memory_space<hbm>>
        %dma_start3A_384 = tpu.memref_squeeze %dma_start3A_383 : memref<1x1x128xi32, #tpu.memory_space<hbm>> -> memref<128xi32, #tpu.memory_space<hbm>>
        %dma_start3A_385 = arith.constant 0 : i32
        %dma_start3A_386 = tpu.memref_slice %arg4[%add3A, %scan3A_53, %dma_start3A_385] : memref<32x81x128xi32, #tpu.memory_space<hbm>> -> memref<1x1x128xi32, #tpu.memory_space<hbm>>
        %dma_start3A_387 = tpu.memref_squeeze %dma_start3A_386 : memref<1x1x128xi32, #tpu.memory_space<hbm>> -> memref<128xi32, #tpu.memory_space<hbm>>
        tpu.enqueue_dma source(%dma_start3A_387 : memref<128xi32, #tpu.memory_space<hbm>>) target(%arg8 : memref<128xi32, #tpu.memory_space<vmem>>) target_semaphore(%run_scoped3A : memref<!tpu.dma_semaphore, #tpu.memory_space<semaphore_mem>>)
        %dma_wait3A = arith.constant 0 : i32
        %dma_wait3A_388 = tpu.memref_slice %arg4[%add3A, %scan3A_53, %dma_wait3A] : memref<32x81x128xi32, #tpu.memory_space<hbm>> -> memref<1x1x128xi32, #tpu.memory_space<hbm>>
        %dma_wait3A_389 = tpu.memref_squeeze %dma_wait3A_388 : memref<1x1x128xi32, #tpu.memory_space<hbm>> -> memref<128xi32, #tpu.memory_space<hbm>>
        %dma_wait3A_390 = arith.constant 0 : i32
        %dma_wait3A_391 = tpu.memref_slice %arg4[%add3A, %scan3A_53, %dma_wait3A_390] : memref<32x81x128xi32, #tpu.memory_space<hbm>> -> memref<1x1x128xi32, #tpu.memory_space<hbm>>
        %dma_wait3A_392 = tpu.memref_squeeze %dma_wait3A_391 : memref<1x1x128xi32, #tpu.memory_space<hbm>> -> memref<128xi32, #tpu.memory_space<hbm>>
        tpu.wait_dma2 semaphore(%run_scoped3A : memref<!tpu.dma_semaphore, #tpu.memory_space<semaphore_mem>>) src(%dma_wait3A_392 : memref<128xi32, #tpu.memory_space<hbm>>) dst(%arg8 : memref<128xi32, #tpu.memory_space<vmem>>)
        tpu.yield
      }) : () -> ()
      "tpu.region"() ({
        %run_scoped3A = tpu.sem_alloc : memref<!tpu.dma_semaphore, #tpu.memory_space<semaphore_mem>>
        %dma_start3A = arith.constant 0 : i32
        %dma_start3A_383 = tpu.memref_slice %arg5[%add3A, %scan3A_53, %dma_start3A] : memref<32x81x128xi32, #tpu.memory_space<hbm>> -> memref<1x1x128xi32, #tpu.memory_space<hbm>>
        %dma_start3A_384 = tpu.memref_squeeze %dma_start3A_383 : memref<1x1x128xi32, #tpu.memory_space<hbm>> -> memref<128xi32, #tpu.memory_space<hbm>>
        %dma_start3A_385 = arith.constant 0 : i32
        %dma_start3A_386 = tpu.memref_slice %arg5[%add3A, %scan3A_53, %dma_start3A_385] : memref<32x81x128xi32, #tpu.memory_space<hbm>> -> memref<1x1x128xi32, #tpu.memory_space<hbm>>
        %dma_start3A_387 = tpu.memref_squeeze %dma_start3A_386 : memref<1x1x128xi32, #tpu.memory_space<hbm>> -> memref<128xi32, #tpu.memory_space<hbm>>
        tpu.enqueue_dma source(%dma_start3A_387 : memref<128xi32, #tpu.memory_space<hbm>>) target(%arg9 : memref<128xi32, #tpu.memory_space<vmem>>) target_semaphore(%run_scoped3A : memref<!tpu.dma_semaphore, #tpu.memory_space<semaphore_mem>>)
        %dma_wait3A = arith.constant 0 : i32
        %dma_wait3A_388 = tpu.memref_slice %arg5[%add3A, %scan3A_53, %dma_wait3A] : memref<32x81x128xi32, #tpu.memory_space<hbm>> -> memref<1x1x128xi32, #tpu.memory_space<hbm>>
        %dma_wait3A_389 = tpu.memref_squeeze %dma_wait3A_388 : memref<1x1x128xi32, #tpu.memory_space<hbm>> -> memref<128xi32, #tpu.memory_space<hbm>>
        %dma_wait3A_390 = arith.constant 0 : i32
        %dma_wait3A_391 = tpu.memref_slice %arg5[%add3A, %scan3A_53, %dma_wait3A_390] : memref<32x81x128xi32, #tpu.memory_space<hbm>> -> memref<1x1x128xi32, #tpu.memory_space<hbm>>
        %dma_wait3A_392 = tpu.memref_squeeze %dma_wait3A_391 : memref<1x1x128xi32, #tpu.memory_space<hbm>> -> memref<128xi32, #tpu.memory_space<hbm>>
        tpu.wait_dma2 semaphore(%run_scoped3A : memref<!tpu.dma_semaphore, #tpu.memory_space<semaphore_mem>>) src(%dma_wait3A_392 : memref<128xi32, #tpu.memory_space<hbm>>) dst(%arg9 : memref<128xi32, #tpu.memory_space<vmem>>)
        tpu.yield
      }) : () -> ()
      %get3A = arith.constant 0 : index
      %get3A_55 = tpu.vector_load %arg8[%get3A] {strides = array<i32>} : memref<128xi32, #tpu.memory_space<vmem>>, vector<16xi32>,
      %get3A_56 = arith.constant 0 : index
      %get3A_57 = tpu.vector_load %arg9[%get3A_56] {strides = array<i32>} : memref<128xi32, #tpu.memory_space<vmem>>, vector<16xi32>,
      %mul3A_58 = arith.constant 2 : i32
      %mul3A_59 = vector.broadcast %mul3A_58 : i32 to vector<16xi32>
      %mul3A_60 = arith.muli %get3A_55, %mul3A_59 : vector<16xi32>
      %gather3A = tpu.vector_load_idx %arg10[%mul3A_60] : memref<20480xf32, #tpu.memory_space<vmem>>[vector<16xi32>], vector<16xf32>,
      %mul3A_61 = arith.constant 2 : i32
      %mul3A_62 = vector.broadcast %mul3A_61 : i32 to vector<16xi32>
      %mul3A_63 = arith.muli %get3A_57, %mul3A_62 : vector<16xi32>
      %add3A_64 = arith.constant 1 : i32
      %add3A_65 = vector.broadcast %add3A_64 : i32 to vector<16xi32>
      %add3A_66 = arith.addi %mul3A_63, %add3A_65 : vector<16xi32>
      %gather3A_67 = tpu.vector_load_idx %arg10[%add3A_66] : memref<20480xf32, #tpu.memory_space<vmem>>[vector<16xi32>], vector<16xf32>,
      %add3A_68 = arith.addf %gather3A, %gather3A_67 : vector<16xf32>
      %gt3A = arith.constant 0.000000e+00 : f32
      %gt3A_69 = vector.broadcast %gt3A : f32 to vector<16xf32>
      %gt3A_70 = arith.cmpf ogt, %add3A_68, %gt3A_69 : vector<16xf32>
      %mul3A_71 = arith.constant 2.000000e-01 : f32
      %mul3A_72 = vector.broadcast %mul3A_71 : f32 to vector<16xf32>
      %mul3A_73 = arith.mulf %mul3A_72, %add3A_68 : vector<16xf32>
      %select_n3A = arith.select %gt3A_70, %add3A_68, %mul3A_73 : vector<16xi1>, vector<16xf32>
      %exp3A = math.exp %select_n3A : vector<16xf32>
      %mul3A_74 = arith.constant 10368 : i32
      %mul3A_75 = arith.muli %add3A, %mul3A_74 : i32
      %mul3A_76 = arith.constant 128 : i32
      %mul3A_77 = arith.muli %scan3A_53, %mul3A_76 : i32
      %add3A_78 = arith.addi %mul3A_75, %mul3A_77 : i32
      %add3A_79 = arith.constant 0 : i32
      %add3A_80 = arith.addi %add3A_78, %add3A_79 : i32
      %add3A_81 = vector.broadcast %add3A_80 : i32 to vector<16xi32>
      %add3A_82 = arith.addi %add3A_81, %iota3A : vector<16xi32>
      %lt3A = arith.constant 330000 : i32
      %lt3A_83 = vector.broadcast %lt3A : i32 to vector<16xi32>
      %lt3A_84 = arith.cmpi slt, %add3A_82, %lt3A_83 : vector<16xi32>
      %jit3A = arith.constant 0.000000e+00 : f32
      %broadcast_in_dim3A_85 = vector.broadcast %jit3A : f32 to vector<16xf32>
      %select_n3A_86 = arith.select %lt3A_84, %exp3A, %broadcast_in_dim3A_85 : vector<16xi1>, vector<16xf32>
      %swap3A = arith.constant 0 : index
      %swap3A_87 = tpu.vector_load %arg11[%swap3A] {strides = array<i32>} : memref<128xf32, #tpu.memory_space<vmem>>, vector<16xf32>,
      tpu.vector_store %arg11[%swap3A], %select_n3A_86 {strides = array<i32>} : memref<128xf32, #tpu.memory_space<vmem>>, vector<16xf32>,
      %get3A_88 = arith.constant 16 : index
      %get3A_89 = tpu.vector_load %arg8[%get3A_88] {strides = array<i32>} : memref<128xi32, #tpu.memory_space<vmem>>, vector<16xi32>,
      %get3A_90 = arith.constant 16 : index
      %get3A_91 = tpu.vector_load %arg9[%get3A_90] {strides = array<i32>} : memref<128xi32, #tpu.memory_space<vmem>>, vector<16xi32>,
      %mul3A_92 = arith.constant 2 : i32
      %mul3A_93 = vector.broadcast %mul3A_92 : i32 to vector<16xi32>
      %mul3A_94 = arith.muli %get3A_89, %mul3A_93 : vector<16xi32>
      %gather3A_95 = tpu.vector_load_idx %arg10[%mul3A_94] : memref<20480xf32, #tpu.memory_space<vmem>>[vector<16xi32>], vector<16xf32>,
      %mul3A_96 = arith.constant 2 : i32
      %mul3A_97 = vector.broadcast %mul3A_96 : i32 to vector<16xi32>
      %mul3A_98 = arith.muli %get3A_91, %mul3A_97 : vector<16xi32>
      %add3A_99 = arith.constant 1 : i32
      %add3A_100 = vector.broadcast %add3A_99 : i32 to vector<16xi32>
      %add3A_101 = arith.addi %mul3A_98, %add3A_100 : vector<16xi32>
      %gather3A_102 = tpu.vector_load_idx %arg10[%add3A_101] : memref<20480xf32, #tpu.memory_space<vmem>>[vector<16xi32>], vector<16xf32>,
      %add3A_103 = arith.addf %gather3A_95, %gather3A_102 : vector<16xf32>
      %gt3A_104 = arith.constant 0.000000e+00 : f32
      %gt3A_105 = vector.broadcast %gt3A_104 : f32 to vector<16xf32>
      %gt3A_106 = arith.cmpf ogt, %add3A_103, %gt3A_105 : vector<16xf32>
      %mul3A_107 = arith.constant 2.000000e-01 : f32
      %mul3A_108 = vector.broadcast %mul3A_107 : f32 to vector<16xf32>
      %mul3A_109 = arith.mulf %mul3A_108, %add3A_103 : vector<16xf32>
      %select_n3A_110 = arith.select %gt3A_106, %add3A_103, %mul3A_109 : vector<16xi1>, vector<16xf32>
      %exp3A_111 = math.exp %select_n3A_110 : vector<16xf32>
      %mul3A_112 = arith.constant 10368 : i32
      %mul3A_113 = arith.muli %add3A, %mul3A_112 : i32
      %mul3A_114 = arith.constant 128 : i32
      %mul3A_115 = arith.muli %scan3A_53, %mul3A_114 : i32
      %add3A_116 = arith.addi %mul3A_113, %mul3A_115 : i32
      %add3A_117 = arith.constant 16 : i32
      %add3A_118 = arith.addi %add3A_116, %add3A_117 : i32
      %add3A_119 = vector.broadcast %add3A_118 : i32 to vector<16xi32>
      %add3A_120 = arith.addi %add3A_119, %iota3A : vector<16xi32>
      %lt3A_121 = arith.constant 330000 : i32
      %lt3A_122 = vector.broadcast %lt3A_121 : i32 to vector<16xi32>
      %lt3A_123 = arith.cmpi slt, %add3A_120, %lt3A_122 : vector<16xi32>
      %jit3A_124 = arith.constant 0.000000e+00 : f32
      %broadcast_in_dim3A_125 = vector.broadcast %jit3A_124 : f32 to vector<16xf32>
      %select_n3A_126 = arith.select %lt3A_123, %exp3A_111, %broadcast_in_dim3A_125 : vector<16xi1>, vector<16xf32>
      %swap3A_127 = arith.constant 16 : index
      %swap3A_128 = tpu.vector_load %arg11[%swap3A_127] {strides = array<i32>} : memref<128xf32, #tpu.memory_space<vmem>>, vector<16xf32>,
      tpu.vector_store %arg11[%swap3A_127], %select_n3A_126 {strides = array<i32>} : memref<128xf32, #tpu.memory_space<vmem>>, vector<16xf32>,
      %get3A_129 = arith.constant 32 : index
      %get3A_130 = tpu.vector_load %arg8[%get3A_129] {strides = array<i32>} : memref<128xi32, #tpu.memory_space<vmem>>, vector<16xi32>,
      %get3A_131 = arith.constant 32 : index
      %get3A_132 = tpu.vector_load %arg9[%get3A_131] {strides = array<i32>} : memref<128xi32, #tpu.memory_space<vmem>>, vector<16xi32>,
      %mul3A_133 = arith.constant 2 : i32
      %mul3A_134 = vector.broadcast %mul3A_133 : i32 to vector<16xi32>
      %mul3A_135 = arith.muli %get3A_130, %mul3A_134 : vector<16xi32>
      %gather3A_136 = tpu.vector_load_idx %arg10[%mul3A_135] : memref<20480xf32, #tpu.memory_space<vmem>>[vector<16xi32>], vector<16xf32>,
      %mul3A_137 = arith.constant 2 : i32
      %mul3A_138 = vector.broadcast %mul3A_137 : i32 to vector<16xi32>
      %mul3A_139 = arith.muli %get3A_132, %mul3A_138 : vector<16xi32>
      %add3A_140 = arith.constant 1 : i32
      %add3A_141 = vector.broadcast %add3A_140 : i32 to vector<16xi32>
      %add3A_142 = arith.addi %mul3A_139, %add3A_141 : vector<16xi32>
      %gather3A_143 = tpu.vector_load_idx %arg10[%add3A_142] : memref<20480xf32, #tpu.memory_space<vmem>>[vector<16xi32>], vector<16xf32>,
      %add3A_144 = arith.addf %gather3A_136, %gather3A_143 : vector<16xf32>
      %gt3A_145 = arith.constant 0.000000e+00 : f32
      %gt3A_146 = vector.broadcast %gt3A_145 : f32 to vector<16xf32>
      %gt3A_147 = arith.cmpf ogt, %add3A_144, %gt3A_146 : vector<16xf32>
      %mul3A_148 = arith.constant 2.000000e-01 : f32
      %mul3A_149 = vector.broadcast %mul3A_148 : f32 to vector<16xf32>
      %mul3A_150 = arith.mulf %mul3A_149, %add3A_144 : vector<16xf32>
      %select_n3A_151 = arith.select %gt3A_147, %add3A_144, %mul3A_150 : vector<16xi1>, vector<16xf32>
      %exp3A_152 = math.exp %select_n3A_151 : vector<16xf32>
      %mul3A_153 = arith.constant 10368 : i32
      %mul3A_154 = arith.muli %add3A, %mul3A_153 : i32
      %mul3A_155 = arith.constant 128 : i32
      %mul3A_156 = arith.muli %scan3A_53, %mul3A_155 : i32
      %add3A_157 = arith.addi %mul3A_154, %mul3A_156 : i32
      %add3A_158 = arith.constant 32 : i32
      %add3A_159 = arith.addi %add3A_157, %add3A_158 : i32
      %add3A_160 = vector.broadcast %add3A_159 : i32 to vector<16xi32>
      %add3A_161 = arith.addi %add3A_160, %iota3A : vector<16xi32>
      %lt3A_162 = arith.constant 330000 : i32
      %lt3A_163 = vector.broadcast %lt3A_162 : i32 to vector<16xi32>
      %lt3A_164 = arith.cmpi slt, %add3A_161, %lt3A_163 : vector<16xi32>
      %jit3A_165 = arith.constant 0.000000e+00 : f32
      %broadcast_in_dim3A_166 = vector.broadcast %jit3A_165 : f32 to vector<16xf32>
      %select_n3A_167 = arith.select %lt3A_164, %exp3A_152, %broadcast_in_dim3A_166 : vector<16xi1>, vector<16xf32>
      %swap3A_168 = arith.constant 32 : index
      %swap3A_169 = tpu.vector_load %arg11[%swap3A_168] {strides = array<i32>} : memref<128xf32, #tpu.memory_space<vmem>>, vector<16xf32>,
      tpu.vector_store %arg11[%swap3A_168], %select_n3A_167 {strides = array<i32>} : memref<128xf32, #tpu.memory_space<vmem>>, vector<16xf32>,
      %get3A_170 = arith.constant 48 : index
      %get3A_171 = tpu.vector_load %arg8[%get3A_170] {strides = array<i32>} : memref<128xi32, #tpu.memory_space<vmem>>, vector<16xi32>,
      %get3A_172 = arith.constant 48 : index
      %get3A_173 = tpu.vector_load %arg9[%get3A_172] {strides = array<i32>} : memref<128xi32, #tpu.memory_space<vmem>>, vector<16xi32>,
      %mul3A_174 = arith.constant 2 : i32
      %mul3A_175 = vector.broadcast %mul3A_174 : i32 to vector<16xi32>
      %mul3A_176 = arith.muli %get3A_171, %mul3A_175 : vector<16xi32>
      %gather3A_177 = tpu.vector_load_idx %arg10[%mul3A_176] : memref<20480xf32, #tpu.memory_space<vmem>>[vector<16xi32>], vector<16xf32>,
      %mul3A_178 = arith.constant 2 : i32
      %mul3A_179 = vector.broadcast %mul3A_178 : i32 to vector<16xi32>
      %mul3A_180 = arith.muli %get3A_173, %mul3A_179 : vector<16xi32>
      %add3A_181 = arith.constant 1 : i32
      %add3A_182 = vector.broadcast %add3A_181 : i32 to vector<16xi32>
      %add3A_183 = arith.addi %mul3A_180, %add3A_182 : vector<16xi32>
      %gather3A_184 = tpu.vector_load_idx %arg10[%add3A_183] : memref<20480xf32, #tpu.memory_space<vmem>>[vector<16xi32>], vector<16xf32>,
      %add3A_185 = arith.addf %gather3A_177, %gather3A_184 : vector<16xf32>
      %gt3A_186 = arith.constant 0.000000e+00 : f32
      %gt3A_187 = vector.broadcast %gt3A_186 : f32 to vector<16xf32>
      %gt3A_188 = arith.cmpf ogt, %add3A_185, %gt3A_187 : vector<16xf32>
      %mul3A_189 = arith.constant 2.000000e-01 : f32
      %mul3A_190 = vector.broadcast %mul3A_189 : f32 to vector<16xf32>
      %mul3A_191 = arith.mulf %mul3A_190, %add3A_185 : vector<16xf32>
      %select_n3A_192 = arith.select %gt3A_188, %add3A_185, %mul3A_191 : vector<16xi1>, vector<16xf32>
      %exp3A_193 = math.exp %select_n3A_192 : vector<16xf32>
      %mul3A_194 = arith.constant 10368 : i32
      %mul3A_195 = arith.muli %add3A, %mul3A_194 : i32
      %mul3A_196 = arith.constant 128 : i32
      %mul3A_197 = arith.muli %scan3A_53, %mul3A_196 : i32
      %add3A_198 = arith.addi %mul3A_195, %mul3A_197 : i32
      %add3A_199 = arith.constant 48 : i32
      %add3A_200 = arith.addi %add3A_198, %add3A_199 : i32
      %add3A_201 = vector.broadcast %add3A_200 : i32 to vector<16xi32>
      %add3A_202 = arith.addi %add3A_201, %iota3A : vector<16xi32>
      %lt3A_203 = arith.constant 330000 : i32
      %lt3A_204 = vector.broadcast %lt3A_203 : i32 to vector<16xi32>
      %lt3A_205 = arith.cmpi slt, %add3A_202, %lt3A_204 : vector<16xi32>
      %jit3A_206 = arith.constant 0.000000e+00 : f32
      %broadcast_in_dim3A_207 = vector.broadcast %jit3A_206 : f32 to vector<16xf32>
      %select_n3A_208 = arith.select %lt3A_205, %exp3A_193, %broadcast_in_dim3A_207 : vector<16xi1>, vector<16xf32>
      %swap3A_209 = arith.constant 48 : index
      %swap3A_210 = tpu.vector_load %arg11[%swap3A_209] {strides = array<i32>} : memref<128xf32, #tpu.memory_space<vmem>>, vector<16xf32>,
      tpu.vector_store %arg11[%swap3A_209], %select_n3A_208 {strides = array<i32>} : memref<128xf32, #tpu.memory_space<vmem>>, vector<16xf32>,
      %get3A_211 = arith.constant 64 : index
      %get3A_212 = tpu.vector_load %arg8[%get3A_211] {strides = array<i32>} : memref<128xi32, #tpu.memory_space<vmem>>, vector<16xi32>,
      %get3A_213 = arith.constant 64 : index
      %get3A_214 = tpu.vector_load %arg9[%get3A_213] {strides = array<i32>} : memref<128xi32, #tpu.memory_space<vmem>>, vector<16xi32>,
      %mul3A_215 = arith.constant 2 : i32
      %mul3A_216 = vector.broadcast %mul3A_215 : i32 to vector<16xi32>
      %mul3A_217 = arith.muli %get3A_212, %mul3A_216 : vector<16xi32>
      %gather3A_218 = tpu.vector_load_idx %arg10[%mul3A_217] : memref<20480xf32, #tpu.memory_space<vmem>>[vector<16xi32>], vector<16xf32>,
      %mul3A_219 = arith.constant 2 : i32
      %mul3A_220 = vector.broadcast %mul3A_219 : i32 to vector<16xi32>
      %mul3A_221 = arith.muli %get3A_214, %mul3A_220 : vector<16xi32>
      %add3A_222 = arith.constant 1 : i32
      %add3A_223 = vector.broadcast %add3A_222 : i32 to vector<16xi32>
      %add3A_224 = arith.addi %mul3A_221, %add3A_223 : vector<16xi32>
      %gather3A_225 = tpu.vector_load_idx %arg10[%add3A_224] : memref<20480xf32, #tpu.memory_space<vmem>>[vector<16xi32>], vector<16xf32>,
      %add3A_226 = arith.addf %gather3A_218, %gather3A_225 : vector<16xf32>
      %gt3A_227 = arith.constant 0.000000e+00 : f32
      %gt3A_228 = vector.broadcast %gt3A_227 : f32 to vector<16xf32>
      %gt3A_229 = arith.cmpf ogt, %add3A_226, %gt3A_228 : vector<16xf32>
      %mul3A_230 = arith.constant 2.000000e-01 : f32
      %mul3A_231 = vector.broadcast %mul3A_230 : f32 to vector<16xf32>
      %mul3A_232 = arith.mulf %mul3A_231, %add3A_226 : vector<16xf32>
      %select_n3A_233 = arith.select %gt3A_229, %add3A_226, %mul3A_232 : vector<16xi1>, vector<16xf32>
      %exp3A_234 = math.exp %select_n3A_233 : vector<16xf32>
      %mul3A_235 = arith.constant 10368 : i32
      %mul3A_236 = arith.muli %add3A, %mul3A_235 : i32
      %mul3A_237 = arith.constant 128 : i32
      %mul3A_238 = arith.muli %scan3A_53, %mul3A_237 : i32
      %add3A_239 = arith.addi %mul3A_236, %mul3A_238 : i32
      %add3A_240 = arith.constant 64 : i32
      %add3A_241 = arith.addi %add3A_239, %add3A_240 : i32
      %add3A_242 = vector.broadcast %add3A_241 : i32 to vector<16xi32>
      %add3A_243 = arith.addi %add3A_242, %iota3A : vector<16xi32>
      %lt3A_244 = arith.constant 330000 : i32
      %lt3A_245 = vector.broadcast %lt3A_244 : i32 to vector<16xi32>
      %lt3A_246 = arith.cmpi slt, %add3A_243, %lt3A_245 : vector<16xi32>
      %jit3A_247 = arith.constant 0.000000e+00 : f32
      %broadcast_in_dim3A_248 = vector.broadcast %jit3A_247 : f32 to vector<16xf32>
      %select_n3A_249 = arith.select %lt3A_246, %exp3A_234, %broadcast_in_dim3A_248 : vector<16xi1>, vector<16xf32>
      %swap3A_250 = arith.constant 64 : index
      %swap3A_251 = tpu.vector_load %arg11[%swap3A_250] {strides = array<i32>} : memref<128xf32, #tpu.memory_space<vmem>>, vector<16xf32>,
      tpu.vector_store %arg11[%swap3A_250], %select_n3A_249 {strides = array<i32>} : memref<128xf32, #tpu.memory_space<vmem>>, vector<16xf32>,
      %get3A_252 = arith.constant 80 : index
      %get3A_253 = tpu.vector_load %arg8[%get3A_252] {strides = array<i32>} : memref<128xi32, #tpu.memory_space<vmem>>, vector<16xi32>,
      %get3A_254 = arith.constant 80 : index
      %get3A_255 = tpu.vector_load %arg9[%get3A_254] {strides = array<i32>} : memref<128xi32, #tpu.memory_space<vmem>>, vector<16xi32>,
      %mul3A_256 = arith.constant 2 : i32
      %mul3A_257 = vector.broadcast %mul3A_256 : i32 to vector<16xi32>
      %mul3A_258 = arith.muli %get3A_253, %mul3A_257 : vector<16xi32>
      %gather3A_259 = tpu.vector_load_idx %arg10[%mul3A_258] : memref<20480xf32, #tpu.memory_space<vmem>>[vector<16xi32>], vector<16xf32>,
      %mul3A_260 = arith.constant 2 : i32
      %mul3A_261 = vector.broadcast %mul3A_260 : i32 to vector<16xi32>
      %mul3A_262 = arith.muli %get3A_255, %mul3A_261 : vector<16xi32>
      %add3A_263 = arith.constant 1 : i32
      %add3A_264 = vector.broadcast %add3A_263 : i32 to vector<16xi32>
      %add3A_265 = arith.addi %mul3A_262, %add3A_264 : vector<16xi32>
      %gather3A_266 = tpu.vector_load_idx %arg10[%add3A_265] : memref<20480xf32, #tpu.memory_space<vmem>>[vector<16xi32>], vector<16xf32>,
      %add3A_267 = arith.addf %gather3A_259, %gather3A_266 : vector<16xf32>
      %gt3A_268 = arith.constant 0.000000e+00 : f32
      %gt3A_269 = vector.broadcast %gt3A_268 : f32 to vector<16xf32>
      %gt3A_270 = arith.cmpf ogt, %add3A_267, %gt3A_269 : vector<16xf32>
      %mul3A_271 = arith.constant 2.000000e-01 : f32
      %mul3A_272 = vector.broadcast %mul3A_271 : f32 to vector<16xf32>
      %mul3A_273 = arith.mulf %mul3A_272, %add3A_267 : vector<16xf32>
      %select_n3A_274 = arith.select %gt3A_270, %add3A_267, %mul3A_273 : vector<16xi1>, vector<16xf32>
      %exp3A_275 = math.exp %select_n3A_274 : vector<16xf32>
      %mul3A_276 = arith.constant 10368 : i32
      %mul3A_277 = arith.muli %add3A, %mul3A_276 : i32
      %mul3A_278 = arith.constant 128 : i32
      %mul3A_279 = arith.muli %scan3A_53, %mul3A_278 : i32
      %add3A_280 = arith.addi %mul3A_277, %mul3A_279 : i32
      %add3A_281 = arith.constant 80 : i32
      %add3A_282 = arith.addi %add3A_280, %add3A_281 : i32
      %add3A_283 = vector.broadcast %add3A_282 : i32 to vector<16xi32>
      %add3A_284 = arith.addi %add3A_283, %iota3A : vector<16xi32>
      %lt3A_285 = arith.constant 330000 : i32
      %lt3A_286 = vector.broadcast %lt3A_285 : i32 to vector<16xi32>
      %lt3A_287 = arith.cmpi slt, %add3A_284, %lt3A_286 : vector<16xi32>
      %jit3A_288 = arith.constant 0.000000e+00 : f32
      %broadcast_in_dim3A_289 = vector.broadcast %jit3A_288 : f32 to vector<16xf32>
      %select_n3A_290 = arith.select %lt3A_287, %exp3A_275, %broadcast_in_dim3A_289 : vector<16xi1>, vector<16xf32>
      %swap3A_291 = arith.constant 80 : index
      %swap3A_292 = tpu.vector_load %arg11[%swap3A_291] {strides = array<i32>} : memref<128xf32, #tpu.memory_space<vmem>>, vector<16xf32>,
      tpu.vector_store %arg11[%swap3A_291], %select_n3A_290 {strides = array<i32>} : memref<128xf32, #tpu.memory_space<vmem>>, vector<16xf32>,
      %get3A_293 = arith.constant 96 : index
      %get3A_294 = tpu.vector_load %arg8[%get3A_293] {strides = array<i32>} : memref<128xi32, #tpu.memory_space<vmem>>, vector<16xi32>,
      %get3A_295 = arith.constant 96 : index
      %get3A_296 = tpu.vector_load %arg9[%get3A_295] {strides = array<i32>} : memref<128xi32, #tpu.memory_space<vmem>>, vector<16xi32>,
      %mul3A_297 = arith.constant 2 : i32
      %mul3A_298 = vector.broadcast %mul3A_297 : i32 to vector<16xi32>
      %mul3A_299 = arith.muli %get3A_294, %mul3A_298 : vector<16xi32>
      %gather3A_300 = tpu.vector_load_idx %arg10[%mul3A_299] : memref<20480xf32, #tpu.memory_space<vmem>>[vector<16xi32>], vector<16xf32>,
      %mul3A_301 = arith.constant 2 : i32
      %mul3A_302 = vector.broadcast %mul3A_301 : i32 to vector<16xi32>
      %mul3A_303 = arith.muli %get3A_296, %mul3A_302 : vector<16xi32>
      %add3A_304 = arith.constant 1 : i32
      %add3A_305 = vector.broadcast %add3A_304 : i32 to vector<16xi32>
      %add3A_306 = arith.addi %mul3A_303, %add3A_305 : vector<16xi32>
      %gather3A_307 = tpu.vector_load_idx %arg10[%add3A_306] : memref<20480xf32, #tpu.memory_space<vmem>>[vector<16xi32>], vector<16xf32>,
      %add3A_308 = arith.addf %gather3A_300, %gather3A_307 : vector<16xf32>
      %gt3A_309 = arith.constant 0.000000e+00 : f32
      %gt3A_310 = vector.broadcast %gt3A_309 : f32 to vector<16xf32>
      %gt3A_311 = arith.cmpf ogt, %add3A_308, %gt3A_310 : vector<16xf32>
      %mul3A_312 = arith.constant 2.000000e-01 : f32
      %mul3A_313 = vector.broadcast %mul3A_312 : f32 to vector<16xf32>
      %mul3A_314 = arith.mulf %mul3A_313, %add3A_308 : vector<16xf32>
      %select_n3A_315 = arith.select %gt3A_311, %add3A_308, %mul3A_314 : vector<16xi1>, vector<16xf32>
      %exp3A_316 = math.exp %select_n3A_315 : vector<16xf32>
      %mul3A_317 = arith.constant 10368 : i32
      %mul3A_318 = arith.muli %add3A, %mul3A_317 : i32
      %mul3A_319 = arith.constant 128 : i32
      %mul3A_320 = arith.muli %scan3A_53, %mul3A_319 : i32
      %add3A_321 = arith.addi %mul3A_318, %mul3A_320 : i32
      %add3A_322 = arith.constant 96 : i32
      %add3A_323 = arith.addi %add3A_321, %add3A_322 : i32
      %add3A_324 = vector.broadcast %add3A_323 : i32 to vector<16xi32>
      %add3A_325 = arith.addi %add3A_324, %iota3A : vector<16xi32>
      %lt3A_326 = arith.constant 330000 : i32
      %lt3A_327 = vector.broadcast %lt3A_326 : i32 to vector<16xi32>
      %lt3A_328 = arith.cmpi slt, %add3A_325, %lt3A_327 : vector<16xi32>
      %jit3A_329 = arith.constant 0.000000e+00 : f32
      %broadcast_in_dim3A_330 = vector.broadcast %jit3A_329 : f32 to vector<16xf32>
      %select_n3A_331 = arith.select %lt3A_328, %exp3A_316, %broadcast_in_dim3A_330 : vector<16xi1>, vector<16xf32>
      %swap3A_332 = arith.constant 96 : index
      %swap3A_333 = tpu.vector_load %arg11[%swap3A_332] {strides = array<i32>} : memref<128xf32, #tpu.memory_space<vmem>>, vector<16xf32>,
      tpu.vector_store %arg11[%swap3A_332], %select_n3A_331 {strides = array<i32>} : memref<128xf32, #tpu.memory_space<vmem>>, vector<16xf32>,
      %get3A_334 = arith.constant 112 : index
      %get3A_335 = tpu.vector_load %arg8[%get3A_334] {strides = array<i32>} : memref<128xi32, #tpu.memory_space<vmem>>, vector<16xi32>,
      %get3A_336 = arith.constant 112 : index
      %get3A_337 = tpu.vector_load %arg9[%get3A_336] {strides = array<i32>} : memref<128xi32, #tpu.memory_space<vmem>>, vector<16xi32>,
      %mul3A_338 = arith.constant 2 : i32
      %mul3A_339 = vector.broadcast %mul3A_338 : i32 to vector<16xi32>
      %mul3A_340 = arith.muli %get3A_335, %mul3A_339 : vector<16xi32>
      %gather3A_341 = tpu.vector_load_idx %arg10[%mul3A_340] : memref<20480xf32, #tpu.memory_space<vmem>>[vector<16xi32>], vector<16xf32>,
      %mul3A_342 = arith.constant 2 : i32
      %mul3A_343 = vector.broadcast %mul3A_342 : i32 to vector<16xi32>
      %mul3A_344 = arith.muli %get3A_337, %mul3A_343 : vector<16xi32>
      %add3A_345 = arith.constant 1 : i32
      %add3A_346 = vector.broadcast %add3A_345 : i32 to vector<16xi32>
      %add3A_347 = arith.addi %mul3A_344, %add3A_346 : vector<16xi32>
      %gather3A_348 = tpu.vector_load_idx %arg10[%add3A_347] : memref<20480xf32, #tpu.memory_space<vmem>>[vector<16xi32>], vector<16xf32>,
      %add3A_349 = arith.addf %gather3A_341, %gather3A_348 : vector<16xf32>
      %gt3A_350 = arith.constant 0.000000e+00 : f32
      %gt3A_351 = vector.broadcast %gt3A_350 : f32 to vector<16xf32>
      %gt3A_352 = arith.cmpf ogt, %add3A_349, %gt3A_351 : vector<16xf32>
      %mul3A_353 = arith.constant 2.000000e-01 : f32
      %mul3A_354 = vector.broadcast %mul3A_353 : f32 to vector<16xf32>
      %mul3A_355 = arith.mulf %mul3A_354, %add3A_349 : vector<16xf32>
      %select_n3A_356 = arith.select %gt3A_352, %add3A_349, %mul3A_355 : vector<16xi1>, vector<16xf32>
      %exp3A_357 = math.exp %select_n3A_356 : vector<16xf32>
      %mul3A_358 = arith.constant 10368 : i32
      %mul3A_359 = arith.muli %add3A, %mul3A_358 : i32
      %mul3A_360 = arith.constant 128 : i32
      %mul3A_361 = arith.muli %scan3A_53, %mul3A_360 : i32
      %add3A_362 = arith.addi %mul3A_359, %mul3A_361 : i32
      %add3A_363 = arith.constant 112 : i32
      %add3A_364 = arith.addi %add3A_362, %add3A_363 : i32
      %add3A_365 = vector.broadcast %add3A_364 : i32 to vector<16xi32>
      %add3A_366 = arith.addi %add3A_365, %iota3A : vector<16xi32>
      %lt3A_367 = arith.constant 330000 : i32
      %lt3A_368 = vector.broadcast %lt3A_367 : i32 to vector<16xi32>
      %lt3A_369 = arith.cmpi slt, %add3A_366, %lt3A_368 : vector<16xi32>
      %jit3A_370 = arith.constant 0.000000e+00 : f32
      %broadcast_in_dim3A_371 = vector.broadcast %jit3A_370 : f32 to vector<16xf32>
      %select_n3A_372 = arith.select %lt3A_369, %exp3A_357, %broadcast_in_dim3A_371 : vector<16xi1>, vector<16xf32>
      %swap3A_373 = arith.constant 112 : index
      %swap3A_374 = tpu.vector_load %arg11[%swap3A_373] {strides = array<i32>} : memref<128xf32, #tpu.memory_space<vmem>>, vector<16xf32>,
      tpu.vector_store %arg11[%swap3A_373], %select_n3A_372 {strides = array<i32>} : memref<128xf32, #tpu.memory_space<vmem>>, vector<16xf32>,
      "tpu.region"() ({
        %run_scoped3A = tpu.sem_alloc : memref<!tpu.dma_semaphore, #tpu.memory_space<semaphore_mem>>
        %dma_start3A = arith.constant 0 : i32
        %dma_start3A_383 = tpu.memref_slice %arg15[%dma_start3A] : memref<10240xf32, #tpu.memory_space<vmem_shared>> -> memref<10240xf32, #tpu.memory_space<vmem_shared>>
        tpu.enqueue_indirect_dma source(%arg11 : memref<128xf32, #tpu.memory_space<vmem>>) target(%dma_start3A_383 : memref<10240xf32, #tpu.memory_space<vmem_shared>>) offsets(%arg9 : memref<128xi32, #tpu.memory_space<vmem>>) semaphore(%run_scoped3A : memref<!tpu.dma_semaphore, #tpu.memory_space<semaphore_mem>>) {add = true}
        %dma_wait3A = arith.constant 0 : i32
        %dma_wait3A_384 = tpu.memref_slice %arg15[%dma_wait3A] : memref<10240xf32, #tpu.memory_space<vmem_shared>> -> memref<10240xf32, #tpu.memory_space<vmem_shared>>
        tpu.wait_indirect_dma semaphore(%run_scoped3A : memref<!tpu.dma_semaphore, #tpu.memory_space<semaphore_mem>>) src(%arg11 : memref<128xf32, #tpu.memory_space<vmem>>) dst(%dma_wait3A_384 : memref<10240xf32, #tpu.memory_space<vmem_shared>>)
        tpu.yield
      }) : () -> ()
      "tpu.region"() ({
        %run_scoped3A = tpu.sem_alloc : memref<!tpu.dma_semaphore, #tpu.memory_space<semaphore_mem>>
        %dma_start3A = arith.constant 0 : i32
        %dma_start3A_383 = arith.constant 0 : i32
        %dma_start3A_384 = tpu.memref_slice %arg2[%dma_start3A, %dma_start3A_383] : memref<10240x128xf32, #tpu.memory_space<hbm>> -> memref<10240x128xf32, #tpu.memory_space<hbm>>
        tpu.enqueue_indirect_dma source(%dma_start3A_384 : memref<10240x128xf32, #tpu.memory_space<hbm>>) target(%arg12 : memref<128x128xf32, #tpu.memory_space<vmem>>) offsets(%arg8 : memref<128xi32, #tpu.memory_space<vmem>>) semaphore(%run_scoped3A : memref<!tpu.dma_semaphore, #tpu.memory_space<semaphore_mem>>)
        %dma_wait3A = arith.constant 0 : i32
        %dma_wait3A_385 = arith.constant 0 : i32
        %dma_wait3A_386 = tpu.memref_slice %arg2[%dma_wait3A, %dma_wait3A_385] : memref<10240x128xf32, #tpu.memory_space<hbm>> -> memref<10240x128xf32, #tpu.memory_space<hbm>>
        tpu.wait_indirect_dma semaphore(%run_scoped3A : memref<!tpu.dma_semaphore, #tpu.memory_space<semaphore_mem>>) src(%dma_wait3A_386 : memref<10240x128xf32, #tpu.memory_space<hbm>>) dst(%arg12 : memref<128x128xf32, #tpu.memory_space<vmem>>)
        tpu.yield
      }) : () -> ()
      %scan3A_375 = arith.constant 0 : i32
      %scan3A_376 = arith.constant 0 : i32
      %scan3A_377 = arith.constant 128 : i32
      %scan3A_378 = arith.addi %scan3A_376, %scan3A_377 : i32
      %scan3A_379 = arith.constant 1 : i32
      %scan3A_380 = scf.for %scan3A_383 = %scan3A_376 to %scan3A_378 step %scan3A_379 iter_args(%scan3A_384 = %scan3A_375) -> (i32)  : i32 {
        %broadcast_in_dim3A_385 = vector.broadcast %scan3A_383 : i32 to vector<16xi32>
        %gather3A_386 = tpu.vector_load_idx %arg11[%broadcast_in_dim3A_385] : memref<128xf32, #tpu.memory_space<vmem>>[vector<16xi32>], vector<16xf32>,
        %get3A_387 = arith.index_cast %scan3A_383 : i32 to index
        %get3A_388 = arith.constant 0 : index
        %get3A_389 = tpu.vector_load %arg12[%get3A_387, %get3A_388] {strides = array<i32>} : memref<128x128xf32, #tpu.memory_space<vmem>>, vector<16xf32>,
        %mul3A_390 = arith.mulf %get3A_389, %gather3A_386 : vector<16xf32>
        %swap3A_391 = arith.index_cast %scan3A_383 : i32 to index
        %swap3A_392 = arith.constant 0 : index
        %swap3A_393 = tpu.vector_load %arg12[%swap3A_391, %swap3A_392] {strides = array<i32>} : memref<128x128xf32, #tpu.memory_space<vmem>>, vector<16xf32>,
        tpu.vector_store %arg12[%swap3A_391, %swap3A_392], %mul3A_390 {strides = array<i32>} : memref<128x128xf32, #tpu.memory_space<vmem>>, vector<16xf32>,
        %get3A_394 = arith.index_cast %scan3A_383 : i32 to index
        %get3A_395 = arith.constant 16 : index
        %get3A_396 = tpu.vector_load %arg12[%get3A_394, %get3A_395] {strides = array<i32>} : memref<128x128xf32, #tpu.memory_space<vmem>>, vector<16xf32>,
        %mul3A_397 = arith.mulf %get3A_396, %gather3A_386 : vector<16xf32>
        %swap3A_398 = arith.index_cast %scan3A_383 : i32 to index
        %swap3A_399 = arith.constant 16 : index
        %swap3A_400 = tpu.vector_load %arg12[%swap3A_398, %swap3A_399] {strides = array<i32>} : memref<128x128xf32, #tpu.memory_space<vmem>>, vector<16xf32>,
        tpu.vector_store %arg12[%swap3A_398, %swap3A_399], %mul3A_397 {strides = array<i32>} : memref<128x128xf32, #tpu.memory_space<vmem>>, vector<16xf32>,
        %get3A_401 = arith.index_cast %scan3A_383 : i32 to index
        %get3A_402 = arith.constant 32 : index
        %get3A_403 = tpu.vector_load %arg12[%get3A_401, %get3A_402] {strides = array<i32>} : memref<128x128xf32, #tpu.memory_space<vmem>>, vector<16xf32>,
        %mul3A_404 = arith.mulf %get3A_403, %gather3A_386 : vector<16xf32>
        %swap3A_405 = arith.index_cast %scan3A_383 : i32 to index
        %swap3A_406 = arith.constant 32 : index
        %swap3A_407 = tpu.vector_load %arg12[%swap3A_405, %swap3A_406] {strides = array<i32>} : memref<128x128xf32, #tpu.memory_space<vmem>>, vector<16xf32>,
        tpu.vector_store %arg12[%swap3A_405, %swap3A_406], %mul3A_404 {strides = array<i32>} : memref<128x128xf32, #tpu.memory_space<vmem>>, vector<16xf32>,
        %get3A_408 = arith.index_cast %scan3A_383 : i32 to index
        %get3A_409 = arith.constant 48 : index
        %get3A_410 = tpu.vector_load %arg12[%get3A_408, %get3A_409] {strides = array<i32>} : memref<128x128xf32, #tpu.memory_space<vmem>>, vector<16xf32>,
        %mul3A_411 = arith.mulf %get3A_410, %gather3A_386 : vector<16xf32>
        %swap3A_412 = arith.index_cast %scan3A_383 : i32 to index
        %swap3A_413 = arith.constant 48 : index
        %swap3A_414 = tpu.vector_load %arg12[%swap3A_412, %swap3A_413] {strides = array<i32>} : memref<128x128xf32, #tpu.memory_space<vmem>>, vector<16xf32>,
        tpu.vector_store %arg12[%swap3A_412, %swap3A_413], %mul3A_411 {strides = array<i32>} : memref<128x128xf32, #tpu.memory_space<vmem>>, vector<16xf32>,
        %get3A_415 = arith.index_cast %scan3A_383 : i32 to index
        %get3A_416 = arith.constant 64 : index
        %get3A_417 = tpu.vector_load %arg12[%get3A_415, %get3A_416] {strides = array<i32>} : memref<128x128xf32, #tpu.memory_space<vmem>>, vector<16xf32>,
        %mul3A_418 = arith.mulf %get3A_417, %gather3A_386 : vector<16xf32>
        %swap3A_419 = arith.index_cast %scan3A_383 : i32 to index
        %swap3A_420 = arith.constant 64 : index
        %swap3A_421 = tpu.vector_load %arg12[%swap3A_419, %swap3A_420] {strides = array<i32>} : memref<128x128xf32, #tpu.memory_space<vmem>>, vector<16xf32>,
        tpu.vector_store %arg12[%swap3A_419, %swap3A_420], %mul3A_418 {strides = array<i32>} : memref<128x128xf32, #tpu.memory_space<vmem>>, vector<16xf32>,
        %get3A_422 = arith.index_cast %scan3A_383 : i32 to index
        %get3A_423 = arith.constant 80 : index
        %get3A_424 = tpu.vector_load %arg12[%get3A_422, %get3A_423] {strides = array<i32>} : memref<128x128xf32, #tpu.memory_space<vmem>>, vector<16xf32>,
        %mul3A_425 = arith.mulf %get3A_424, %gather3A_386 : vector<16xf32>
        %swap3A_426 = arith.index_cast %scan3A_383 : i32 to index
        %swap3A_427 = arith.constant 80 : index
        %swap3A_428 = tpu.vector_load %arg12[%swap3A_426, %swap3A_427] {strides = array<i32>} : memref<128x128xf32, #tpu.memory_space<vmem>>, vector<16xf32>,
        tpu.vector_store %arg12[%swap3A_426, %swap3A_427], %mul3A_425 {strides = array<i32>} : memref<128x128xf32, #tpu.memory_space<vmem>>, vector<16xf32>,
        %get3A_429 = arith.index_cast %scan3A_383 : i32 to index
        %get3A_430 = arith.constant 96 : index
        %get3A_431 = tpu.vector_load %arg12[%get3A_429, %get3A_430] {strides = array<i32>} : memref<128x128xf32, #tpu.memory_space<vmem>>, vector<16xf32>,
        %mul3A_432 = arith.mulf %get3A_431, %gather3A_386 : vector<16xf32>
        %swap3A_433 = arith.index_cast %scan3A_383 : i32 to index
        %swap3A_434 = arith.constant 96 : index
        %swap3A_435 = tpu.vector_load %arg12[%swap3A_433, %swap3A_434] {strides = array<i32>} : memref<128x128xf32, #tpu.memory_space<vmem>>, vector<16xf32>,
        tpu.vector_store %arg12[%swap3A_433, %swap3A_434], %mul3A_432 {strides = array<i32>} : memref<128x128xf32, #tpu.memory_space<vmem>>, vector<16xf32>,
        %get3A_436 = arith.index_cast %scan3A_383 : i32 to index
        %get3A_437 = arith.constant 112 : index
        %get3A_438 = tpu.vector_load %arg12[%get3A_436, %get3A_437] {strides = array<i32>} : memref<128x128xf32, #tpu.memory_space<vmem>>, vector<16xf32>,
        %mul3A_439 = arith.mulf %get3A_438, %gather3A_386 : vector<16xf32>
        %swap3A_440 = arith.index_cast %scan3A_383 : i32 to index
        %swap3A_441 = arith.constant 112 : index
        %swap3A_442 = tpu.vector_load %arg12[%swap3A_440, %swap3A_441] {strides = array<i32>} : memref<128x128xf32, #tpu.memory_space<vmem>>, vector<16xf32>,
        tpu.vector_store %arg12[%swap3A_440, %swap3A_441], %mul3A_439 {strides = array<i32>} : memref<128x128xf32, #tpu.memory_space<vmem>>, vector<16xf32>,
        %scan3A_443 = arith.constant 0 : i32
        scf.yield %scan3A_443 : i32
      }
      %scan3A_381 = arith.constant 128 : i32
      "tpu.region"() ({
        %run_scoped3A = tpu.sem_alloc : memref<!tpu.dma_semaphore, #tpu.memory_space<semaphore_mem>>
        %dma_start3A = arith.constant 0 : i32
        %dma_start3A_383 = arith.constant 0 : i32
        %dma_start3A_384 = tpu.memref_slice %arg14[%dma_start3A, %dma_start3A_383] : memref<10240x128xf32, #tpu.memory_space<vmem_shared>> -> memref<10240x128xf32, #tpu.memory_space<vmem_shared>>
        tpu.enqueue_indirect_dma source(%arg12 : memref<128x128xf32, #tpu.memory_space<vmem>>) target(%dma_start3A_384 : memref<10240x128xf32, #tpu.memory_space<vmem_shared>>) offsets(%arg9 : memref<128xi32, #tpu.memory_space<vmem>>) semaphore(%run_scoped3A : memref<!tpu.dma_semaphore, #tpu.memory_space<semaphore_mem>>) {add = true}
        %dma_wait3A = arith.constant 0 : i32
        %dma_wait3A_385 = arith.constant 0 : i32
        %dma_wait3A_386 = tpu.memref_slice %arg14[%dma_wait3A, %dma_wait3A_385] : memref<10240x128xf32, #tpu.memory_space<vmem_shared>> -> memref<10240x128xf32, #tpu.memory_space<vmem_shared>>
        tpu.wait_indirect_dma semaphore(%run_scoped3A : memref<!tpu.dma_semaphore, #tpu.memory_space<semaphore_mem>>) src(%arg12 : memref<128x128xf32, #tpu.memory_space<vmem>>) dst(%dma_wait3A_386 : memref<10240x128xf32, #tpu.memory_space<vmem_shared>>)
        tpu.yield
      }) : () -> ()
      %scan3A_382 = arith.constant 0 : i32
      scf.yield %scan3A_382 : i32
    }
    %scan3A_43 = arith.constant 81 : i32
    %barrier3A_44 = arith.constant 0 : index
    tpu.barrier barrier_id(%barrier3A_44)
    %mul3A_45 = arith.constant 640 : i32
    %mul3A_46 = arith.muli %arg1, %mul3A_45 : i32
    %mul3A_47 = arith.constant 640 : i32
    %mul3A_48 = arith.muli %arg1, %mul3A_47 : i32
    "tpu.region"() ({
      %run_scoped3A = tpu.sem_alloc : memref<!tpu.dma_semaphore, #tpu.memory_space<semaphore_mem>>
      %dma_start3A = arith.constant 0 : i32
      %dma_start3A_53 = tpu.memref_slice %arg6[%arg0, %mul3A_48, %dma_start3A] : memref<2x10240x128xf32, #tpu.memory_space<hbm>> -> memref<1x640x128xf32, #tpu.memory_space<hbm>>
      %dma_start3A_54 = tpu.memref_squeeze %dma_start3A_53 : memref<1x640x128xf32, #tpu.memory_space<hbm>> -> memref<640x128xf32, #tpu.memory_space<hbm>>
      %dma_start3A_55 = arith.constant 0 : i32
      %dma_start3A_56 = tpu.memref_slice %arg14[%mul3A_46, %dma_start3A_55] : memref<10240x128xf32, #tpu.memory_space<vmem_shared>> -> memref<640x128xf32, #tpu.memory_space<vmem_shared>>
      tpu.enqueue_dma source(%dma_start3A_56 : memref<640x128xf32, #tpu.memory_space<vmem_shared>>) target(%dma_start3A_54 : memref<640x128xf32, #tpu.memory_space<hbm>>) target_semaphore(%run_scoped3A : memref<!tpu.dma_semaphore, #tpu.memory_space<semaphore_mem>>)
      %dma_wait3A = arith.constant 0 : i32
      %dma_wait3A_57 = tpu.memref_slice %arg6[%arg0, %mul3A_48, %dma_wait3A] : memref<2x10240x128xf32, #tpu.memory_space<hbm>> -> memref<1x640x128xf32, #tpu.memory_space<hbm>>
      %dma_wait3A_58 = tpu.memref_squeeze %dma_wait3A_57 : memref<1x640x128xf32, #tpu.memory_space<hbm>> -> memref<640x128xf32, #tpu.memory_space<hbm>>
      %dma_wait3A_59 = arith.constant 0 : i32
      %dma_wait3A_60 = tpu.memref_slice %arg14[%mul3A_46, %dma_wait3A_59] : memref<10240x128xf32, #tpu.memory_space<vmem_shared>> -> memref<640x128xf32, #tpu.memory_space<vmem_shared>>
      tpu.wait_dma2 semaphore(%run_scoped3A : memref<!tpu.dma_semaphore, #tpu.memory_space<semaphore_mem>>) src(%dma_wait3A_60 : memref<640x128xf32, #tpu.memory_space<vmem_shared>>) dst(%dma_wait3A_58 : memref<640x128xf32, #tpu.memory_space<hbm>>)
      tpu.yield
    }) : () -> ()
    %mul3A_49 = arith.constant 640 : i32
    %mul3A_50 = arith.muli %arg1, %mul3A_49 : i32
    %mul3A_51 = arith.constant 640 : i32
    %mul3A_52 = arith.muli %arg1, %mul3A_51 : i32
    "tpu.region"() ({
      %run_scoped3A = tpu.sem_alloc : memref<!tpu.dma_semaphore, #tpu.memory_space<semaphore_mem>>
      %dma_start3A = tpu.memref_slice %arg7[%arg0, %mul3A_52] : memref<2x10240xf32, #tpu.memory_space<hbm>> -> memref<1x640xf32, #tpu.memory_space<hbm>>
      %dma_start3A_53 = tpu.memref_squeeze %dma_start3A : memref<1x640xf32, #tpu.memory_space<hbm>> -> memref<640xf32, #tpu.memory_space<hbm>>
      %dma_start3A_54 = tpu.memref_slice %arg15[%mul3A_50] : memref<10240xf32, #tpu.memory_space<vmem_shared>> -> memref<640xf32, #tpu.memory_space<vmem_shared>>
      tpu.enqueue_dma source(%dma_start3A_54 : memref<640xf32, #tpu.memory_space<vmem_shared>>) target(%dma_start3A_53 : memref<640xf32, #tpu.memory_space<hbm>>) target_semaphore(%run_scoped3A : memref<!tpu.dma_semaphore, #tpu.memory_space<semaphore_mem>>)
      %dma_wait3A = tpu.memref_slice %arg7[%arg0, %mul3A_52] : memref<2x10240xf32, #tpu.memory_space<hbm>> -> memref<1x640xf32, #tpu.memory_space<hbm>>
      %dma_wait3A_55 = tpu.memref_squeeze %dma_wait3A : memref<1x640xf32, #tpu.memory_space<hbm>> -> memref<640xf32, #tpu.memory_space<hbm>>
      %dma_wait3A_56 = tpu.memref_slice %arg15[%mul3A_50] : memref<10240xf32, #tpu.memory_space<vmem_shared>> -> memref<640xf32, #tpu.memory_space<vmem_shared>>
      tpu.wait_dma2 semaphore(%run_scoped3A : memref<!tpu.dma_semaphore, #tpu.memory_space<semaphore_mem>>) src(%dma_wait3A_56 : memref<640xf32, #tpu.memory_space<vmem_shared>>) dst(%dma_wait3A_55 : memref<640xf32, #tpu.memory_space<hbm>>)
      tpu.yield
    }) : () -> ()
    return
  }
}

module attributes {stable_mosaic.version = 14 : i64} {
  func.func @_dense_in_body(%arg0: i32, %arg1: memref<640x128xf32, #tpu.memory_space<vmem>>, %arg2: memref<128x128xf32, #tpu.memory_space<vmem>>, %arg3: memref<1x128xf32, #tpu.memory_space<vmem>>, %arg4: memref<1x128xf32, #tpu.memory_space<vmem>>, %arg5: memref<640x128xf32, #tpu.memory_space<vmem>>, %arg6: memref<640x2xf32, #tpu.memory_space<vmem>>) attributes {dimension_semantics = [#tpu.dimension_semantics<arbitrary>], iteration_bounds = array<i64: 16>, scalar_prefetch = 0 : i64, scratch_operands = 0 : i64, tpu.core_type = #tpu.core_type<tc>, window_params = [{transform_indices = @transform_0, window_bounds = array<i64: 640, 128>}, {pipeline_mode = #tpu.pipeline_mode<synchronous>, transform_indices = @transform_1, window_bounds = array<i64: 128, 128>}, {pipeline_mode = #tpu.pipeline_mode<synchronous>, transform_indices = @transform_2, window_bounds = array<i64: 1, 128>}, {pipeline_mode = #tpu.pipeline_mode<synchronous>, transform_indices = @transform_3, window_bounds = array<i64: 1, 128>}, {transform_indices = @transform_4, window_bounds = array<i64: 640, 128>}, {transform_indices = @transform_5, window_bounds = array<i64: 640, 2>}]} {
    %get3A = arith.constant 0 : index
    %get3A_0 = arith.constant 0 : index
    %get3A_1 = vector.load %arg1[%get3A, %get3A_0] : memref<640x128xf32, #tpu.memory_space<vmem>>, vector<640x128xf32>
    %get3A_2 = arith.constant 0 : index
    %get3A_3 = arith.constant 0 : index
    %get3A_4 = vector.load %arg2[%get3A_2, %get3A_3] : memref<128x128xf32, #tpu.memory_space<vmem>>, vector<128x128xf32>
    %dot_general3A = arith.constant dense<0.000000e+00> : vector<640x128xf32>
    %dot_general3A_5 = tpu.matmul %get3A_1, %get3A_4, %dot_general3A {dimension_numbers = #tpu.dot_dimension_numbers<[1], [0], [0], [1], [0, 0, 1, 1], [], []>, transpose_lhs_hint = false} : vector<640x128xf32>, vector<128x128xf32>, vector<640x128xf32> -> vector<640x128xf32>
    %swap3A = arith.constant 0 : index
    %swap3A_6 = arith.constant 0 : index
    %swap3A_7 = vector.load %arg5[%swap3A, %swap3A_6] : memref<640x128xf32, #tpu.memory_space<vmem>>, vector<640x128xf32>
    tpu.vector_store %arg5[%swap3A, %swap3A_6], %dot_general3A_5 {strides = array<i32>} : memref<640x128xf32, #tpu.memory_space<vmem>>, vector<640x128xf32>,
    %get3A_8 = arith.constant 0 : index
    %get3A_9 = arith.constant 0 : index
    %get3A_10 = vector.load %arg3[%get3A_8, %get3A_9] : memref<1x128xf32, #tpu.memory_space<vmem>>, vector<1x128xf32>
    %mul3A = vector.broadcast %get3A_10 : vector<1x128xf32> to vector<640x128xf32>
    %mul3A_11 = arith.mulf %dot_general3A_5, %mul3A : vector<640x128xf32>
    %reduce_sum3A = arith.constant dense<0.000000e+00> : vector<640xf32>
    %reduce_sum3A_12 = vector.multi_reduction <add>, %mul3A_11, %reduce_sum3A [1] : vector<640x128xf32> to vector<640xf32>
    %broadcast_in_dim3A = vector.shape_cast %reduce_sum3A_12 : vector<640xf32> to vector<640x1xf32>
    %get3A_13 = arith.constant 0 : index
    %get3A_14 = arith.constant 0 : index
    %get3A_15 = vector.load %arg4[%get3A_13, %get3A_14] : memref<1x128xf32, #tpu.memory_space<vmem>>, vector<1x128xf32>
    %mul3A_16 = vector.broadcast %get3A_15 : vector<1x128xf32> to vector<640x128xf32>
    %mul3A_17 = arith.mulf %dot_general3A_5, %mul3A_16 : vector<640x128xf32>
    %reduce_sum3A_18 = arith.constant dense<0.000000e+00> : vector<640xf32>
    %reduce_sum3A_19 = vector.multi_reduction <add>, %mul3A_17, %reduce_sum3A_18 [1] : vector<640x128xf32> to vector<640xf32>
    %broadcast_in_dim3A_20 = vector.shape_cast %reduce_sum3A_19 : vector<640xf32> to vector<640x1xf32>
    %concatenate3A = tpu.concatenate %broadcast_in_dim3A, %broadcast_in_dim3A_20 in 1 : vector<640x1xf32>, vector<640x1xf32> -> vector<640x2xf32>
    %swap3A_21 = arith.constant 0 : index
    %swap3A_22 = arith.constant 0 : index
    %swap3A_23 = vector.load %arg6[%swap3A_21, %swap3A_22] : memref<640x2xf32, #tpu.memory_space<vmem>>, vector<640x2xf32>
    tpu.vector_store %arg6[%swap3A_21, %swap3A_22], %concatenate3A {strides = array<i32>} : memref<640x2xf32, #tpu.memory_space<vmem>>, vector<640x2xf32>,
    return
  }
  func.func @transform_0(%arg0: i32) -> (i32, i32) {
    %c0_i32 = arith.constant 0 : i32
    %c0_i32_0 = arith.constant 0 : i32
    return %arg0, %c0_i32 : i32, i32
  }
  func.func @transform_1(%arg0: i32) -> (i32, i32) {
    %c0_i32 = arith.constant 0 : i32
    %c0_i32_0 = arith.constant 0 : i32
    %c0_i32_1 = arith.constant 0 : i32
    return %c0_i32, %c0_i32_0 : i32, i32
  }
  func.func @transform_2(%arg0: i32) -> (i32, i32) {
    %c0_i32 = arith.constant 0 : i32
    %c0_i32_0 = arith.constant 0 : i32
    %c0_i32_1 = arith.constant 0 : i32
    return %c0_i32, %c0_i32_0 : i32, i32
  }
  func.func @transform_3(%arg0: i32) -> (i32, i32) {
    %c0_i32 = arith.constant 0 : i32
    %c0_i32_0 = arith.constant 0 : i32
    %c0_i32_1 = arith.constant 0 : i32
    return %c0_i32, %c0_i32_0 : i32, i32
  }
  func.func @transform_4(%arg0: i32) -> (i32, i32) {
    %c0_i32 = arith.constant 0 : i32
    %c0_i32_0 = arith.constant 0 : i32
    return %arg0, %c0_i32 : i32, i32
  }
  func.func @transform_5(%arg0: i32) -> (i32, i32) {
    %c0_i32 = arith.constant 0 : i32
    %c0_i32_0 = arith.constant 0 : i32
    return %arg0, %c0_i32 : i32, i32
  }
}

module attributes {stable_mosaic.version = 14 : i64} {
  func.func @_dense_mid_body(%arg0: i32, %arg1: memref<2x640x128xf32, #tpu.memory_space<vmem>>, %arg2: memref<2x640x1xf32, #tpu.memory_space<vmem>>, %arg3: memref<1x128xf32, #tpu.memory_space<vmem>>, %arg4: memref<128x128xf32, #tpu.memory_space<vmem>>, %arg5: memref<1x128xf32, #tpu.memory_space<vmem>>, %arg6: memref<1x128xf32, #tpu.memory_space<vmem>>, %arg7: memref<640x128xf32, #tpu.memory_space<vmem>>, %arg8: memref<640x2xf32, #tpu.memory_space<vmem>>) attributes {dimension_semantics = [#tpu.dimension_semantics<arbitrary>], iteration_bounds = array<i64: 16>, scalar_prefetch = 0 : i64, scratch_operands = 0 : i64, tpu.core_type = #tpu.core_type<tc>, window_params = [{transform_indices = @transform_0, window_bounds = array<i64: 2, 640, 128>}, {transform_indices = @transform_1, window_bounds = array<i64: 2, 640, 1>}, {pipeline_mode = #tpu.pipeline_mode<synchronous>, transform_indices = @transform_2, window_bounds = array<i64: 1, 128>}, {pipeline_mode = #tpu.pipeline_mode<synchronous>, transform_indices = @transform_3, window_bounds = array<i64: 128, 128>}, {pipeline_mode = #tpu.pipeline_mode<synchronous>, transform_indices = @transform_4, window_bounds = array<i64: 1, 128>}, {pipeline_mode = #tpu.pipeline_mode<synchronous>, transform_indices = @transform_5, window_bounds = array<i64: 1, 128>}, {transform_indices = @transform_6, window_bounds = array<i64: 640, 128>}, {transform_indices = @transform_7, window_bounds = array<i64: 640, 2>}]} {
    %get3A = arith.constant 0 : index
    %get3A_0 = arith.constant 0 : index
    %get3A_1 = arith.constant 0 : index
    %get3A_2 = vector.load %arg1[%get3A, %get3A_0, %get3A_1] : memref<2x640x128xf32, #tpu.memory_space<vmem>>, vector<1x640x128xf32>
    %get3A_3 = vector.shape_cast %get3A_2 : vector<1x640x128xf32> to vector<640x128xf32>
    %get3A_4 = arith.constant 1 : index
    %get3A_5 = arith.constant 0 : index
    %get3A_6 = arith.constant 0 : index
    %get3A_7 = vector.load %arg1[%get3A_4, %get3A_5, %get3A_6] : memref<2x640x128xf32, #tpu.memory_space<vmem>>, vector<1x640x128xf32>
    %get3A_8 = vector.shape_cast %get3A_7 : vector<1x640x128xf32> to vector<640x128xf32>
    %add3A = arith.addf %get3A_3, %get3A_8 : vector<640x128xf32>
    %get3A_9 = arith.constant 0 : index
    %get3A_10 = arith.constant 0 : index
    %get3A_11 = arith.constant 0 : index
    %get3A_12 = vector.load %arg2[%get3A_9, %get3A_10, %get3A_11] : memref<2x640x1xf32, #tpu.memory_space<vmem>>, vector<1x640x1xf32>
    %get3A_13 = vector.shape_cast %get3A_12 : vector<1x640x1xf32> to vector<640x1xf32>
    %get3A_14 = arith.constant 1 : index
    %get3A_15 = arith.constant 0 : index
    %get3A_16 = arith.constant 0 : index
    %get3A_17 = vector.load %arg2[%get3A_14, %get3A_15, %get3A_16] : memref<2x640x1xf32, #tpu.memory_space<vmem>>, vector<1x640x1xf32>
    %get3A_18 = vector.shape_cast %get3A_17 : vector<1x640x1xf32> to vector<640x1xf32>
    %add3A_19 = arith.addf %get3A_13, %get3A_18 : vector<640x1xf32>
    %add3A_20 = arith.constant 1.000000e-16 : f32
    %add3A_21 = vector.broadcast %add3A_20 : f32 to vector<640x1xf32>
    %add3A_22 = arith.addf %add3A_19, %add3A_21 : vector<640x1xf32>
    %div3A = vector.broadcast %add3A_22 : vector<640x1xf32> to vector<640x128xf32>
    %div3A_23 = arith.divf %add3A, %div3A : vector<640x128xf32>
    %get3A_24 = arith.constant 0 : index
    %get3A_25 = arith.constant 0 : index
    %get3A_26 = vector.load %arg3[%get3A_24, %get3A_25] : memref<1x128xf32, #tpu.memory_space<vmem>>, vector<1x128xf32>
    %add3A_27 = vector.broadcast %get3A_26 : vector<1x128xf32> to vector<640x128xf32>
    %add3A_28 = arith.addf %div3A_23, %add3A_27 : vector<640x128xf32>
    %gt3A = arith.constant 0.000000e+00 : f32
    %gt3A_29 = vector.broadcast %gt3A : f32 to vector<640x128xf32>
    %gt3A_30 = arith.cmpf ogt, %add3A_28, %gt3A_29 : vector<640x128xf32>
    %exp3A = math.exp %add3A_28 : vector<640x128xf32>
    %sub3A = arith.constant 1.000000e+00 : f32
    %sub3A_31 = vector.broadcast %sub3A : f32 to vector<640x128xf32>
    %sub3A_32 = arith.subf %exp3A, %sub3A_31 : vector<640x128xf32>
    %select_n3A = arith.select %gt3A_30, %add3A_28, %sub3A_32 : vector<640x128xi1>, vector<640x128xf32>
    %get3A_33 = arith.constant 0 : index
    %get3A_34 = arith.constant 0 : index
    %get3A_35 = vector.load %arg4[%get3A_33, %get3A_34] : memref<128x128xf32, #tpu.memory_space<vmem>>, vector<128x128xf32>
    %dot_general3A = arith.constant dense<0.000000e+00> : vector<640x128xf32>
    %dot_general3A_36 = tpu.matmul %select_n3A, %get3A_35, %dot_general3A {dimension_numbers = #tpu.dot_dimension_numbers<[1], [0], [0], [1], [0, 0, 1, 1], [], []>, transpose_lhs_hint = false} : vector<640x128xf32>, vector<128x128xf32>, vector<640x128xf32> -> vector<640x128xf32>
    %swap3A = arith.constant 0 : index
    %swap3A_37 = arith.constant 0 : index
    %swap3A_38 = vector.load %arg7[%swap3A, %swap3A_37] : memref<640x128xf32, #tpu.memory_space<vmem>>, vector<640x128xf32>
    tpu.vector_store %arg7[%swap3A, %swap3A_37], %dot_general3A_36 {strides = array<i32>} : memref<640x128xf32, #tpu.memory_space<vmem>>, vector<640x128xf32>,
    %get3A_39 = arith.constant 0 : index
    %get3A_40 = arith.constant 0 : index
    %get3A_41 = vector.load %arg5[%get3A_39, %get3A_40] : memref<1x128xf32, #tpu.memory_space<vmem>>, vector<1x128xf32>
    %mul3A = vector.broadcast %get3A_41 : vector<1x128xf32> to vector<640x128xf32>
    %mul3A_42 = arith.mulf %dot_general3A_36, %mul3A : vector<640x128xf32>
    %reduce_sum3A = arith.constant dense<0.000000e+00> : vector<640xf32>
    %reduce_sum3A_43 = vector.multi_reduction <add>, %mul3A_42, %reduce_sum3A [1] : vector<640x128xf32> to vector<640xf32>
    %broadcast_in_dim3A = vector.shape_cast %reduce_sum3A_43 : vector<640xf32> to vector<640x1xf32>
    %get3A_44 = arith.constant 0 : index
    %get3A_45 = arith.constant 0 : index
    %get3A_46 = vector.load %arg6[%get3A_44, %get3A_45] : memref<1x128xf32, #tpu.memory_space<vmem>>, vector<1x128xf32>
    %mul3A_47 = vector.broadcast %get3A_46 : vector<1x128xf32> to vector<640x128xf32>
    %mul3A_48 = arith.mulf %dot_general3A_36, %mul3A_47 : vector<640x128xf32>
    %reduce_sum3A_49 = arith.constant dense<0.000000e+00> : vector<640xf32>
    %reduce_sum3A_50 = vector.multi_reduction <add>, %mul3A_48, %reduce_sum3A_49 [1] : vector<640x128xf32> to vector<640xf32>
    %broadcast_in_dim3A_51 = vector.shape_cast %reduce_sum3A_50 : vector<640xf32> to vector<640x1xf32>
    %concatenate3A = tpu.concatenate %broadcast_in_dim3A, %broadcast_in_dim3A_51 in 1 : vector<640x1xf32>, vector<640x1xf32> -> vector<640x2xf32>
    %swap3A_52 = arith.constant 0 : index
    %swap3A_53 = arith.constant 0 : index
    %swap3A_54 = vector.load %arg8[%swap3A_52, %swap3A_53] : memref<640x2xf32, #tpu.memory_space<vmem>>, vector<640x2xf32>
    tpu.vector_store %arg8[%swap3A_52, %swap3A_53], %concatenate3A {strides = array<i32>} : memref<640x2xf32, #tpu.memory_space<vmem>>, vector<640x2xf32>,
    return
  }
  func.func @transform_0(%arg0: i32) -> (i32, i32, i32) {
    %c0_i32 = arith.constant 0 : i32
    %c0_i32_0 = arith.constant 0 : i32
    %c0_i32_1 = arith.constant 0 : i32
    return %c0_i32, %arg0, %c0_i32_0 : i32, i32, i32
  }
  func.func @transform_1(%arg0: i32) -> (i32, i32, i32) {
    %c0_i32 = arith.constant 0 : i32
    %c0_i32_0 = arith.constant 0 : i32
    %c0_i32_1 = arith.constant 0 : i32
    return %c0_i32, %arg0, %c0_i32_0 : i32, i32, i32
  }
  func.func @transform_2(%arg0: i32) -> (i32, i32) {
    %c0_i32 = arith.constant 0 : i32
    %c0_i32_0 = arith.constant 0 : i32
    %c0_i32_1 = arith.constant 0 : i32
    return %c0_i32, %c0_i32_0 : i32, i32
  }
  func.func @transform_3(%arg0: i32) -> (i32, i32) {
    %c0_i32 = arith.constant 0 : i32
    %c0_i32_0 = arith.constant 0 : i32
    %c0_i32_1 = arith.constant 0 : i32
    return %c0_i32, %c0_i32_0 : i32, i32
  }
  func.func @transform_4(%arg0: i32) -> (i32, i32) {
    %c0_i32 = arith.constant 0 : i32
    %c0_i32_0 = arith.constant 0 : i32
    %c0_i32_1 = arith.constant 0 : i32
    return %c0_i32, %c0_i32_0 : i32, i32
  }
  func.func @transform_5(%arg0: i32) -> (i32, i32) {
    %c0_i32 = arith.constant 0 : i32
    %c0_i32_0 = arith.constant 0 : i32
    %c0_i32_1 = arith.constant 0 : i32
    return %c0_i32, %c0_i32_0 : i32, i32
  }
  func.func @transform_6(%arg0: i32) -> (i32, i32) {
    %c0_i32 = arith.constant 0 : i32
    %c0_i32_0 = arith.constant 0 : i32
    return %arg0, %c0_i32 : i32, i32
  }
  func.func @transform_7(%arg0: i32) -> (i32, i32) {
    %c0_i32 = arith.constant 0 : i32
    %c0_i32_0 = arith.constant 0 : i32
    return %arg0, %c0_i32 : i32, i32
  }
}

module attributes {stable_mosaic.version = 14 : i64} {
  func.func @_dense_out_body(%arg0: i32, %arg1: memref<2x640x128xf32, #tpu.memory_space<vmem>>, %arg2: memref<2x640x1xf32, #tpu.memory_space<vmem>>, %arg3: memref<1x128xf32, #tpu.memory_space<vmem>>, %arg4: memref<640x128xf32, #tpu.memory_space<vmem>>) attributes {dimension_semantics = [#tpu.dimension_semantics<arbitrary>], iteration_bounds = array<i64: 16>, scalar_prefetch = 0 : i64, scratch_operands = 0 : i64, tpu.core_type = #tpu.core_type<tc>, window_params = [{transform_indices = @transform_0, window_bounds = array<i64: 2, 640, 128>}, {transform_indices = @transform_1, window_bounds = array<i64: 2, 640, 1>}, {pipeline_mode = #tpu.pipeline_mode<synchronous>, transform_indices = @transform_2, window_bounds = array<i64: 1, 128>}, {transform_indices = @transform_3, window_bounds = array<i64: 640, 128>}]} {
    %get3A = arith.constant 0 : index
    %get3A_0 = arith.constant 0 : index
    %get3A_1 = arith.constant 0 : index
    %get3A_2 = vector.load %arg1[%get3A, %get3A_0, %get3A_1] : memref<2x640x128xf32, #tpu.memory_space<vmem>>, vector<1x640x128xf32>
    %get3A_3 = vector.shape_cast %get3A_2 : vector<1x640x128xf32> to vector<640x128xf32>
    %get3A_4 = arith.constant 1 : index
    %get3A_5 = arith.constant 0 : index
    %get3A_6 = arith.constant 0 : index
    %get3A_7 = vector.load %arg1[%get3A_4, %get3A_5, %get3A_6] : memref<2x640x128xf32, #tpu.memory_space<vmem>>, vector<1x640x128xf32>
    %get3A_8 = vector.shape_cast %get3A_7 : vector<1x640x128xf32> to vector<640x128xf32>
    %add3A = arith.addf %get3A_3, %get3A_8 : vector<640x128xf32>
    %get3A_9 = arith.constant 0 : index
    %get3A_10 = arith.constant 0 : index
    %get3A_11 = arith.constant 0 : index
    %get3A_12 = vector.load %arg2[%get3A_9, %get3A_10, %get3A_11] : memref<2x640x1xf32, #tpu.memory_space<vmem>>, vector<1x640x1xf32>
    %get3A_13 = vector.shape_cast %get3A_12 : vector<1x640x1xf32> to vector<640x1xf32>
    %get3A_14 = arith.constant 1 : index
    %get3A_15 = arith.constant 0 : index
    %get3A_16 = arith.constant 0 : index
    %get3A_17 = vector.load %arg2[%get3A_14, %get3A_15, %get3A_16] : memref<2x640x1xf32, #tpu.memory_space<vmem>>, vector<1x640x1xf32>
    %get3A_18 = vector.shape_cast %get3A_17 : vector<1x640x1xf32> to vector<640x1xf32>
    %add3A_19 = arith.addf %get3A_13, %get3A_18 : vector<640x1xf32>
    %add3A_20 = arith.constant 1.000000e-16 : f32
    %add3A_21 = vector.broadcast %add3A_20 : f32 to vector<640x1xf32>
    %add3A_22 = arith.addf %add3A_19, %add3A_21 : vector<640x1xf32>
    %div3A = vector.broadcast %add3A_22 : vector<640x1xf32> to vector<640x128xf32>
    %div3A_23 = arith.divf %add3A, %div3A : vector<640x128xf32>
    %get3A_24 = arith.constant 0 : index
    %get3A_25 = arith.constant 0 : index
    %get3A_26 = vector.load %arg3[%get3A_24, %get3A_25] : memref<1x128xf32, #tpu.memory_space<vmem>>, vector<1x128xf32>
    %add3A_27 = vector.broadcast %get3A_26 : vector<1x128xf32> to vector<640x128xf32>
    %add3A_28 = arith.addf %div3A_23, %add3A_27 : vector<640x128xf32>
    %gt3A = arith.constant 0.000000e+00 : f32
    %gt3A_29 = vector.broadcast %gt3A : f32 to vector<640x128xf32>
    %gt3A_30 = arith.cmpf ogt, %add3A_28, %gt3A_29 : vector<640x128xf32>
    %exp3A = math.exp %add3A_28 : vector<640x128xf32>
    %sub3A = arith.constant 1.000000e+00 : f32
    %sub3A_31 = vector.broadcast %sub3A : f32 to vector<640x128xf32>
    %sub3A_32 = arith.subf %exp3A, %sub3A_31 : vector<640x128xf32>
    %select_n3A = arith.select %gt3A_30, %add3A_28, %sub3A_32 : vector<640x128xi1>, vector<640x128xf32>
    %swap3A = arith.constant 0 : index
    %swap3A_33 = arith.constant 0 : index
    %swap3A_34 = vector.load %arg4[%swap3A, %swap3A_33] : memref<640x128xf32, #tpu.memory_space<vmem>>, vector<640x128xf32>
    tpu.vector_store %arg4[%swap3A, %swap3A_33], %select_n3A {strides = array<i32>} : memref<640x128xf32, #tpu.memory_space<vmem>>, vector<640x128xf32>,
    return
  }
  func.func @transform_0(%arg0: i32) -> (i32, i32, i32) {
    %c0_i32 = arith.constant 0 : i32
    %c0_i32_0 = arith.constant 0 : i32
    %c0_i32_1 = arith.constant 0 : i32
    return %c0_i32, %arg0, %c0_i32_0 : i32, i32, i32
  }
  func.func @transform_1(%arg0: i32) -> (i32, i32, i32) {
    %c0_i32 = arith.constant 0 : i32
    %c0_i32_0 = arith.constant 0 : i32
    %c0_i32_1 = arith.constant 0 : i32
    return %c0_i32, %arg0, %c0_i32_0 : i32, i32, i32
  }
  func.func @transform_2(%arg0: i32) -> (i32, i32) {
    %c0_i32 = arith.constant 0 : i32
    %c0_i32_0 = arith.constant 0 : i32
    %c0_i32_1 = arith.constant 0 : i32
    return %c0_i32, %c0_i32_0 : i32, i32
  }
  func.func @transform_3(%arg0: i32) -> (i32, i32) {
    %c0_i32 = arith.constant 0 : i32
    %c0_i32_0 = arith.constant 0 : i32
    return %arg0, %c0_i32 : i32, i32
  }
}

</mosaic_0001>

<sc_bundles>
// kernel: kernel.10.cloned.1.call-start
scs
__scs_entry_jumppad:
0x0: {  	(pc) =	sbr.rel $0x88, $3  }
0x1: {  	(tag) =	ssettag $0x0;
	lr =	simm.s32 $0x1  }
0x2: {  	[smem:$0x3F97] =	sst lr;
	_ =	strace $0xD0000000  }
0x3: {  	_ = 	snop  }
0x4: {  	_ = 	snop  }
0x5: {  	_ = 	snop  }
0x6: {  	_ = 	snop  }
0x7: {  	_ = 	snop  }
__scs_overlays_trampoline_lowered:
0x8: {  	[smem:$0x3FA6] =	sst s0  }
0x9: {  	[smem:$0x3FA7] =	sst s1  }
0xa: {  	[smem:$0x3FA8] =	sst s2  }
0xb: {  	[smem:$0x3FA9] =	sst s3  }
0xc: {  	[smem:$0x3FAA] =	sst s4  }
0xd: {  	[smem:$0x3FAB] =	sst s5  }
0xe: {  	[smem:$0x3FAC] =	sst s6  }
0xf: {  	[smem:$0x3FAD] =	sst s7  }
0x10: {  	[smem:$0x3FAE] =	sst s8  }
0x11: {  	[smem:$0x3FAF] =	sst s9;
	s0 =	simm.s32 @!p0 $0x0  }
0x12: {  	s1 =	sld [smem:$0x3F95];
	s0 =	simm.s32 @p0 $0x1  }
0x13: {  	[smem:$0x3FB0] =	sst s0;
	s0 =	simm.s32 @!p1 $0x0  }
0x14: {  	s2 =	sld [smem:$0x3F94];
	s0 =	simm.s32 @p1 $0x1  }
0x15: {  	[smem:$0x3FB1] =	sst s0;
	s0 =	simm.s32 @!p2 $0x0  }
0x16: {  	s3 =	sld [smem:$0x3FDB];
	s0 =	simm.s32 @p2 $0x1  }
0x17: {  	s4 =	simm.s32 $0x1BF5;
	[smem:$0x3FB3] =	sst s0  }
0x18: {  	s0 =	sld [smem:$0x3F96];
	_ =	swait.ge [sflag:s4], $0x0  }
0x19: {  	s7 =	sld [smem:$0x3F97]  }
0x1a: {  	s8 =	sadd.s32 $0xFFFFE003, lr  }
0x1b: {  	s9 =	sadd.s32 $0xFFFFFEF7, lr;
	s5 =	simm.s32 $0xFFFFFFFF;
	p2 =	slt.u32 s8, $0xFFFFF086  }
0x1c: {  	p1 =	slt.u32 s9, $0xF7A;
	s5 =	simm.s32 @!p2 $0x0  }
0x1d: {  	s5 =	simm.s32 @p1 $0x1;
	p0 =	seq.s32 s7, s2  }
0x1e: {  	s7 =	smul.u32 @!p0 $0xF7A, s2;
	p2 =	seq.s32 @!p0 s5, $0x0  }
0x1f: {  	s9 =	smul.u32 $0xF7A, s1;
	s8 =	simm.s32 @!p0 $0x1BF5;
	p2 =	por !p2, p0  }
0x20: {  	[sflag:s8] =	ssyncset.s32 @!p0 $0xFFFFF086;
	s6 =	sadd.s32 @!p0 s3, s7;
	s7 =	simm.s32 @!p0 $0x108  }
0x21: {  	s3 =	sadd.s32 s3, s9;
	s6 =	sadd.s32 @!p0 $0x88, s6;
	s7 =	simm.s32 @p2 $0x1082  }
0x22: {  	[simem:s7], [sflag:s8] =	dma.local @!p0 [hbm:s6], $0xF7A  }
0x23: {  	s9 =	sor.u32 $0xD0000000, s2;
	s6 =	simm.s32 $0x108;
	_ =	swait.ge @!p0 [sflag:s8], $0x0  }
0x24: {  	s3 =	sadd.s32 $0x88, s3;
	s6 =	simm.s32 @!p1 $0x1082;
	[sflag:s4] =	ssyncset.s32 $0xFFFFF086  }
0x25: {  	[simem:s6], [sflag:s4] =	dma.local [hbm:s3], $0xF7A  }
0x26: {  	[smem:$0x3F97] =	sst s1;
	(tag) =	ssettag s2;
	_ =	strace s9  }
0x27: {  	s1 =	sld [smem:$0x3FA7]  }
0x28: {  	s2 =	sld [smem:$0x3FA8]  }
0x29: {  	s4 =	sld [smem:$0x3FAA]  }
0x2a: {  	p0 =	seq.s32 s5, $0x0;
	s5 =	sld [smem:$0x3FAB]  }
0x2b: {  	s6 =	sld [smem:$0x3FAC]  }
0x2c: {  	s7 =	sld [smem:$0x3FAD]  }
0x2d: {  	s3 =	simm.s32 $0x108;
	s8 =	sld [smem:$0x3FAE]  }
0x2e: {  	s3 =	simm.s32 @!p0 $0x1082;
	s9 =	sld [smem:$0x3FAF]  }
0x2f: {  	lr =	sadd.s32 s0, s3;
	s0 =	sld [smem:$0x3FA6]  }
0x30: {  	s3 =	sld [smem:$0x3FA9]  }
0x31: {  	[smem:$0x3FB2] =	sst s10  }
0x32: {  	s10 =	sld [smem:$0x3FB0];
	_ =	sdelay $0x3  }
0x33: {  	p0 =	seq.s32 s10, $0x1;
	s10 =	sld [smem:$0x3FB2];
	_ =	sdelay $0x3  }
0x34: {  	[smem:$0x3FB2] =	sst s10  }
0x35: {  	s10 =	sld [smem:$0x3FB1];
	_ =	sdelay $0x3  }
0x36: {  	p1 =	seq.s32 s10, $0x1;
	s10 =	sld [smem:$0x3FB2];
	_ =	sdelay $0x3  }
0x37: {  	[smem:$0x3FB2] =	sst s10  }
0x38: {  	s10 =	sld [smem:$0x3FB3]  }
0x39: {  	_ = 	snop;
	(pc) =	sbr.ind lr, $3  }
0x3a: {  	_ = 	snop  }
0x3b: {  	_ = 	snop  }
0x3c: {  	p2 =	seq.s32 s10, $0x1;
	s10 =	sld [smem:$0x3FB2]  }
0x3d: {  	_ =	shalt  }
0x3e: {  	_ =	shalt  }
0x3f: {  	_ =	shalt  }
0x40: {  	_ =	shalt  }
0x41: {  	_ =	shalt  }
0x42: {  	_ =	shalt  }
0x43: {  	_ =	shalt  }
0x44: {  	_ =	shalt  }
0x45: {  	_ =	shalt  }
0x46: {  	_ =	shalt  }
0x47: {  	_ =	shalt  }
0x48: {  	_ =	shalt  }
0x49: {  	_ =	shalt  }
0x4a: {  	_ =	shalt  }
0x4b: {  	_ =	shalt  }
0x4c: {  	_ =	shalt  }
0x4d: {  	_ =	shalt  }
0x4e: {  	_ =	shalt  }
0x4f: {  	_ =	shalt  }
0x50: {  	_ =	shalt  }
0x51: {  	_ =	shalt  }
0x52: {  	_ =	shalt  }
0x53: {  	_ =	shalt  }
0x54: {  	_ =	shalt  }
0x55: {  	_ =	shalt  }
0x56: {  	_ =	shalt  }
0x57: {  	_ =	shalt  }
0x58: {  	_ =	shalt  }
0x59: {  	_ =	shalt  }
0x5a: {  	_ =	shalt  }
0x5b: {  	_ =	shalt  }
0x5c: {  	_ =	shalt  }
0x5d: {  	_ =	shalt  }
0x5e: {  	_ =	shalt  }
0x5f: {  	_ =	shalt  }
0x60: {  	_ =	shalt  }
0x61: {  	_ =	shalt  }
0x62: {  	_ =	shalt  }
0x63: {  	_ =	shalt  }
0x64: {  	_ =	shalt  }
0x65: {  	_ =	shalt  }
0x66: {  	_ =	shalt  }
0x67: {  	_ =	shalt  }
0x68: {  	_ =	shalt  }
0x69: {  	_ =	shalt  }
0x6a: {  	_ =	shalt  }
0x6b: {  	_ =	shalt  }
0x6c: {  	_ =	shalt  }
0x6d: {  	_ =	shalt  }
0x6e: {  	_ =	shalt  }
0x6f: {  	_ =	shalt  }
0x70: {  	_ =	shalt  }
0x71: {  	_ =	shalt  }
0x72: {  	_ =	shalt  }
0x73: {  	_ =	shalt  }
0x74: {  	_ =	shalt  }
0x75: {  	_ =	shalt  }
0x76: {  	_ =	shalt  }
0x77: {  	_ =	shalt  }
0x78: {  	_ =	shalt  }
0x79: {  	_ =	shalt  }
0x7a: {  	_ =	shalt  }
0x7b: {  	_ =	shalt  }
0x7c: {  	_ =	shalt  }
0x7d: {  	_ =	shalt  }
0x7e: {  	_ =	shalt  }
0x7f: {  	_ =	shalt  }
0x80: {  	_ =	shalt  }
0x81: {  	_ =	shalt  }
0x82: {  	_ =	shalt  }
0x83: {  	_ =	shalt  }
0x84: {  	_ =	shalt  }
0x85: {  	_ =	shalt  }
0x86: {  	_ =	shalt  }
0x87: {  	_ =	shalt  }
.Lfunc_end0:
.L_simem_size_0:
called_computation.1_lowered:
.L_overlay_start_0:
0x88: {  	s2 =	sld [smem:$0x3FD9]  }
0x89: {  	s3 =	sld [smem:$0x3FFE];
	_ =	sdelay $0x1  }
0x8a: {  	s1 =	srdreg.scid  }
0x8b: {  	s0 =	sand.u32 $0x1, s1  }
0x8c: {  	s17 =	sshll.u32 s0, $0xA;
	s2 =	sadd.s32 s3, s2  }
0x8d: {  	s2 =	sadd.s32 s2, s17  }
0x8e: {  	[smem:$0x3FBE] =	sst s2  }
0x8f: {  	_ = 	snop  }
0x90: {  	s2 =	sld [smem:$0x3FD0];
	(tm) =	ssettm $0x1  }
0x91: {  	s18 =	sld [smem:$0x3FFB];
	_ =	sdelay $0x3  }
0x92: {  	_ =	strace s18  }
0x93: {  	s3 =	sld [smem:$0x3FFC];
	_ =	sdelay $0x3  }
0x94: {  	_ =	strace s3  }
0x95: {  	s3 =	sld [smem:$0x3FFD];
	_ =	sdelay $0x3  }
0x96: {  	_ =	strace s3  }
0x97: {  	_ =	strace $0x8FFFFFFF  }
0x98: {  	s19 =	sld [smem:$0x3FDB];
	_ =	sdelay $0x1  }
0x99: {  	s4 =	simm.s32 $_scs_section_size  }
0x9a: {  	s5 =	simm.s32 $_size__tile_overlayer_lowered;
	s6 =	simm.s32 $_tile_overlayer_lowered  }
0x9b: {  	s22 =	simm.s32 $0x1BFF;
	s21 =	sshll.u32 s6, $0x1;
	s3 =	sadd.s32 s4, s19  }
0x9c: {  	s7 =	simm.s32 $0x0;
	s20 =	sshll.u32 s5, $0x1;
	s5 =	sadd.s32 s21, s3  }
0x9d: {  	[timem:s7], [sflag:s22] =	dma.local [hbm:s5], s20  }
0x9e: {  	_ =	swait.ge [sflag:s22], s20  }
0x9f: {  	s4 =	ssub.s32 $0x0, s20;
	[sflag:s22] =	ssyncset.done $0x0  }
0xa0: {  	[sflag:s22] =	ssyncadd.s32 s4;
	_ =	sdelay $0x1  }
0xa1: {  	s23 =	simm.s32 $0x1B8B  }
0xa2: {  	_ =	swait.ge [sflag:s23], $0x1  }
0xa3: {  	[sflag:s23] =	ssyncset.done $0x0  }
0xa4: {  	s25 =	simm.s32 $0x1B8E;
	s24 =	sld [smem:$0x3FFE];
	[sflag:s23] =	ssyncadd.s32 $0xFFFFFFFF  }
0xa5: {  	s26 =	simm.s32 $execute0_lowered;
	[smem:$0x3FD2] =	sst s25  }
0xa6: {  	s5 =	sshll.u32 s26, $0x1;
	_ =	strace $0x80000049;
	[dreg:$0x1] =	wrdreg $0xFFFFFFFF  }
0xa7: {  	s28 =	simm.s32 $_size_execute0_lowered;
	s3 =	sadd.s32 s3, s5;
	[dreg:$0x0] =	wrdreg $0x0  }
0xa8: {  	s5 =	sshll.u32 s28, $0x1;
	[dreg:$0x2] =	wrdreg s3  }
0xa9: {  	[dreg:$0x3] =	wrdreg s5  }
0xaa: {  	[dreg:$0x4] =	wrdreg $0xC0  }
0xab: {  	_ =	task [dreg:s7], $0x5FFFF  }
0xac: {  	[dreg:$0x1] =	wrdreg $0xFFFFFFFF  }
0xad: {  	[dreg:$0x0] =	wrdreg $0x60  }
0xae: {  	[dreg:$0x2] =	wrdreg s24  }
0xaf: {  	[dreg:$0x3] =	wrdreg s2  }
0xb0: {  	[dreg:$0x4] =	wrdreg $0x94000  }
0xb1: {  	[dreg:$0x5] =	wrdreg $0x1D4000  }
0xb2: {  	[dreg:$0x6] =	wrdreg $0x9  }
0xb3: {  	_ =	task.clear_ibuf [dreg:s7], $0x7FFFF;
	_ =	strace $0x90000049  }
0xb4: {  	s29 =	simm.s32 $0x9;
	_ =	strace $0x8000004B  }
0xb5: {  	_ =	swait.ge [sflag:s29], $0x1  }
0xb6: {  	[sflag:s29] =	ssyncadd.s32 $0xFFFFFFFF  }
0xb7: {  	_ =	strace $0x9000004B  }
0xb8: {  	_ =	sfence  }
0xb9: {  	s30 =	sld [smem:$0x0];
	_ =	sdelay $0x2  }
0xba: {  	s31 =	sshll.u32 s1, $0xD;
	s1 =	sshrl.u32 s1, $0x2  }
0xbb: {  	s3 =	sand.u32 $0x4000, s31;
	s1 =	sadd.s32 s1, s30  }
0xbc: {  	s0 =	sor.u32 s3, s0;
	s1 =	sshll.u32 s1, $0x11  }
0xbd: {  	s0 =	sor.u32 s1, s0  }
0xbe: {  	s0 =	sadd.s32 $0x8F2B, s0  }
0xbf: {  	[sflag:s0] =	ssyncadd.remote.s32 $0x1  }
0xc0: {  	_ =	sfence.sel $0xFFFF  }
0xc1: {  	[dreg:$0x0] =	wrdreg $0xFFFFFFFF;
	(pc) =	sbr.abs _section_cstart, $3  }
0xc2: {  	[dreg:$0x1] =	wrdreg $0xFFFFFFFF  }
0xc3: {  	_ =	task.clear_ibuf [dreg:s7], $0x2FFFF;
	_ =	strace $0x9FFFFFFF  }
0xc4: {  	(tm) =	ssettm $0x7FFFFFFF  }
0xc5: {  	_ =	shalt  }
tec
execute0_lowered:
.L_overlay_start_1:
0x0: {  	(tag) =	ssettag $0x1  }
0x1: {  	s0 =	rddreg [dreg:$0x0]  }
0x2: {  	s1 =	rddreg [dreg:$0x1]  }
0x3: {  	s2 =	rddreg [dreg:$0x2]  }
0x4: {  	s3 =	rddreg [dreg:$0x3];
	s4 =	srdreg.scid;
	s6 =	simm.s32 $0x0  }
0x5: {  	s20 =	simm.s32 $0x100;
	s21 =	simm.s32 $0x1;
	s22 =	simm.s32 $0x5180  }
0x6: {  	s28 =	simm.s32 $0x10;
	s29 =	simm.s32 $0x0;
	s5 =	sand.u32 $0x1, s4  }
0x7: {  	s30 =	simm.s32 $0x0;
	s4 =	stileid.u32;
	s8 =	smul.u32 $0x140000, s5  }
0x8: {  	[smem:$0x7FF] =	sst s6;
	s6 =	sadd.s32 $0xDC00, s0;
	s9 =	smul.u32 $0x14000, s4  }
0x9: {  	s7 =	sadd.s32 $0x35C00, s0;
	_ =	strace $0x8000004A;
	s10 =	smul.u32 $0x500, s4  }
0xa: {  	s11 =	sshll.u32 s5, $0x7;
	s24 =	ssub.s32 $0x2, s5;
	s12 =	smul.u32 $0x50000, s4  }
0xb: {  	s5 =	sshll.u32 s5, $0x4;
	s13 =	smul.u32 $0xA00, s4;
	s26 =	sshrl.u32 s24, $0x1  }
0xc: {  	s5 =	sor.u32 s4, s5;
	s9 =	sadd.s32 s9, s8;
	s8 =	sadd.s32 $0x2C00, s0  }
0xd: {  	s10 =	sor.u32 s11, s10;
	s15 =	sshrl.u32 s13, $0x2;
	s13 =	smul.u32 $0x2C00, s5  }
0xe: {  	s19 =	ssub.s32 s24, s26;
	s31 =	sshrl.u32 s12, $0x2;
	s16 =	smul.u32 $0x2880, s5  }
0xf: {  	s24 =	simm.s32 $0x80;
	s9 =	sshrl.u32 s9, $0x3;
	s25 =	sshrl.u32 s10, $0x3  }
0x10: {  	s15 =	sadd.s32 s15, s3;
	s19 =	smax.u32 s19, $0x1;
	s17 =	sadd.s32 s9, s0  }
0x11: {  	s0 =	sadd.s32 s25, s0;
	s9 =	sadd.s32 s31, s2;
	s25 =	simm.s32 $0x5100  }
0x12: {  	s10 =	sadd.s32 $0x4000, s9;
	s11 =	sadd.s32 $0x8000, s9;
	s12 =	sadd.s32 $0xC000, s9  }
0x13: {  	v0 =	vimm.f32 $0.0e+00;
	s14 =	sadd.s32 $0x10000, s9;
	s17 =	sadd.s32 $0x37000, s17;
	s18 =	sadd.s32 $0x36600, s0  }
.LBB2_1:
0x14: {  	s0 =	simm.s32 $0x0  }
0x15: {  	[tilespmem:s20], [sflag:$0x1] =	stream.linear.gather [hbm4b:s7+s0], $0x5000, $0x38;
	[tilespmem:$0x1D680] =	vst v63  }
0x16: {  	_ =	swait.ge [sflag:s21], $0x5000  }
0x17: {  	[sflag:s21] =	ssyncset.done $0x0  }
0x18: {  	s5 =	simm.s32 $0x200;
	s0 =	simm.s32 $0x0;
	[sflag:s21] =	ssyncadd.s32 $0xFFFFB000  }
.LBB2_2:
0x19: {  	p0 =	sne.s32 s5, $0xFE00;
	[tilespmem:s0+$0x51F0] =	vst v0  }
0x1a: {  	[tilespmem:s0+$0x5180] =	vst v0  }
0x1b: {  	[tilespmem:s0+$0x5190] =	vst v0  }
.Ltmp0:
0x1c: {  	[tilespmem:s0+$0x51A0] =	vst v0;
	(pc) =	sbr.rel @p0 .LBB2_2-.Ltmp0, $4  }
0x1d: {  	[tilespmem:s0+$0x51B0] =	vst v0  }
0x1e: {  	[tilespmem:s0+$0x51C0] =	vst v0  }
0x1f: {  	[tilespmem:s0+$0x51D0] =	vst v0  }
0x20: {  	[tilespmem:s0+$0x51E0] =	vst v0;
	s0 =	sshra.s32 s5, $0x2;
	s5 =	sadd.s32 $0x200, s5  }
0x21: {  	[tilespmem:s0+$0x51F0] =	vst v0  }
0x22: {  	[tilespmem:s0+$0x5180] =	vst v0  }
0x23: {  	[tilespmem:s0+$0x5190] =	vst v0  }
0x24: {  	[tilespmem:s0+$0x51A0] =	vst v0  }
0x25: {  	[tilespmem:s0+$0x51B0] =	vst v0  }
0x26: {  	[tilespmem:s0+$0x51C0] =	vst v0  }
0x27: {  	[tilespmem:s0+$0x51D0] =	vst v0  }
0x28: {  	[tilespmem:s0+$0x51E0] =	vst v0  }
0x29: {  	[tilespmem:$0x9180] =	vst v0  }
0x2a: {  	[tilespmem:$0x9190] =	vst v0  }
0x2b: {  	[tilespmem:$0x91A0] =	vst v0  }
0x2c: {  	[tilespmem:$0x91B0] =	vst v0  }
0x2d: {  	[tilespmem:$0x91C0] =	vst v0  }
0x2e: {  	[tilespmem:$0x91D0] =	vst v0  }
0x2f: {  	[tilespmem:$0x91E0] =	vst v0  }
0x30: {  	[tilespmem:$0x91F0] =	vst v0  }
0x31: {  	[tilespmem:$0x9200] =	vst v0  }
0x32: {  	[tilespmem:$0x9210] =	vst v0  }
0x33: {  	[tilespmem:$0x9220] =	vst v0  }
0x34: {  	[tilespmem:$0x9230] =	vst v0  }
0x35: {  	[tilespmem:$0x9240] =	vst v0  }
0x36: {  	[tilespmem:$0x9250] =	vst v0  }
0x37: {  	[tilespmem:$0x9260] =	vst v0  }
0x38: {  	[tilespmem:$0x9270] =	vst v0  }
0x39: {  	[tilespmem:$0x9280] =	vst v0  }
0x3a: {  	[tilespmem:$0x9290] =	vst v0  }
0x3b: {  	[tilespmem:$0x92A0] =	vst v0  }
0x3c: {  	[tilespmem:$0x92B0] =	vst v0  }
0x3d: {  	[tilespmem:$0x92C0] =	vst v0  }
0x3e: {  	[tilespmem:$0x92D0] =	vst v0  }
0x3f: {  	[tilespmem:$0x92E0] =	vst v0  }
0x40: {  	[tilespmem:$0x92F0] =	vst v0  }
0x41: {  	[tilespmem:$0x9300] =	vst v0  }
0x42: {  	[tilespmem:$0x9310] =	vst v0  }
0x43: {  	[tilespmem:$0x9320] =	vst v0  }
0x44: {  	[tilespmem:$0x9330] =	vst v0  }
0x45: {  	[tilespmem:$0x9340] =	vst v0  }
0x46: {  	[tilespmem:$0x9350] =	vst v0  }
0x47: {  	[tilespmem:$0x9360] =	vst v0  }
0x48: {  	[tilespmem:$0x9370] =	vst v0  }
0x49: {  	[tilespmem:$0x9380] =	vst v0  }
0x4a: {  	[tilespmem:$0x9390] =	vst v0  }
0x4b: {  	[tilespmem:$0x93A0] =	vst v0  }
0x4c: {  	[tilespmem:$0x93B0] =	vst v0  }
0x4d: {  	[tilespmem:$0x93C0] =	vst v0  }
0x4e: {  	[tilespmem:$0x93D0] =	vst v0  }
0x4f: {  	[tilespmem:$0x93E0] =	vst v0  }
0x50: {  	[tilespmem:$0x93F0] =	vst v0  }
0x51: {  	[spmem:s9] =	stream.linear.scatter [tilespmem:s22], [sflag:$0x1], $0x4000, $0x38;
	[tilespmem:$0x1D680] =	vst v63  }
0x52: {  	_ =	swait.ge [sflag:s21], $0x4000  }
0x53: {  	[sflag:s21] =	ssyncset.done $0x0  }
0x54: {  	[sflag:s21] =	ssyncadd.s32 $0xFFFFC000  }
0x55: {  	[spmem:s10] =	stream.linear.scatter [tilespmem:s22], [sflag:$0x1], $0x4000, $0x38;
	[tilespmem:$0x1D680] =	vst v63  }
0x56: {  	_ =	swait.ge [sflag:s21], $0x4000  }
0x57: {  	[sflag:s21] =	ssyncset.done $0x0  }
0x58: {  	[sflag:s21] =	ssyncadd.s32 $0xFFFFC000  }
0x59: {  	[spmem:s11] =	stream.linear.scatter [tilespmem:s22], [sflag:$0x1], $0x4000, $0x38;
	[tilespmem:$0x1D680] =	vst v63  }
0x5a: {  	_ =	swait.ge [sflag:s21], $0x4000  }
0x5b: {  	[sflag:s21] =	ssyncset.done $0x0  }
0x5c: {  	[sflag:s21] =	ssyncadd.s32 $0xFFFFC000  }
0x5d: {  	[spmem:s12] =	stream.linear.scatter [tilespmem:s22], [sflag:$0x1], $0x4000, $0x38;
	[tilespmem:$0x1D680] =	vst v63  }
0x5e: {  	_ =	swait.ge [sflag:s21], $0x4000  }
0x5f: {  	[sflag:s21] =	ssyncset.done $0x0  }
0x60: {  	[sflag:s21] =	ssyncadd.s32 $0xFFFFC000  }
0x61: {  	[spmem:s14] =	stream.linear.scatter [tilespmem:s22], [sflag:$0x1], $0x4000, $0x38;
	[tilespmem:$0x1D680] =	vst v63  }
0x62: {  	_ =	swait.ge [sflag:s21], $0x4000  }
0x63: {  	[sflag:s21] =	ssyncset.done $0x0  }
0x64: {  	s26 =	simm.s32 $0x9180;
	[sflag:s21] =	ssyncadd.s32 $0xFFFFC000  }
0x65: {  	[spmem:s15] =	stream.linear.scatter [tilespmem:s26], [sflag:$0x1], $0x280, $0x38;
	[tilespmem:$0x1D680] =	vst v63  }
0x66: {  	_ =	swait.ge [sflag:s21], $0x280  }
0x67: {  	[sflag:s21] =	ssyncset.done $0x0  }
0x68: {  	[sflag:s21] =	ssyncadd.s32 $0xFFFFFD80  }
0x69: {  	s31 =	simm.s32 $0x0;
	[bflag:$0x0] =	sbarrier.arrive $0xFFFF  }
.LBB2_4:
0x6a: {  	s0 =	sshll.u32 s31, $0x7  }
0x6b: {  	s5 =	sand.u32 $0x3C00, s0  }
0x6c: {  	s23 =	sand.u32 $0x380, s0;
	s5 =	sadd.s32 s13, s5  }
0x6d: {  	s5 =	sor.u32 s23, s5  }
0x6e: {  	s5 =	sshrl.u32 s5, $0x3  }
0x6f: {  	s26 =	sadd.s32 s1, s5  }
0x70: {  	[tilespmem:s30], [sflag:$0x1] =	stream.linear.gather [hbm4b:s26+s30], $0x80, $0x38;
	[tilespmem:$0x1D680] =	vst v63  }
0x71: {  	_ =	swait.ge [sflag:s21], $0x80  }
0x72: {  	[sflag:s21] =	ssyncset.done $0x0  }
0x73: {  	s5 =	sadd.s32 s8, s5;
	[sflag:s21] =	ssyncadd.s32 $0xFFFFFF80  }
0x74: {  	[tilespmem:s24], [sflag:$0x1] =	stream.linear.gather [hbm4b:s5+s30], $0x80, $0x38;
	[tilespmem:$0x1D680] =	vst v63  }
0x75: {  	_ =	swait.ge [sflag:s21], $0x80  }
0x76: {  	[sflag:s21] =	ssyncset.done $0x0  }
0x77: {  	[sflag:s21] =	ssyncadd.s32 $0xFFFFFF80  }
0x78: {  	v1 =	vld [tilespmem:$0x0]  }
0x79: {  	v2 =	vld [tilespmem:$0x80];
	_ =	sdelay $0x4  }
0x7a: {  	v1 =	vshll.u32 v1, $0x1;
	v2 =	vshll.u32 v2, $0x1  }
0x7b: {  	v2 =	vor.u32 $0x1, v2;
	_ =	sdelay $0x3  }
0x7c: {  	v1 =	vld.idx.msk [tilespmem:v1+s20+$0x0], $0xffff  }
0x7d: {  	v2 =	vld.idx.msk [tilespmem:v2+s20+$0x0], $0xffff;
	_ =	sdelay $0x4  }
0x7e: {  	v1 =	vadd.f32 v2, v1;
	_ =	sdelay $0x1  }
0x7f: {  	v2 =	vmul.f32 $2.000000030e-01, v1  }
0x80: {  	vm0 =	vgt.f32 v1, $0.0e+00  }
0x81: {  	v1 =	vsel vm0, v1, v2  }
0x82: {  	v1 =	vmul.f32 $1.442695020e+00, v1;
	_ =	sdelay $0x1  }
0x83: {  	(erf) = vpow2.f32 v1  }
0x84: {  	v2 =	vld [tilespmem:$0x90]  }
0x85: {  	v1 =	vld [tilespmem:$0x10];
	_ =	sdelay $0x4  }
0x86: {  	v2 =	vshll.u32 v2, $0x1;
	v1 =	vshll.u32 v1, $0x1  }
0x87: {  	s0 =	sadd.s32 s16, s0;
	v2 =	vor.u32 $0x1, v2  }
0x88: {  	p0 =	slt.u32 s0, $0x50910;
	v3 =	vpop (erf)  }
0x89: {  	v3 =	vpsel !p0, $0x0, v3  }
0x8a: {  	[tilespmem:$0x5100] =	vst v3  }
0x8b: {  	v1 =	vld.idx.msk [tilespmem:v1+s20+$0x0], $0xffff  }
0x8c: {  	v2 =	vld.idx.msk [tilespmem:v2+s20+$0x0], $0xffff;
	_ =	sdelay $0x4  }
0x8d: {  	v1 =	vadd.f32 v2, v1;
	_ =	sdelay $0x1  }
0x8e: {  	v2 =	vmul.f32 $2.000000030e-01, v1  }
0x8f: {  	vm9 =	vgt.f32 v1, $0.0e+00  }
0x90: {  	v1 =	vsel vm9, v1, v2  }
0x91: {  	v1 =	vmul.f32 $1.442695020e+00, v1;
	_ =	sdelay $0x1  }
0x92: {  	(erf) = vpow2.f32 v1  }
0x93: {  	v2 =	vld [tilespmem:$0xA0]  }
0x94: {  	v1 =	vld [tilespmem:$0x20];
	_ =	sdelay $0x4  }
0x95: {  	v2 =	vshll.u32 v2, $0x1;
	v1 =	vshll.u32 v1, $0x1  }
0x96: {  	s23 =	sor.u32 $0x10, s0;
	v2 =	vor.u32 $0x1, v2  }
0x97: {  	p6 =	slt.u32 s23, $0x50910;
	v3 =	vpop (erf)  }
0x98: {  	v3 =	vpsel !p6, $0x0, v3  }
0x99: {  	[tilespmem:$0x5110] =	vst v3  }
0x9a: {  	v1 =	vld.idx.msk [tilespmem:v1+s20+$0x0], $0xffff  }
0x9b: {  	v2 =	vld.idx.msk [tilespmem:v2+s20+$0x0], $0xffff;
	_ =	sdelay $0x4  }
0x9c: {  	v1 =	vadd.f32 v2, v1;
	_ =	sdelay $0x1  }
0x9d: {  	v2 =	vmul.f32 $2.000000030e-01, v1  }
0x9e: {  	vm10 =	vgt.f32 v1, $0.0e+00  }
0x9f: {  	v1 =	vsel vm10, v1, v2  }
0xa0: {  	v1 =	vmul.f32 $1.442695020e+00, v1;
	_ =	sdelay $0x1  }
0xa1: {  	(erf) = vpow2.f32 v1  }
0xa2: {  	v2 =	vld [tilespmem:$0xB0]  }
0xa3: {  	v1 =	vld [tilespmem:$0x30];
	_ =	sdelay $0x4  }
0xa4: {  	v2 =	vshll.u32 v2, $0x1;
	v1 =	vshll.u32 v1, $0x1  }
0xa5: {  	s26 =	sor.u32 $0x20, s0;
	v2 =	vor.u32 $0x1, v2  }
0xa6: {  	p1 =	slt.u32 s26, $0x50910;
	v3 =	vpop (erf)  }
0xa7: {  	v3 =	vpsel !p1, $0x0, v3  }
0xa8: {  	[tilespmem:$0x5120] =	vst v3  }
0xa9: {  	v1 =	vld.idx.msk [tilespmem:v1+s20+$0x0], $0xffff  }
0xaa: {  	v2 =	vld.idx.msk [tilespmem:v2+s20+$0x0], $0xffff;
	_ =	sdelay $0x4  }
0xab: {  	v1 =	vadd.f32 v2, v1;
	_ =	sdelay $0x1  }
0xac: {  	v2 =	vmul.f32 $2.000000030e-01, v1  }
0xad: {  	vm11 =	vgt.f32 v1, $0.0e+00  }
0xae: {  	v1 =	vsel vm11, v1, v2  }
0xaf: {  	v1 =	vmul.f32 $1.442695020e+00, v1;
	_ =	sdelay $0x1  }
0xb0: {  	(erf) = vpow2.f32 v1  }
0xb1: {  	v2 =	vld [tilespmem:$0xC0]  }
0xb2: {  	v1 =	vld [tilespmem:$0x40];
	_ =	sdelay $0x4  }
0xb3: {  	v2 =	vshll.u32 v2, $0x1;
	v1 =	vshll.u32 v1, $0x1  }
0xb4: {  	s23 =	sor.u32 $0x30, s0;
	v2 =	vor.u32 $0x1, v2  }
0xb5: {  	p2 =	slt.u32 s23, $0x50910;
	v3 =	vpop (erf)  }
0xb6: {  	v3 =	vpsel !p2, $0x0, v3  }
0xb7: {  	[tilespmem:$0x5130] =	vst v3  }
0xb8: {  	v1 =	vld.idx.msk [tilespmem:v1+s20+$0x0], $0xffff  }
0xb9: {  	v2 =	vld.idx.msk [tilespmem:v2+s20+$0x0], $0xffff;
	_ =	sdelay $0x4  }
0xba: {  	v1 =	vadd.f32 v2, v1;
	_ =	sdelay $0x1  }
0xbb: {  	v2 =	vmul.f32 $2.000000030e-01, v1  }
0xbc: {  	vm12 =	vgt.f32 v1, $0.0e+00  }
0xbd: {  	v1 =	vsel vm12, v1, v2  }
0xbe: {  	v1 =	vmul.f32 $1.442695020e+00, v1;
	_ =	sdelay $0x1  }
0xbf: {  	(erf) = vpow2.f32 v1  }
0xc0: {  	v2 =	vld [tilespmem:$0xD0]  }
0xc1: {  	v1 =	vld [tilespmem:$0x50];
	_ =	sdelay $0x4  }
0xc2: {  	v2 =	vshll.u32 v2, $0x1;
	v1 =	vshll.u32 v1, $0x1  }
0xc3: {  	s26 =	sor.u32 $0x40, s0;
	v2 =	vor.u32 $0x1, v2  }
0xc4: {  	p3 =	slt.u32 s26, $0x50910;
	v3 =	vpop (erf)  }
0xc5: {  	v3 =	vpsel !p3, $0x0, v3  }
0xc6: {  	[tilespmem:$0x5140] =	vst v3  }
0xc7: {  	v1 =	vld.idx.msk [tilespmem:v1+s20+$0x0], $0xffff  }
0xc8: {  	v2 =	vld.idx.msk [tilespmem:v2+s20+$0x0], $0xffff;
	_ =	sdelay $0x4  }
0xc9: {  	v1 =	vadd.f32 v2, v1;
	_ =	sdelay $0x1  }
0xca: {  	v2 =	vmul.f32 $2.000000030e-01, v1  }
0xcb: {  	vm13 =	vgt.f32 v1, $0.0e+00  }
0xcc: {  	v1 =	vsel vm13, v1, v2  }
0xcd: {  	v1 =	vmul.f32 $1.442695020e+00, v1;
	_ =	sdelay $0x1  }
0xce: {  	(erf) = vpow2.f32 v1  }
0xcf: {  	v2 =	vld [tilespmem:$0xE0]  }
0xd0: {  	v1 =	vld [tilespmem:$0x60];
	_ =	sdelay $0x4  }
0xd1: {  	v2 =	vshll.u32 v2, $0x1;
	v1 =	vshll.u32 v1, $0x1  }
0xd2: {  	s23 =	sor.u32 $0x50, s0;
	v2 =	vor.u32 $0x1, v2  }
0xd3: {  	p4 =	slt.u32 s23, $0x50910;
	v3 =	vpop (erf)  }
0xd4: {  	v3 =	vpsel !p4, $0x0, v3  }
0xd5: {  	[tilespmem:$0x5150] =	vst v3  }
0xd6: {  	v1 =	vld.idx.msk [tilespmem:v1+s20+$0x0], $0xffff  }
0xd7: {  	v2 =	vld.idx.msk [tilespmem:v2+s20+$0x0], $0xffff;
	_ =	sdelay $0x4  }
0xd8: {  	v1 =	vadd.f32 v2, v1;
	_ =	sdelay $0x1  }
0xd9: {  	v2 =	vmul.f32 $2.000000030e-01, v1  }
0xda: {  	vm14 =	vgt.f32 v1, $0.0e+00  }
0xdb: {  	v1 =	vsel vm14, v1, v2  }
0xdc: {  	v1 =	vmul.f32 $1.442695020e+00, v1;
	_ =	sdelay $0x1  }
0xdd: {  	(erf) = vpow2.f32 v1  }
0xde: {  	v2 =	vld [tilespmem:$0xF0]  }
0xdf: {  	v1 =	vld [tilespmem:$0x70];
	_ =	sdelay $0x4  }
0xe0: {  	v2 =	vshll.u32 v2, $0x1;
	v1 =	vshll.u32 v1, $0x1  }
0xe1: {  	s26 =	sor.u32 $0x60, s0;
	v2 =	vor.u32 $0x1, v2  }
0xe2: {  	p5 =	slt.u32 s26, $0x50910;
	v3 =	vpop (erf)  }
0xe3: {  	v3 =	vpsel !p5, $0x0, v3  }
0xe4: {  	[tilespmem:$0x5160] =	vst v3  }
0xe5: {  	v1 =	vld.idx.msk [tilespmem:v1+s20+$0x0], $0xffff  }
0xe6: {  	v2 =	vld.idx.msk [tilespmem:v2+s20+$0x0], $0xffff;
	_ =	sdelay $0x4  }
0xe7: {  	v1 =	vadd.f32 v2, v1;
	_ =	sdelay $0x1  }
0xe8: {  	v2 =	vmul.f32 $2.000000030e-01, v1  }
0xe9: {  	vm15 =	vgt.f32 v1, $0.0e+00  }
0xea: {  	v1 =	vsel vm15, v1, v2  }
0xeb: {  	v1 =	vmul.f32 $1.442695020e+00, v1;
	_ =	sdelay $0x1  }
0xec: {  	(erf) = vpow2.f32 v1;
	_ =	sdelay $0x7  }
0xed: {  	s0 =	sor.u32 $0x70, s0  }
0xee: {  	p6 =	slt.u32 s0, $0x50910;
	v1 =	vpop (erf)  }
0xef: {  	v1 =	vpsel !p6, $0x0, v1  }
0xf0: {  	[tilespmem:$0x5170] =	vst v1  }
0xf1: {  	[spmem:s3] =	stream.indirect.scatter.add.f32 [tilespmem:s25], [sflag:$0x1], $0x1, s24, s24, $0xb8;
	[tilespmem:$0x1D680] =	vst v63  }
0xf2: {  	_ =	swait.ge [sflag:s21], $0x80  }
0xf3: {  	[sflag:s21] =	ssyncset.done $0x0  }
0xf4: {  	[sflag:s21] =	ssyncadd.s32 $0xFFFFFF80  }
0xf5: {  	[tilespmem:s22], [sflag:$0x1] =	stream.indirect.gather [hbm4b:s6+s24], $0x80, s30, s24, $0xb8;
	[tilespmem:$0x1D680] =	vst v63  }
0xf6: {  	_ =	swait.ge [sflag:s21], $0x4000  }
0xf7: {  	v1 =	vmov s30;
	[sflag:s21] =	ssyncset.done $0x0  }
0xf8: {  	s0 =	simm.s32 $0x51C0;
	[sflag:s21] =	ssyncadd.s32 $0xFFFFC000  }
0xf9: {  	v5 =	vld [tilespmem:s0+$0x30]  }
0xfa: {  	v8 =	vld [tilespmem:s0+$0x10]  }
0xfb: {  	v6 =	vld [tilespmem:s0+$0xFFFFFFC0]  }
0xfc: {  	v2 =	vld.idx.msk [tilespmem:v1+s25+$0x0], $0xffff  }
0xfd: {  	v10 =	vld [tilespmem:s0+$0xFFFFFFE0]  }
0xfe: {  	v1 =	vld [tilespmem:s0+$0xFFFFFFF0]  }
0xff: {  	v3 =	vld [tilespmem:s0+$0x20]  }
0x100: {  	v4 =	vld [tilespmem:s0+$0xFFFFFFD0]  }
0x101: {  	v9 =	vmul.f32 v5, v2;
	v5 =	vld [tilespmem:s0+$0x0]  }
0x102: {  	v7 =	vmul.f32 v6, v2  }
0x103: {  	s23 =	simm.s32 $0x51C0;
	s5 =	simm.s32 $0x1;
	v6 =	vmul.f32 v10, v2;
	v8 =	vmul.f32 v8, v2  }
.LBB2_5:
0x104: {  	p0 =	sne.s32 s5, $0x7F  }
0x105: {  	v4 =	vmul.f32 v4, v2;
	v3 =	vmul.f32 v3, v2;
	[tilespmem:s0+$0x30] =	vst v9;
	s23 =	sadd.s32 $0x80, s23;
	s26 =	smov.u32 s5;
	s5 =	sadd.s32 $0x1, s5  }
0x106: {  	[tilespmem:s0+$0xFFFFFFC0] =	vst v7;
	v7 =	vmul.f32 v1, v2;
	v2 =	vmul.f32 v5, v2  }
0x107: {  	[tilespmem:s0+$0x10] =	vst v8  }
0x108: {  	v5 =	vmov s26;
	[tilespmem:s0+$0xFFFFFFE0] =	vst v6  }
0x109: {  	v1 =	vld [tilespmem:s23+$0xFFFFFFF0];
	[tilespmem:s0+$0xFFFFFFF0] =	vst v7  }
0x10a: {  	v6 =	vld [tilespmem:s23+$0x30];
	[tilespmem:s0+$0x0] =	vst v2  }
0x10b: {  	v8 =	vld [tilespmem:s23+$0x10];
	[tilespmem:s0+$0x20] =	vst v3  }
0x10c: {  	v7 =	vld [tilespmem:s23+$0xFFFFFFC0];
	[tilespmem:s0+$0xFFFFFFD0] =	vst v4;
	s0 =	smov.u32 s23  }
0x10d: {  	v2 =	vld.idx.msk [tilespmem:v5+s25+$0x0], $0xffff  }
0x10e: {  	v10 =	vld [tilespmem:s23+$0xFFFFFFE0]  }
0x10f: {  	v3 =	vld [tilespmem:s23+$0x20]  }
.Ltmp1:
0x110: {  	v4 =	vld [tilespmem:s23+$0xFFFFFFD0];
	(pc) =	sbr.rel @p0 .LBB2_5-.Ltmp1, $3  }
0x111: {  	v5 =	vld [tilespmem:s23+$0x0];
	_ =	sdelay $0x1  }
0x112: {  	v7 =	vmul.f32 v7, v2;
	v9 =	vmul.f32 v6, v2  }
0x113: {  	v8 =	vmul.f32 v8, v2;
	v6 =	vmul.f32 v10, v2  }
0x114: {  	[tilespmem:s0+$0x30] =	vst v9  }
0x115: {  	[tilespmem:s0+$0xFFFFFFC0] =	vst v7  }
0x116: {  	v1 =	vmul.f32 v1, v2;
	[tilespmem:s0+$0x10] =	vst v8  }
0x117: {  	v3 =	vmul.f32 v3, v2;
	[tilespmem:s0+$0xFFFFFFE0] =	vst v6  }
0x118: {  	v5 =	vmul.f32 v5, v2;
	[tilespmem:s0+$0xFFFFFFF0] =	vst v1  }
0x119: {  	s31 =	sadd.s32 $0x1, s31;
	v1 =	vmul.f32 v4, v2;
	[tilespmem:s0+$0x20] =	vst v3  }
0x11a: {  	p0 =	sne.s32 s31, $0x51;
	[tilespmem:s0+$0x0] =	vst v5  }
.Ltmp2:
0x11b: {  	[tilespmem:s0+$0xFFFFFFD0] =	vst v1;
	(pc) =	sbr.rel @p0 .LBB2_4-.Ltmp2, $4  }
0x11c: {  	[spmem:s2] =	stream.indirect.scatter.add.f32 [tilespmem:s22], [sflag:$0x1], $0x80, s24, s24, $0xb8;
	[tilespmem:$0x1D680] =	vst v63  }
0x11d: {  	_ =	swait.ge [sflag:s21], $0x4000  }
0x11e: {  	[sflag:s21] =	ssyncset.done $0x0  }
0x11f: {  	[sflag:s21] =	ssyncadd.s32 $0xFFFFC000  }
0x120: {  	s0 =	sshll.u32 s4, $0x6  }
0x121: {  	[bflag:$0x0] =	sbarrier.arrive $0xFFFF;
	s5 =	sshrl.u32 s9, $0x3;
	s0 =	sor.u32 $0x1C01, s0  }
0x122: {  	[hbm:s17], [sflag:s0] =	dma.local [spmem:s5], $0x2800  }
0x123: {  	s29 =	sadd.s32 $0x1, s29;
	_ =	swait.ge [sflag:s21], $0x2800  }
0x124: {  	s31 =	sshrl.u32 s15, $0x3;
	p0 =	sne.s32 s29, s19;
	[sflag:s21] =	ssyncset.done $0x0  }
.Ltmp3:
0x125: {  	s23 =	simm.s32 $0x20;
	[sflag:s21] =	ssyncadd.s32 $0xFFFFD800;
	(pc) =	sbr.rel @p0 .LBB2_1-.Ltmp3, $4  }
0x126: {  	[hbm:s18@s23], [sflag:s0] =	dma.strided [spmem:s31@s28], $0x50, s21, $0x10   }
0x127: {  	_ =	swait.ge [sflag:s21], $0x50  }
0x128: {  	[sflag:s21] =	ssyncset.done $0x0  }
0x129: {  	[sflag:s21] =	ssyncadd.s32 $0xFFFFFFB0  }
0x12a: {  	_ =	sfence.sel $0x180000  }
0x12b: {  	[bflag:$0x0] =	sbarrier.arrive $0xFFFF  }
0x12c: {  	_ =	strace $0x9000004A  }
0x12d: {  	[bflag:$0x2] =	sbarrier.arrive $0xFFFF  }
0x12e: {  	p0 =	sne.s32 s4, $0x0;
	s0 =	rddreg [dreg:$0x4]  }
0x12f: {  	s0 =	sadd.s32 @!p0 $0x100000, s0  }
0x130: {  	[sflag:s0] =	ssyncadd.tile.s32 @!p0 $0x1;
	_ =	shalt  }
.Lfunc_end2:
_tile_overlayer_lowered:
.L_overlay_start_2:
0x131: {  	(tag) =	ssettag $0x2  }
0x132: {  	s0 =	rddreg [dreg:$0x0];
	s2 =	stileid.u32  }
0x133: {  	s1 =	rddreg [dreg:$0x1];
	p0 =	sne.s32 s2, $0x0  }
0x134: {  	s3 =	rddreg [dreg:$0x2];
	[bflag:$0x3] =	sbarrier.arrive $0xFFFF;
	s2 =	simm.s32 @!p0 $0x1C01  }
0x135: {  	[timem:s3], [sflag:s2] =	dma.local @!p0 [hbm:s0], s1  }
0x136: {  	s0 =	simm.s32 @!p0 $0x1  }
0x137: {  	_ =	swait.ge @!p0 [sflag:s0], s1  }
0x138: {  	s1 =	ssub.s32 @!p0 $0x0, s1;
	[sflag:s0] =	ssyncset.done @!p0 $0x0  }
0x139: {  	[sflag:s0] =	ssyncadd.s32 @!p0 s1  }
0x13a: {  	[bflag:$0x3] =	sbarrier.arrive $0xFFFF  }
0x13b: {  	_ =	shalt  }

// kernel: kernel.7.cloned.1.call-start
scs
__scs_entry_jumppad:
0x0: {  	(pc) =	sbr.rel $0x88, $3  }
0x1: {  	(tag) =	ssettag $0x0;
	lr =	simm.s32 $0x1  }
0x2: {  	[smem:$0x3F97] =	sst lr;
	_ =	strace $0xD0000000  }
0x3: {  	_ = 	snop  }
0x4: {  	_ = 	snop  }
0x5: {  	_ = 	snop  }
0x6: {  	_ = 	snop  }
0x7: {  	_ = 	snop  }
__scs_overlays_trampoline_lowered:
0x8: {  	[smem:$0x3FA6] =	sst s0  }
0x9: {  	[smem:$0x3FA7] =	sst s1  }
0xa: {  	[smem:$0x3FA8] =	sst s2  }
0xb: {  	[smem:$0x3FA9] =	sst s3  }
0xc: {  	[smem:$0x3FAA] =	sst s4  }
0xd: {  	[smem:$0x3FAB] =	sst s5  }
0xe: {  	[smem:$0x3FAC] =	sst s6  }
0xf: {  	[smem:$0x3FAD] =	sst s7  }
0x10: {  	[smem:$0x3FAE] =	sst s8  }
0x11: {  	[smem:$0x3FAF] =	sst s9;
	s0 =	simm.s32 @!p0 $0x0  }
0x12: {  	s1 =	sld [smem:$0x3F95];
	s0 =	simm.s32 @p0 $0x1  }
0x13: {  	[smem:$0x3FB0] =	sst s0;
	s0 =	simm.s32 @!p1 $0x0  }
0x14: {  	s2 =	sld [smem:$0x3F94];
	s0 =	simm.s32 @p1 $0x1  }
0x15: {  	[smem:$0x3FB1] =	sst s0;
	s0 =	simm.s32 @!p2 $0x0  }
0x16: {  	s3 =	sld [smem:$0x3FDB];
	s0 =	simm.s32 @p2 $0x1  }
0x17: {  	s4 =	simm.s32 $0x1BF5;
	[smem:$0x3FB3] =	sst s0  }
0x18: {  	s0 =	sld [smem:$0x3F96];
	_ =	swait.ge [sflag:s4], $0x0  }
0x19: {  	s7 =	sld [smem:$0x3F97]  }
0x1a: {  	s8 =	sadd.s32 $0xFFFFE003, lr  }
0x1b: {  	s9 =	sadd.s32 $0xFFFFFEF7, lr;
	s5 =	simm.s32 $0xFFFFFFFF;
	p2 =	slt.u32 s8, $0xFFFFF086  }
0x1c: {  	p1 =	slt.u32 s9, $0xF7A;
	s5 =	simm.s32 @!p2 $0x0  }
0x1d: {  	s5 =	simm.s32 @p1 $0x1;
	p0 =	seq.s32 s7, s2  }
0x1e: {  	s7 =	smul.u32 @!p0 $0xF7A, s2;
	p2 =	seq.s32 @!p0 s5, $0x0  }
0x1f: {  	s9 =	smul.u32 $0xF7A, s1;
	s8 =	simm.s32 @!p0 $0x1BF5;
	p2 =	por !p2, p0  }
0x20: {  	[sflag:s8] =	ssyncset.s32 @!p0 $0xFFFFF086;
	s6 =	sadd.s32 @!p0 s3, s7;
	s7 =	simm.s32 @!p0 $0x108  }
0x21: {  	s3 =	sadd.s32 s3, s9;
	s6 =	sadd.s32 @!p0 $0x88, s6;
	s7 =	simm.s32 @p2 $0x1082  }
0x22: {  	[simem:s7], [sflag:s8] =	dma.local @!p0 [hbm:s6], $0xF7A  }
0x23: {  	s9 =	sor.u32 $0xD0000000, s2;
	s6 =	simm.s32 $0x108;
	_ =	swait.ge @!p0 [sflag:s8], $0x0  }
0x24: {  	s3 =	sadd.s32 $0x88, s3;
	s6 =	simm.s32 @!p1 $0x1082;
	[sflag:s4] =	ssyncset.s32 $0xFFFFF086  }
0x25: {  	[simem:s6], [sflag:s4] =	dma.local [hbm:s3], $0xF7A  }
0x26: {  	[smem:$0x3F97] =	sst s1;
	(tag) =	ssettag s2;
	_ =	strace s9  }
0x27: {  	s1 =	sld [smem:$0x3FA7]  }
0x28: {  	s2 =	sld [smem:$0x3FA8]  }
0x29: {  	s4 =	sld [smem:$0x3FAA]  }
0x2a: {  	p0 =	seq.s32 s5, $0x0;
	s5 =	sld [smem:$0x3FAB]  }
0x2b: {  	s6 =	sld [smem:$0x3FAC]  }
0x2c: {  	s7 =	sld [smem:$0x3FAD]  }
0x2d: {  	s3 =	simm.s32 $0x108;
	s8 =	sld [smem:$0x3FAE]  }
0x2e: {  	s3 =	simm.s32 @!p0 $0x1082;
	s9 =	sld [smem:$0x3FAF]  }
0x2f: {  	lr =	sadd.s32 s0, s3;
	s0 =	sld [smem:$0x3FA6]  }
0x30: {  	s3 =	sld [smem:$0x3FA9]  }
0x31: {  	[smem:$0x3FB2] =	sst s10  }
0x32: {  	s10 =	sld [smem:$0x3FB0];
	_ =	sdelay $0x3  }
0x33: {  	p0 =	seq.s32 s10, $0x1;
	s10 =	sld [smem:$0x3FB2];
	_ =	sdelay $0x3  }
0x34: {  	[smem:$0x3FB2] =	sst s10  }
0x35: {  	s10 =	sld [smem:$0x3FB1];
	_ =	sdelay $0x3  }
0x36: {  	p1 =	seq.s32 s10, $0x1;
	s10 =	sld [smem:$0x3FB2];
	_ =	sdelay $0x3  }
0x37: {  	[smem:$0x3FB2] =	sst s10  }
0x38: {  	s10 =	sld [smem:$0x3FB3]  }
0x39: {  	_ = 	snop;
	(pc) =	sbr.ind lr, $3  }
0x3a: {  	_ = 	snop  }
0x3b: {  	_ = 	snop  }
0x3c: {  	p2 =	seq.s32 s10, $0x1;
	s10 =	sld [smem:$0x3FB2]  }
0x3d: {  	_ =	shalt  }
0x3e: {  	_ =	shalt  }
0x3f: {  	_ =	shalt  }
0x40: {  	_ =	shalt  }
0x41: {  	_ =	shalt  }
0x42: {  	_ =	shalt  }
0x43: {  	_ =	shalt  }
0x44: {  	_ =	shalt  }
0x45: {  	_ =	shalt  }
0x46: {  	_ =	shalt  }
0x47: {  	_ =	shalt  }
0x48: {  	_ =	shalt  }
0x49: {  	_ =	shalt  }
0x4a: {  	_ =	shalt  }
0x4b: {  	_ =	shalt  }
0x4c: {  	_ =	shalt  }
0x4d: {  	_ =	shalt  }
0x4e: {  	_ =	shalt  }
0x4f: {  	_ =	shalt  }
0x50: {  	_ =	shalt  }
0x51: {  	_ =	shalt  }
0x52: {  	_ =	shalt  }
0x53: {  	_ =	shalt  }
0x54: {  	_ =	shalt  }
0x55: {  	_ =	shalt  }
0x56: {  	_ =	shalt  }
0x57: {  	_ =	shalt  }
0x58: {  	_ =	shalt  }
0x59: {  	_ =	shalt  }
0x5a: {  	_ =	shalt  }
0x5b: {  	_ =	shalt  }
0x5c: {  	_ =	shalt  }
0x5d: {  	_ =	shalt  }
0x5e: {  	_ =	shalt  }
0x5f: {  	_ =	shalt  }
0x60: {  	_ =	shalt  }
0x61: {  	_ =	shalt  }
0x62: {  	_ =	shalt  }
0x63: {  	_ =	shalt  }
0x64: {  	_ =	shalt  }
0x65: {  	_ =	shalt  }
0x66: {  	_ =	shalt  }
0x67: {  	_ =	shalt  }
0x68: {  	_ =	shalt  }
0x69: {  	_ =	shalt  }
0x6a: {  	_ =	shalt  }
0x6b: {  	_ =	shalt  }
0x6c: {  	_ =	shalt  }
0x6d: {  	_ =	shalt  }
0x6e: {  	_ =	shalt  }
0x6f: {  	_ =	shalt  }
0x70: {  	_ =	shalt  }
0x71: {  	_ =	shalt  }
0x72: {  	_ =	shalt  }
0x73: {  	_ =	shalt  }
0x74: {  	_ =	shalt  }
0x75: {  	_ =	shalt  }
0x76: {  	_ =	shalt  }
0x77: {  	_ =	shalt  }
0x78: {  	_ =	shalt  }
0x79: {  	_ =	shalt  }
0x7a: {  	_ =	shalt  }
0x7b: {  	_ =	shalt  }
0x7c: {  	_ =	shalt  }
0x7d: {  	_ =	shalt  }
0x7e: {  	_ =	shalt  }
0x7f: {  	_ =	shalt  }
0x80: {  	_ =	shalt  }
0x81: {  	_ =	shalt  }
0x82: {  	_ =	shalt  }
0x83: {  	_ =	shalt  }
0x84: {  	_ =	shalt  }
0x85: {  	_ =	shalt  }
0x86: {  	_ =	shalt  }
0x87: {  	_ =	shalt  }
.Lfunc_end0:
.L_simem_size_0:
called_computation_lowered:
.L_overlay_start_0:
0x88: {  	s2 =	sld [smem:$0x3FD9]  }
0x89: {  	s3 =	sld [smem:$0x3FFE];
	_ =	sdelay $0x1  }
0x8a: {  	s1 =	srdreg.scid  }
0x8b: {  	s0 =	sand.u32 $0x1, s1  }
0x8c: {  	s17 =	sshll.u32 s0, $0xA;
	s2 =	sadd.s32 s3, s2  }
0x8d: {  	s2 =	sadd.s32 s2, s17  }
0x8e: {  	[smem:$0x3FBE] =	sst s2  }
0x8f: {  	_ = 	snop  }
0x90: {  	s2 =	sld [smem:$0x3FD0];
	(tm) =	ssettm $0x1  }
0x91: {  	s18 =	sld [smem:$0x3FFB];
	_ =	sdelay $0x3  }
0x92: {  	_ =	strace s18  }
0x93: {  	s3 =	sld [smem:$0x3FFC];
	_ =	sdelay $0x3  }
0x94: {  	_ =	strace s3  }
0x95: {  	s3 =	sld [smem:$0x3FFD];
	_ =	sdelay $0x3  }
0x96: {  	_ =	strace s3  }
0x97: {  	_ =	strace $0x8FFFFFFF  }
0x98: {  	s19 =	sld [smem:$0x3FDB];
	_ =	sdelay $0x1  }
0x99: {  	s4 =	simm.s32 $_scs_section_size  }
0x9a: {  	s5 =	simm.s32 $_size__tile_overlayer_lowered;
	s6 =	simm.s32 $_tile_overlayer_lowered  }
0x9b: {  	s22 =	simm.s32 $0x1BFF;
	s21 =	sshll.u32 s6, $0x1;
	s3 =	sadd.s32 s4, s19  }
0x9c: {  	s7 =	simm.s32 $0x0;
	s20 =	sshll.u32 s5, $0x1;
	s5 =	sadd.s32 s21, s3  }
0x9d: {  	[timem:s7], [sflag:s22] =	dma.local [hbm:s5], s20  }
0x9e: {  	_ =	swait.ge [sflag:s22], s20  }
0x9f: {  	s4 =	ssub.s32 $0x0, s20;
	[sflag:s22] =	ssyncset.done $0x0  }
0xa0: {  	[sflag:s22] =	ssyncadd.s32 s4;
	_ =	sdelay $0x1  }
0xa1: {  	s23 =	simm.s32 $0x1B8B  }
0xa2: {  	_ =	swait.ge [sflag:s23], $0x1  }
0xa3: {  	[sflag:s23] =	ssyncset.done $0x0  }
0xa4: {  	s25 =	simm.s32 $0x1B8E;
	s24 =	sld [smem:$0x3FFE];
	[sflag:s23] =	ssyncadd.s32 $0xFFFFFFFF  }
0xa5: {  	s26 =	simm.s32 $execute0_lowered;
	[smem:$0x3FD2] =	sst s25  }
0xa6: {  	s5 =	sshll.u32 s26, $0x1;
	_ =	strace $0x80000046;
	[dreg:$0x1] =	wrdreg $0xFFFFFFFF  }
0xa7: {  	s28 =	simm.s32 $_size_execute0_lowered;
	s3 =	sadd.s32 s3, s5;
	[dreg:$0x0] =	wrdreg $0x0  }
0xa8: {  	s5 =	sshll.u32 s28, $0x1;
	[dreg:$0x2] =	wrdreg s3  }
0xa9: {  	[dreg:$0x3] =	wrdreg s5  }
0xaa: {  	[dreg:$0x4] =	wrdreg $0xC0  }
0xab: {  	_ =	task [dreg:s7], $0x5FFFF  }
0xac: {  	[dreg:$0x1] =	wrdreg $0xFFFFFFFF  }
0xad: {  	[dreg:$0x0] =	wrdreg $0x60  }
0xae: {  	[dreg:$0x2] =	wrdreg s24  }
0xaf: {  	[dreg:$0x3] =	wrdreg s2  }
0xb0: {  	[dreg:$0x4] =	wrdreg $0x94000  }
0xb1: {  	[dreg:$0x5] =	wrdreg $0x1D4000  }
0xb2: {  	[dreg:$0x6] =	wrdreg $0x9  }
0xb3: {  	_ =	task.clear_ibuf [dreg:s7], $0x7FFFF;
	_ =	strace $0x90000046  }
0xb4: {  	s29 =	simm.s32 $0x9;
	_ =	strace $0x80000048  }
0xb5: {  	_ =	swait.ge [sflag:s29], $0x1  }
0xb6: {  	[sflag:s29] =	ssyncadd.s32 $0xFFFFFFFF  }
0xb7: {  	_ =	strace $0x90000048  }
0xb8: {  	_ =	sfence  }
0xb9: {  	s30 =	sld [smem:$0x0];
	_ =	sdelay $0x2  }
0xba: {  	s31 =	sshll.u32 s1, $0xD;
	s1 =	sshrl.u32 s1, $0x2  }
0xbb: {  	s3 =	sand.u32 $0x4000, s31;
	s1 =	sadd.s32 s1, s30  }
0xbc: {  	s0 =	sor.u32 s3, s0;
	s1 =	sshll.u32 s1, $0x11  }
0xbd: {  	s0 =	sor.u32 s1, s0  }
0xbe: {  	s0 =	sadd.s32 $0x8F2B, s0  }
0xbf: {  	[sflag:s0] =	ssyncadd.remote.s32 $0x1  }
0xc0: {  	_ =	sfence.sel $0xFFFF  }
0xc1: {  	[dreg:$0x0] =	wrdreg $0xFFFFFFFF;
	(pc) =	sbr.abs _section_cstart, $3  }
0xc2: {  	[dreg:$0x1] =	wrdreg $0xFFFFFFFF  }
0xc3: {  	_ =	task.clear_ibuf [dreg:s7], $0x2FFFF;
	_ =	strace $0x9FFFFFFF  }
0xc4: {  	(tm) =	ssettm $0x7FFFFFFF  }
0xc5: {  	_ =	shalt  }
tec
execute0_lowered:
.L_overlay_start_1:
0x0: {  	(tag) =	ssettag $0x1  }
0x1: {  	s0 =	rddreg [dreg:$0x0]  }
0x2: {  	s1 =	rddreg [dreg:$0x1]  }
0x3: {  	s2 =	rddreg [dreg:$0x2]  }
0x4: {  	s3 =	rddreg [dreg:$0x3];
	s4 =	srdreg.scid;
	s6 =	simm.s32 $0x0  }
0x5: {  	s20 =	simm.s32 $0x100;
	s21 =	simm.s32 $0x1;
	s22 =	simm.s32 $0x5180  }
0x6: {  	s28 =	simm.s32 $0x10;
	s29 =	simm.s32 $0x0;
	s5 =	sand.u32 $0x1, s4  }
0x7: {  	s30 =	simm.s32 $0x0;
	s4 =	stileid.u32;
	s8 =	smul.u32 $0x140000, s5  }
0x8: {  	[smem:$0x7FF] =	sst s6;
	s6 =	sadd.s32 $0xDC00, s0;
	s9 =	smul.u32 $0x14000, s4  }
0x9: {  	s7 =	sadd.s32 $0x35C00, s0;
	_ =	strace $0x80000047;
	s10 =	smul.u32 $0x500, s4  }
0xa: {  	s11 =	sshll.u32 s5, $0x7;
	s24 =	ssub.s32 $0x2, s5;
	s12 =	smul.u32 $0x50000, s4  }
0xb: {  	s5 =	sshll.u32 s5, $0x4;
	s13 =	smul.u32 $0xA00, s4;
	s26 =	sshrl.u32 s24, $0x1  }
0xc: {  	s5 =	sor.u32 s4, s5;
	s9 =	sadd.s32 s9, s8;
	s8 =	sadd.s32 $0x2C00, s0  }
0xd: {  	s10 =	sor.u32 s11, s10;
	s15 =	sshrl.u32 s13, $0x2;
	s13 =	smul.u32 $0x2C00, s5  }
0xe: {  	s19 =	ssub.s32 s24, s26;
	s31 =	sshrl.u32 s12, $0x2;
	s16 =	smul.u32 $0x2880, s5  }
0xf: {  	s24 =	simm.s32 $0x80;
	s9 =	sshrl.u32 s9, $0x3;
	s25 =	sshrl.u32 s10, $0x3  }
0x10: {  	s15 =	sadd.s32 s15, s3;
	s19 =	smax.u32 s19, $0x1;
	s17 =	sadd.s32 s9, s0  }
0x11: {  	s0 =	sadd.s32 s25, s0;
	s9 =	sadd.s32 s31, s2;
	s25 =	simm.s32 $0x5100  }
0x12: {  	s10 =	sadd.s32 $0x4000, s9;
	s11 =	sadd.s32 $0x8000, s9;
	s12 =	sadd.s32 $0xC000, s9  }
0x13: {  	v0 =	vimm.f32 $0.0e+00;
	s14 =	sadd.s32 $0x10000, s9;
	s17 =	sadd.s32 $0x37000, s17;
	s18 =	sadd.s32 $0x36600, s0  }
.LBB2_1:
0x14: {  	s0 =	simm.s32 $0x0  }
0x15: {  	[tilespmem:s20], [sflag:$0x1] =	stream.linear.gather [hbm4b:s7+s0], $0x5000, $0x38;
	[tilespmem:$0x1D680] =	vst v63  }
0x16: {  	_ =	swait.ge [sflag:s21], $0x5000  }
0x17: {  	[sflag:s21] =	ssyncset.done $0x0  }
0x18: {  	s5 =	simm.s32 $0x200;
	s0 =	simm.s32 $0x0;
	[sflag:s21] =	ssyncadd.s32 $0xFFFFB000  }
.LBB2_2:
0x19: {  	p0 =	sne.s32 s5, $0xFE00;
	[tilespmem:s0+$0x51F0] =	vst v0  }
0x1a: {  	[tilespmem:s0+$0x5180] =	vst v0  }
0x1b: {  	[tilespmem:s0+$0x5190] =	vst v0  }
.Ltmp0:
0x1c: {  	[tilespmem:s0+$0x51A0] =	vst v0;
	(pc) =	sbr.rel @p0 .LBB2_2-.Ltmp0, $4  }
0x1d: {  	[tilespmem:s0+$0x51B0] =	vst v0  }
0x1e: {  	[tilespmem:s0+$0x51C0] =	vst v0  }
0x1f: {  	[tilespmem:s0+$0x51D0] =	vst v0  }
0x20: {  	[tilespmem:s0+$0x51E0] =	vst v0;
	s0 =	sshra.s32 s5, $0x2;
	s5 =	sadd.s32 $0x200, s5  }
0x21: {  	[tilespmem:s0+$0x51F0] =	vst v0  }
0x22: {  	[tilespmem:s0+$0x5180] =	vst v0  }
0x23: {  	[tilespmem:s0+$0x5190] =	vst v0  }
0x24: {  	[tilespmem:s0+$0x51A0] =	vst v0  }
0x25: {  	[tilespmem:s0+$0x51B0] =	vst v0  }
0x26: {  	[tilespmem:s0+$0x51C0] =	vst v0  }
0x27: {  	[tilespmem:s0+$0x51D0] =	vst v0  }
0x28: {  	[tilespmem:s0+$0x51E0] =	vst v0  }
0x29: {  	[tilespmem:$0x9180] =	vst v0  }
0x2a: {  	[tilespmem:$0x9190] =	vst v0  }
0x2b: {  	[tilespmem:$0x91A0] =	vst v0  }
0x2c: {  	[tilespmem:$0x91B0] =	vst v0  }
0x2d: {  	[tilespmem:$0x91C0] =	vst v0  }
0x2e: {  	[tilespmem:$0x91D0] =	vst v0  }
0x2f: {  	[tilespmem:$0x91E0] =	vst v0  }
0x30: {  	[tilespmem:$0x91F0] =	vst v0  }
0x31: {  	[tilespmem:$0x9200] =	vst v0  }
0x32: {  	[tilespmem:$0x9210] =	vst v0  }
0x33: {  	[tilespmem:$0x9220] =	vst v0  }
0x34: {  	[tilespmem:$0x9230] =	vst v0  }
0x35: {  	[tilespmem:$0x9240] =	vst v0  }
0x36: {  	[tilespmem:$0x9250] =	vst v0  }
0x37: {  	[tilespmem:$0x9260] =	vst v0  }
0x38: {  	[tilespmem:$0x9270] =	vst v0  }
0x39: {  	[tilespmem:$0x9280] =	vst v0  }
0x3a: {  	[tilespmem:$0x9290] =	vst v0  }
0x3b: {  	[tilespmem:$0x92A0] =	vst v0  }
0x3c: {  	[tilespmem:$0x92B0] =	vst v0  }
0x3d: {  	[tilespmem:$0x92C0] =	vst v0  }
0x3e: {  	[tilespmem:$0x92D0] =	vst v0  }
0x3f: {  	[tilespmem:$0x92E0] =	vst v0  }
0x40: {  	[tilespmem:$0x92F0] =	vst v0  }
0x41: {  	[tilespmem:$0x9300] =	vst v0  }
0x42: {  	[tilespmem:$0x9310] =	vst v0  }
0x43: {  	[tilespmem:$0x9320] =	vst v0  }
0x44: {  	[tilespmem:$0x9330] =	vst v0  }
0x45: {  	[tilespmem:$0x9340] =	vst v0  }
0x46: {  	[tilespmem:$0x9350] =	vst v0  }
0x47: {  	[tilespmem:$0x9360] =	vst v0  }
0x48: {  	[tilespmem:$0x9370] =	vst v0  }
0x49: {  	[tilespmem:$0x9380] =	vst v0  }
0x4a: {  	[tilespmem:$0x9390] =	vst v0  }
0x4b: {  	[tilespmem:$0x93A0] =	vst v0  }
0x4c: {  	[tilespmem:$0x93B0] =	vst v0  }
0x4d: {  	[tilespmem:$0x93C0] =	vst v0  }
0x4e: {  	[tilespmem:$0x93D0] =	vst v0  }
0x4f: {  	[tilespmem:$0x93E0] =	vst v0  }
0x50: {  	[tilespmem:$0x93F0] =	vst v0  }
0x51: {  	[spmem:s9] =	stream.linear.scatter [tilespmem:s22], [sflag:$0x1], $0x4000, $0x38;
	[tilespmem:$0x1D680] =	vst v63  }
0x52: {  	_ =	swait.ge [sflag:s21], $0x4000  }
0x53: {  	[sflag:s21] =	ssyncset.done $0x0  }
0x54: {  	[sflag:s21] =	ssyncadd.s32 $0xFFFFC000  }
0x55: {  	[spmem:s10] =	stream.linear.scatter [tilespmem:s22], [sflag:$0x1], $0x4000, $0x38;
	[tilespmem:$0x1D680] =	vst v63  }
0x56: {  	_ =	swait.ge [sflag:s21], $0x4000  }
0x57: {  	[sflag:s21] =	ssyncset.done $0x0  }
0x58: {  	[sflag:s21] =	ssyncadd.s32 $0xFFFFC000  }
0x59: {  	[spmem:s11] =	stream.linear.scatter [tilespmem:s22], [sflag:$0x1], $0x4000, $0x38;
	[tilespmem:$0x1D680] =	vst v63  }
0x5a: {  	_ =	swait.ge [sflag:s21], $0x4000  }
0x5b: {  	[sflag:s21] =	ssyncset.done $0x0  }
0x5c: {  	[sflag:s21] =	ssyncadd.s32 $0xFFFFC000  }
0x5d: {  	[spmem:s12] =	stream.linear.scatter [tilespmem:s22], [sflag:$0x1], $0x4000, $0x38;
	[tilespmem:$0x1D680] =	vst v63  }
0x5e: {  	_ =	swait.ge [sflag:s21], $0x4000  }
0x5f: {  	[sflag:s21] =	ssyncset.done $0x0  }
0x60: {  	[sflag:s21] =	ssyncadd.s32 $0xFFFFC000  }
0x61: {  	[spmem:s14] =	stream.linear.scatter [tilespmem:s22], [sflag:$0x1], $0x4000, $0x38;
	[tilespmem:$0x1D680] =	vst v63  }
0x62: {  	_ =	swait.ge [sflag:s21], $0x4000  }
0x63: {  	[sflag:s21] =	ssyncset.done $0x0  }
0x64: {  	s26 =	simm.s32 $0x9180;
	[sflag:s21] =	ssyncadd.s32 $0xFFFFC000  }
0x65: {  	[spmem:s15] =	stream.linear.scatter [tilespmem:s26], [sflag:$0x1], $0x280, $0x38;
	[tilespmem:$0x1D680] =	vst v63  }
0x66: {  	_ =	swait.ge [sflag:s21], $0x280  }
0x67: {  	[sflag:s21] =	ssyncset.done $0x0  }
0x68: {  	[sflag:s21] =	ssyncadd.s32 $0xFFFFFD80  }
0x69: {  	s31 =	simm.s32 $0x0;
	[bflag:$0x0] =	sbarrier.arrive $0xFFFF  }
.LBB2_4:
0x6a: {  	s0 =	sshll.u32 s31, $0x7  }
0x6b: {  	s5 =	sand.u32 $0x3C00, s0  }
0x6c: {  	s23 =	sand.u32 $0x380, s0;
	s5 =	sadd.s32 s13, s5  }
0x6d: {  	s5 =	sor.u32 s23, s5  }
0x6e: {  	s5 =	sshrl.u32 s5, $0x3  }
0x6f: {  	s26 =	sadd.s32 s1, s5  }
0x70: {  	[tilespmem:s30], [sflag:$0x1] =	stream.linear.gather [hbm4b:s26+s30], $0x80, $0x38;
	[tilespmem:$0x1D680] =	vst v63  }
0x71: {  	_ =	swait.ge [sflag:s21], $0x80  }
0x72: {  	[sflag:s21] =	ssyncset.done $0x0  }
0x73: {  	s5 =	sadd.s32 s8, s5;
	[sflag:s21] =	ssyncadd.s32 $0xFFFFFF80  }
0x74: {  	[tilespmem:s24], [sflag:$0x1] =	stream.linear.gather [hbm4b:s5+s30], $0x80, $0x38;
	[tilespmem:$0x1D680] =	vst v63  }
0x75: {  	_ =	swait.ge [sflag:s21], $0x80  }
0x76: {  	[sflag:s21] =	ssyncset.done $0x0  }
0x77: {  	[sflag:s21] =	ssyncadd.s32 $0xFFFFFF80  }
0x78: {  	v1 =	vld [tilespmem:$0x0]  }
0x79: {  	v2 =	vld [tilespmem:$0x80];
	_ =	sdelay $0x4  }
0x7a: {  	v1 =	vshll.u32 v1, $0x1;
	v2 =	vshll.u32 v2, $0x1  }
0x7b: {  	v2 =	vor.u32 $0x1, v2;
	_ =	sdelay $0x3  }
0x7c: {  	v1 =	vld.idx.msk [tilespmem:v1+s20+$0x0], $0xffff  }
0x7d: {  	v2 =	vld.idx.msk [tilespmem:v2+s20+$0x0], $0xffff;
	_ =	sdelay $0x4  }
0x7e: {  	v1 =	vadd.f32 v2, v1;
	_ =	sdelay $0x1  }
0x7f: {  	v2 =	vmul.f32 $2.000000030e-01, v1  }
0x80: {  	vm0 =	vgt.f32 v1, $0.0e+00  }
0x81: {  	v1 =	vsel vm0, v1, v2  }
0x82: {  	v1 =	vmul.f32 $1.442695020e+00, v1;
	_ =	sdelay $0x1  }
0x83: {  	(erf) = vpow2.f32 v1  }
0x84: {  	v2 =	vld [tilespmem:$0x90]  }
0x85: {  	v1 =	vld [tilespmem:$0x10];
	_ =	sdelay $0x4  }
0x86: {  	v2 =	vshll.u32 v2, $0x1;
	v1 =	vshll.u32 v1, $0x1  }
0x87: {  	s0 =	sadd.s32 s16, s0;
	v2 =	vor.u32 $0x1, v2  }
0x88: {  	p0 =	slt.u32 s0, $0x50910;
	v3 =	vpop (erf)  }
0x89: {  	v3 =	vpsel !p0, $0x0, v3  }
0x8a: {  	[tilespmem:$0x5100] =	vst v3  }
0x8b: {  	v1 =	vld.idx.msk [tilespmem:v1+s20+$0x0], $0xffff  }
0x8c: {  	v2 =	vld.idx.msk [tilespmem:v2+s20+$0x0], $0xffff;
	_ =	sdelay $0x4  }
0x8d: {  	v1 =	vadd.f32 v2, v1;
	_ =	sdelay $0x1  }
0x8e: {  	v2 =	vmul.f32 $2.000000030e-01, v1  }
0x8f: {  	vm9 =	vgt.f32 v1, $0.0e+00  }
0x90: {  	v1 =	vsel vm9, v1, v2  }
0x91: {  	v1 =	vmul.f32 $1.442695020e+00, v1;
	_ =	sdelay $0x1  }
0x92: {  	(erf) = vpow2.f32 v1  }
0x93: {  	v2 =	vld [tilespmem:$0xA0]  }
0x94: {  	v1 =	vld [tilespmem:$0x20];
	_ =	sdelay $0x4  }
0x95: {  	v2 =	vshll.u32 v2, $0x1;
	v1 =	vshll.u32 v1, $0x1  }
0x96: {  	s23 =	sor.u32 $0x10, s0;
	v2 =	vor.u32 $0x1, v2  }
0x97: {  	p6 =	slt.u32 s23, $0x50910;
	v3 =	vpop (erf)  }
0x98: {  	v3 =	vpsel !p6, $0x0, v3  }
0x99: {  	[tilespmem:$0x5110] =	vst v3  }
0x9a: {  	v1 =	vld.idx.msk [tilespmem:v1+s20+$0x0], $0xffff  }
0x9b: {  	v2 =	vld.idx.msk [tilespmem:v2+s20+$0x0], $0xffff;
	_ =	sdelay $0x4  }
0x9c: {  	v1 =	vadd.f32 v2, v1;
	_ =	sdelay $0x1  }
0x9d: {  	v2 =	vmul.f32 $2.000000030e-01, v1  }
0x9e: {  	vm10 =	vgt.f32 v1, $0.0e+00  }
0x9f: {  	v1 =	vsel vm10, v1, v2  }
0xa0: {  	v1 =	vmul.f32 $1.442695020e+00, v1;
	_ =	sdelay $0x1  }
0xa1: {  	(erf) = vpow2.f32 v1  }
0xa2: {  	v2 =	vld [tilespmem:$0xB0]  }
0xa3: {  	v1 =	vld [tilespmem:$0x30];
	_ =	sdelay $0x4  }
0xa4: {  	v2 =	vshll.u32 v2, $0x1;
	v1 =	vshll.u32 v1, $0x1  }
0xa5: {  	s26 =	sor.u32 $0x20, s0;
	v2 =	vor.u32 $0x1, v2  }
0xa6: {  	p1 =	slt.u32 s26, $0x50910;
	v3 =	vpop (erf)  }
0xa7: {  	v3 =	vpsel !p1, $0x0, v3  }
0xa8: {  	[tilespmem:$0x5120] =	vst v3  }
0xa9: {  	v1 =	vld.idx.msk [tilespmem:v1+s20+$0x0], $0xffff  }
0xaa: {  	v2 =	vld.idx.msk [tilespmem:v2+s20+$0x0], $0xffff;
	_ =	sdelay $0x4  }
0xab: {  	v1 =	vadd.f32 v2, v1;
	_ =	sdelay $0x1  }
0xac: {  	v2 =	vmul.f32 $2.000000030e-01, v1  }
0xad: {  	vm11 =	vgt.f32 v1, $0.0e+00  }
0xae: {  	v1 =	vsel vm11, v1, v2  }
0xaf: {  	v1 =	vmul.f32 $1.442695020e+00, v1;
	_ =	sdelay $0x1  }
0xb0: {  	(erf) = vpow2.f32 v1  }
0xb1: {  	v2 =	vld [tilespmem:$0xC0]  }
0xb2: {  	v1 =	vld [tilespmem:$0x40];
	_ =	sdelay $0x4  }
0xb3: {  	v2 =	vshll.u32 v2, $0x1;
	v1 =	vshll.u32 v1, $0x1  }
0xb4: {  	s23 =	sor.u32 $0x30, s0;
	v2 =	vor.u32 $0x1, v2  }
0xb5: {  	p2 =	slt.u32 s23, $0x50910;
	v3 =	vpop (erf)  }
0xb6: {  	v3 =	vpsel !p2, $0x0, v3  }
0xb7: {  	[tilespmem:$0x5130] =	vst v3  }
0xb8: {  	v1 =	vld.idx.msk [tilespmem:v1+s20+$0x0], $0xffff  }
0xb9: {  	v2 =	vld.idx.msk [tilespmem:v2+s20+$0x0], $0xffff;
	_ =	sdelay $0x4  }
0xba: {  	v1 =	vadd.f32 v2, v1;
	_ =	sdelay $0x1  }
0xbb: {  	v2 =	vmul.f32 $2.000000030e-01, v1  }
0xbc: {  	vm12 =	vgt.f32 v1, $0.0e+00  }
0xbd: {  	v1 =	vsel vm12, v1, v2  }
0xbe: {  	v1 =	vmul.f32 $1.442695020e+00, v1;
	_ =	sdelay $0x1  }
0xbf: {  	(erf) = vpow2.f32 v1  }
0xc0: {  	v2 =	vld [tilespmem:$0xD0]  }
0xc1: {  	v1 =	vld [tilespmem:$0x50];
	_ =	sdelay $0x4  }
0xc2: {  	v2 =	vshll.u32 v2, $0x1;
	v1 =	vshll.u32 v1, $0x1  }
0xc3: {  	s26 =	sor.u32 $0x40, s0;
	v2 =	vor.u32 $0x1, v2  }
0xc4: {  	p3 =	slt.u32 s26, $0x50910;
	v3 =	vpop (erf)  }
0xc5: {  	v3 =	vpsel !p3, $0x0, v3  }
0xc6: {  	[tilespmem:$0x5140] =	vst v3  }
0xc7: {  	v1 =	vld.idx.msk [tilespmem:v1+s20+$0x0], $0xffff  }
0xc8: {  	v2 =	vld.idx.msk [tilespmem:v2+s20+$0x0], $0xffff;
	_ =	sdelay $0x4  }
0xc9: {  	v1 =	vadd.f32 v2, v1;
	_ =	sdelay $0x1  }
0xca: {  	v2 =	vmul.f32 $2.000000030e-01, v1  }
0xcb: {  	vm13 =	vgt.f32 v1, $0.0e+00  }
0xcc: {  	v1 =	vsel vm13, v1, v2  }
0xcd: {  	v1 =	vmul.f32 $1.442695020e+00, v1;
	_ =	sdelay $0x1  }
0xce: {  	(erf) = vpow2.f32 v1  }
0xcf: {  	v2 =	vld [tilespmem:$0xE0]  }
0xd0: {  	v1 =	vld [tilespmem:$0x60];
	_ =	sdelay $0x4  }
0xd1: {  	v2 =	vshll.u32 v2, $0x1;
	v1 =	vshll.u32 v1, $0x1  }
0xd2: {  	s23 =	sor.u32 $0x50, s0;
	v2 =	vor.u32 $0x1, v2  }
0xd3: {  	p4 =	slt.u32 s23, $0x50910;
	v3 =	vpop (erf)  }
0xd4: {  	v3 =	vpsel !p4, $0x0, v3  }
0xd5: {  	[tilespmem:$0x5150] =	vst v3  }
0xd6: {  	v1 =	vld.idx.msk [tilespmem:v1+s20+$0x0], $0xffff  }
0xd7: {  	v2 =	vld.idx.msk [tilespmem:v2+s20+$0x0], $0xffff;
	_ =	sdelay $0x4  }
0xd8: {  	v1 =	vadd.f32 v2, v1;
	_ =	sdelay $0x1  }
0xd9: {  	v2 =	vmul.f32 $2.000000030e-01, v1  }
0xda: {  	vm14 =	vgt.f32 v1, $0.0e+00  }
0xdb: {  	v1 =	vsel vm14, v1, v2  }
0xdc: {  	v1 =	vmul.f32 $1.442695020e+00, v1;
	_ =	sdelay $0x1  }
0xdd: {  	(erf) = vpow2.f32 v1  }
0xde: {  	v2 =	vld [tilespmem:$0xF0]  }
0xdf: {  	v1 =	vld [tilespmem:$0x70];
	_ =	sdelay $0x4  }
0xe0: {  	v2 =	vshll.u32 v2, $0x1;
	v1 =	vshll.u32 v1, $0x1  }
0xe1: {  	s26 =	sor.u32 $0x60, s0;
	v2 =	vor.u32 $0x1, v2  }
0xe2: {  	p5 =	slt.u32 s26, $0x50910;
	v3 =	vpop (erf)  }
0xe3: {  	v3 =	vpsel !p5, $0x0, v3  }
0xe4: {  	[tilespmem:$0x5160] =	vst v3  }
0xe5: {  	v1 =	vld.idx.msk [tilespmem:v1+s20+$0x0], $0xffff  }
0xe6: {  	v2 =	vld.idx.msk [tilespmem:v2+s20+$0x0], $0xffff;
	_ =	sdelay $0x4  }
0xe7: {  	v1 =	vadd.f32 v2, v1;
	_ =	sdelay $0x1  }
0xe8: {  	v2 =	vmul.f32 $2.000000030e-01, v1  }
0xe9: {  	vm15 =	vgt.f32 v1, $0.0e+00  }
0xea: {  	v1 =	vsel vm15, v1, v2  }
0xeb: {  	v1 =	vmul.f32 $1.442695020e+00, v1;
	_ =	sdelay $0x1  }
0xec: {  	(erf) = vpow2.f32 v1;
	_ =	sdelay $0x7  }
0xed: {  	s0 =	sor.u32 $0x70, s0  }
0xee: {  	p6 =	slt.u32 s0, $0x50910;
	v1 =	vpop (erf)  }
0xef: {  	v1 =	vpsel !p6, $0x0, v1  }
0xf0: {  	[tilespmem:$0x5170] =	vst v1  }
0xf1: {  	[spmem:s3] =	stream.indirect.scatter.add.f32 [tilespmem:s25], [sflag:$0x1], $0x1, s24, s24, $0xb8;
	[tilespmem:$0x1D680] =	vst v63  }
0xf2: {  	_ =	swait.ge [sflag:s21], $0x80  }
0xf3: {  	[sflag:s21] =	ssyncset.done $0x0  }
0xf4: {  	[sflag:s21] =	ssyncadd.s32 $0xFFFFFF80  }
0xf5: {  	[tilespmem:s22], [sflag:$0x1] =	stream.indirect.gather [hbm4b:s6+s24], $0x80, s30, s24, $0xb8;
	[tilespmem:$0x1D680] =	vst v63  }
0xf6: {  	_ =	swait.ge [sflag:s21], $0x4000  }
0xf7: {  	v1 =	vmov s30;
	[sflag:s21] =	ssyncset.done $0x0  }
0xf8: {  	s0 =	simm.s32 $0x51C0;
	[sflag:s21] =	ssyncadd.s32 $0xFFFFC000  }
0xf9: {  	v5 =	vld [tilespmem:s0+$0x30]  }
0xfa: {  	v8 =	vld [tilespmem:s0+$0x10]  }
0xfb: {  	v6 =	vld [tilespmem:s0+$0xFFFFFFC0]  }
0xfc: {  	v2 =	vld.idx.msk [tilespmem:v1+s25+$0x0], $0xffff  }
0xfd: {  	v10 =	vld [tilespmem:s0+$0xFFFFFFE0]  }
0xfe: {  	v1 =	vld [tilespmem:s0+$0xFFFFFFF0]  }
0xff: {  	v3 =	vld [tilespmem:s0+$0x20]  }
0x100: {  	v4 =	vld [tilespmem:s0+$0xFFFFFFD0]  }
0x101: {  	v9 =	vmul.f32 v5, v2;
	v5 =	vld [tilespmem:s0+$0x0]  }
0x102: {  	v7 =	vmul.f32 v6, v2  }
0x103: {  	s23 =	simm.s32 $0x51C0;
	s5 =	simm.s32 $0x1;
	v6 =	vmul.f32 v10, v2;
	v8 =	vmul.f32 v8, v2  }
.LBB2_5:
0x104: {  	p0 =	sne.s32 s5, $0x7F  }
0x105: {  	v4 =	vmul.f32 v4, v2;
	v3 =	vmul.f32 v3, v2;
	[tilespmem:s0+$0x30] =	vst v9;
	s23 =	sadd.s32 $0x80, s23;
	s26 =	smov.u32 s5;
	s5 =	sadd.s32 $0x1, s5  }
0x106: {  	[tilespmem:s0+$0xFFFFFFC0] =	vst v7;
	v7 =	vmul.f32 v1, v2;
	v2 =	vmul.f32 v5, v2  }
0x107: {  	[tilespmem:s0+$0x10] =	vst v8  }
0x108: {  	v5 =	vmov s26;
	[tilespmem:s0+$0xFFFFFFE0] =	vst v6  }
0x109: {  	v1 =	vld [tilespmem:s23+$0xFFFFFFF0];
	[tilespmem:s0+$0xFFFFFFF0] =	vst v7  }
0x10a: {  	v6 =	vld [tilespmem:s23+$0x30];
	[tilespmem:s0+$0x0] =	vst v2  }
0x10b: {  	v8 =	vld [tilespmem:s23+$0x10];
	[tilespmem:s0+$0x20] =	vst v3  }
0x10c: {  	v7 =	vld [tilespmem:s23+$0xFFFFFFC0];
	[tilespmem:s0+$0xFFFFFFD0] =	vst v4;
	s0 =	smov.u32 s23  }
0x10d: {  	v2 =	vld.idx.msk [tilespmem:v5+s25+$0x0], $0xffff  }
0x10e: {  	v10 =	vld [tilespmem:s23+$0xFFFFFFE0]  }
0x10f: {  	v3 =	vld [tilespmem:s23+$0x20]  }
.Ltmp1:
0x110: {  	v4 =	vld [tilespmem:s23+$0xFFFFFFD0];
	(pc) =	sbr.rel @p0 .LBB2_5-.Ltmp1, $3  }
0x111: {  	v5 =	vld [tilespmem:s23+$0x0];
	_ =	sdelay $0x1  }
0x112: {  	v7 =	vmul.f32 v7, v2;
	v9 =	vmul.f32 v6, v2  }
0x113: {  	v8 =	vmul.f32 v8, v2;
	v6 =	vmul.f32 v10, v2  }
0x114: {  	[tilespmem:s0+$0x30] =	vst v9  }
0x115: {  	[tilespmem:s0+$0xFFFFFFC0] =	vst v7  }
0x116: {  	v1 =	vmul.f32 v1, v2;
	[tilespmem:s0+$0x10] =	vst v8  }
0x117: {  	v3 =	vmul.f32 v3, v2;
	[tilespmem:s0+$0xFFFFFFE0] =	vst v6  }
0x118: {  	v5 =	vmul.f32 v5, v2;
	[tilespmem:s0+$0xFFFFFFF0] =	vst v1  }
0x119: {  	s31 =	sadd.s32 $0x1, s31;
	v1 =	vmul.f32 v4, v2;
	[tilespmem:s0+$0x20] =	vst v3  }
0x11a: {  	p0 =	sne.s32 s31, $0x51;
	[tilespmem:s0+$0x0] =	vst v5  }
.Ltmp2:
0x11b: {  	[tilespmem:s0+$0xFFFFFFD0] =	vst v1;
	(pc) =	sbr.rel @p0 .LBB2_4-.Ltmp2, $4  }
0x11c: {  	[spmem:s2] =	stream.indirect.scatter.add.f32 [tilespmem:s22], [sflag:$0x1], $0x80, s24, s24, $0xb8;
	[tilespmem:$0x1D680] =	vst v63  }
0x11d: {  	_ =	swait.ge [sflag:s21], $0x4000  }
0x11e: {  	[sflag:s21] =	ssyncset.done $0x0  }
0x11f: {  	[sflag:s21] =	ssyncadd.s32 $0xFFFFC000  }
0x120: {  	s0 =	sshll.u32 s4, $0x6  }
0x121: {  	[bflag:$0x0] =	sbarrier.arrive $0xFFFF;
	s5 =	sshrl.u32 s9, $0x3;
	s0 =	sor.u32 $0x1C01, s0  }
0x122: {  	[hbm:s17], [sflag:s0] =	dma.local [spmem:s5], $0x2800  }
0x123: {  	s29 =	sadd.s32 $0x1, s29;
	_ =	swait.ge [sflag:s21], $0x2800  }
0x124: {  	s31 =	sshrl.u32 s15, $0x3;
	p0 =	sne.s32 s29, s19;
	[sflag:s21] =	ssyncset.done $0x0  }
.Ltmp3:
0x125: {  	s23 =	simm.s32 $0x20;
	[sflag:s21] =	ssyncadd.s32 $0xFFFFD800;
	(pc) =	sbr.rel @p0 .LBB2_1-.Ltmp3, $4  }
0x126: {  	[hbm:s18@s23], [sflag:s0] =	dma.strided [spmem:s31@s28], $0x50, s21, $0x10   }
0x127: {  	_ =	swait.ge [sflag:s21], $0x50  }
0x128: {  	[sflag:s21] =	ssyncset.done $0x0  }
0x129: {  	[sflag:s21] =	ssyncadd.s32 $0xFFFFFFB0  }
0x12a: {  	_ =	sfence.sel $0x180000  }
0x12b: {  	[bflag:$0x0] =	sbarrier.arrive $0xFFFF  }
0x12c: {  	_ =	strace $0x90000047  }
0x12d: {  	[bflag:$0x2] =	sbarrier.arrive $0xFFFF  }
0x12e: {  	p0 =	sne.s32 s4, $0x0;
	s0 =	rddreg [dreg:$0x4]  }
0x12f: {  	s0 =	sadd.s32 @!p0 $0x100000, s0  }
0x130: {  	[sflag:s0] =	ssyncadd.tile.s32 @!p0 $0x1;
	_ =	shalt  }
.Lfunc_end2:
_tile_overlayer_lowered:
.L_overlay_start_2:
0x131: {  	(tag) =	ssettag $0x2  }
0x132: {  	s0 =	rddreg [dreg:$0x0];
	s2 =	stileid.u32  }
0x133: {  	s1 =	rddreg [dreg:$0x1];
	p0 =	sne.s32 s2, $0x0  }
0x134: {  	s3 =	rddreg [dreg:$0x2];
	[bflag:$0x3] =	sbarrier.arrive $0xFFFF;
	s2 =	simm.s32 @!p0 $0x1C01  }
0x135: {  	[timem:s3], [sflag:s2] =	dma.local @!p0 [hbm:s0], s1  }
0x136: {  	s0 =	simm.s32 @!p0 $0x1  }
0x137: {  	_ =	swait.ge @!p0 [sflag:s0], s1  }
0x138: {  	s1 =	ssub.s32 @!p0 $0x0, s1;
	[sflag:s0] =	ssyncset.done @!p0 $0x0  }
0x139: {  	[sflag:s0] =	ssyncadd.s32 @!p0 s1  }
0x13a: {  	[bflag:$0x3] =	sbarrier.arrive $0xFFFF  }
0x13b: {  	_ =	shalt  }

</sc_bundles>
